<compile_context>
chip_gen: v7x
topology: tpu7x:2x2x1
jax: 0.10.2.dev20260603
libtpu: 0.0.44.dev20260713+nightly
codegen_flags: <defaults>
</compile_context>

<pallas_src>
import functools

import jax
import jax.numpy as jnp
import numpy as np
from jax import lax
from jax.experimental import pallas as pl
from jax.experimental.pallas import tpu as pltpu
from jax.experimental.pallas import tpu_sc as plsc

_BATCH = 16
_PATCHES = 2048
_EMBED = 1024
_MASK_RATIO = 0.75
_NUM_MASKED = int(_MASK_RATIO * _PATCHES)
_ROWS = _BATCH * _PATCHES

_NW = 32
_M_PER_W = _BATCH * _NUM_MASKED // _NW
_K_PER_W = (_ROWS - _BATCH * _NUM_MASKED) // _NW
_ZCHUNK = 48
_KCHUNK = 16
_NBUF = 4
_M_CHUNKS = _M_PER_W // _ZCHUNK
_K_CHUNKS = _K_PER_W // _KCHUNK


@functools.lru_cache(maxsize=1)
def _static_mask():
    cpu = jax.local_devices(backend="cpu")[0]
    with jax.ensure_compile_time_eval(), jax.default_device(cpu):
        pkey = jax.random.key(42)
        keys = jax.random.split(pkey, _BATCH)
        perms = jax.vmap(lambda k: jax.random.permutation(k, _PATCHES))(keys)
        perms = np.asarray(perms)
    mask_indices = perms[:, :_NUM_MASKED].astype(np.int32)
    base = (np.arange(_BATCH, dtype=np.int32) * _PATCHES)[:, None]
    masked_gid = (base + mask_indices).reshape(-1)
    kept_gid = (base + perms[:, _NUM_MASKED:].astype(np.int32)).reshape(-1)
    midx = masked_gid.reshape(_NW, _M_CHUNKS, _ZCHUNK)
    kidx = kept_gid.reshape(_NW, _K_CHUNKS, _KCHUNK)
    return mask_indices, midx, kidx


def _sc_body(x_hbm, midx_hbm, kidx_hbm, zsrc_hbm, out_hbm,
             midx_v, kidx_v, zbuf, rb0, rb1, rb2, rb3,
             sem_z, sg0, sg1, sg2, sg3, ss0, ss1, ss2, ss3):
    wid = lax.axis_index("s") * 2 + lax.axis_index("c")
    pltpu.sync_copy(midx_hbm.at[wid], midx_v)
    pltpu.sync_copy(kidx_hbm.at[wid], kidx_v)
    pltpu.sync_copy(zsrc_hbm, zbuf)
    rbufs = [rb0, rb1, rb2, rb3]
    sem_g = [sg0, sg1, sg2, sg3]
    sem_s = [ss0, ss1, ss2, ss3]
    gathers = [
        pltpu.make_async_copy(
            x_hbm.at[kidx_v.at[c]], rbufs[c % _NBUF], sem_g[c % _NBUF])
        for c in range(_K_CHUNKS)
    ]
    scatters = [
        pltpu.make_async_copy(
            rbufs[c % _NBUF], out_hbm.at[kidx_v.at[c]], sem_s[c % _NBUF])
        for c in range(_K_CHUNKS)
    ]
    zcopies = [
        pltpu.make_async_copy(zbuf, out_hbm.at[midx_v.at[c]], sem_z)
        for c in range(_M_CHUNKS)
    ]
    for cp in zcopies:
        cp.start()
    for c in range(_K_CHUNKS):
        if c >= _NBUF:
            scatters[c - _NBUF].wait()
        gathers[c].start()
        if c >= 1:
            gathers[c - 1].wait()
            scatters[c - 1].start()
    gathers[_K_CHUNKS - 1].wait()
    scatters[_K_CHUNKS - 1].start()
    for c in range(_K_CHUNKS - _NBUF + 1, _K_CHUNKS):
        scatters[c].wait()
    for cp in zcopies:
        cp.wait()


def _copy_kernel(x_ref, c_ref):
    c_ref[0] = x_ref[0]


def kernel(x):
    mask_indices, midx, kidx = _static_mask()
    x2 = x.reshape(_ROWS, _EMBED)
    mesh = plsc.VectorSubcoreMesh(core_axis_name="c", subcore_axis_name="s")
    sc_call = functools.partial(
        pl.kernel,
        mesh=mesh,
        out_type=jax.ShapeDtypeStruct((_ROWS, _EMBED), jnp.float32),
        scratch_types=[
            pltpu.VMEM((_M_CHUNKS, _ZCHUNK), jnp.int32),
            pltpu.VMEM((_K_CHUNKS, _KCHUNK), jnp.int32),
            pltpu.VMEM((_ZCHUNK, _EMBED), jnp.float32),
            pltpu.VMEM((_KCHUNK, _EMBED), jnp.float32),
            pltpu.VMEM((_KCHUNK, _EMBED), jnp.float32),
            pltpu.VMEM((_KCHUNK, _EMBED), jnp.float32),
            pltpu.VMEM((_KCHUNK, _EMBED), jnp.float32),
            pltpu.SemaphoreType.DMA,
            pltpu.SemaphoreType.DMA,
            pltpu.SemaphoreType.DMA,
            pltpu.SemaphoreType.DMA,
            pltpu.SemaphoreType.DMA,
            pltpu.SemaphoreType.DMA,
            pltpu.SemaphoreType.DMA,
            pltpu.SemaphoreType.DMA,
            pltpu.SemaphoreType.DMA,
        ],
    )(_sc_body)
    x_original = pl.pallas_call(
        _copy_kernel,
        grid=(_BATCH,),
        in_specs=[pl.BlockSpec((1, _PATCHES, _EMBED), lambda i: (i, 0, 0))],
        out_specs=pl.BlockSpec((1, _PATCHES, _EMBED), lambda i: (i, 0, 0)),
        out_shape=jax.ShapeDtypeStruct((_BATCH, _PATCHES, _EMBED), jnp.float32),
    )(x)
    masked2 = sc_call(
        x2,
        jnp.asarray(midx),
        jnp.asarray(kidx),
        jnp.zeros((_ZCHUNK, _EMBED), jnp.float32),
    )
    masked_x = masked2.reshape(_BATCH, _PATCHES, _EMBED)
    return (masked_x, jnp.asarray(mask_indices), x_original)

# --- scband reference (transcript-rebuilt; emitter-appended) ---
"""Pipeline reference for scband-time-patch-masking-58944131170363 (READ-ONLY COPY).

The authoritative reference and input builder live on the scoring server;
editing this copy changes nothing except your own understanding.
"""

import jax, jax.numpy as jnp
import numpy as np

MASK_RATIO = 0.75

def setup_inputs(seed: int = 0) -> dict:
    key = jax.random.key(seed)
    x = jax.random.normal(key, (16, 2048, 1024), dtype=jnp.float32)
    return {"x": x}

def reference(x):
    batch_size, num_patches, embed_dim = x.shape
    num_masked = int(MASK_RATIO * num_patches)
    # torch.randperm per batch element -> jax.random.permutation per batch element
    pkey = jax.random.key(42)
    keys = jax.random.split(pkey, batch_size)
    perms = jax.vmap(lambda k: jax.random.permutation(k, num_patches))(keys)
    mask_indices = perms[:, :num_masked]  # [batch_size, num_masked], int32
    x_original = x  # clone semantics: functional copy
    batch_idx = jnp.arange(batch_size)[:, None]
    # scatter-overwrite: masked_x[i, mask_indices[i]] = 0
    masked_x = x.at[batch_idx, mask_indices].set(0.0)
    return (masked_x, mask_indices, x_original)

if __name__ == "__main__":
    import jax
    _d = setup_inputs()
    print(jax.jit(kernel)(*tuple(_d.values())))

</pallas_src>

<mosaic_0001>
#map = affine_map<(d0, d1) -> (0, 0)>
#map1 = affine_map<(d0, d1) -> (0, 0, 0)>
module attributes {stable_mosaic.version = 14 : i64} {
  func.func @_sc_body(%arg0: i32, %arg1: i32, %arg2: memref<32768x1024xf32, #tpu.memory_space<hbm>>, %arg3: memref<32x16x48xi32, #tpu.memory_space<hbm>>, %arg4: memref<32x16x16xi32, #tpu.memory_space<hbm>>, %arg5: memref<48x1024xf32, #tpu.memory_space<hbm>>, %arg6: memref<32768x1024xf32, #tpu.memory_space<hbm>>, %arg7: memref<16x48xi32, #tpu.memory_space<vmem>>, %arg8: memref<16x16xi32, #tpu.memory_space<vmem>>, %arg9: memref<48x1024xf32, #tpu.memory_space<vmem>>, %arg10: memref<16x1024xf32, #tpu.memory_space<vmem>>, %arg11: memref<16x1024xf32, #tpu.memory_space<vmem>>, %arg12: memref<16x1024xf32, #tpu.memory_space<vmem>>, %arg13: memref<16x1024xf32, #tpu.memory_space<vmem>>, %arg14: memref<!tpu.dma_semaphore, #tpu.memory_space<semaphore_mem>>, %arg15: memref<!tpu.dma_semaphore, #tpu.memory_space<semaphore_mem>>, %arg16: memref<!tpu.dma_semaphore, #tpu.memory_space<semaphore_mem>>, %arg17: memref<!tpu.dma_semaphore, #tpu.memory_space<semaphore_mem>>, %arg18: memref<!tpu.dma_semaphore, #tpu.memory_space<semaphore_mem>>, %arg19: memref<!tpu.dma_semaphore, #tpu.memory_space<semaphore_mem>>, %arg20: memref<!tpu.dma_semaphore, #tpu.memory_space<semaphore_mem>>, %arg21: memref<!tpu.dma_semaphore, #tpu.memory_space<semaphore_mem>>, %arg22: memref<!tpu.dma_semaphore, #tpu.memory_space<semaphore_mem>>) attributes {dimension_semantics = [#tpu.dimension_semantics<core_parallel>, #tpu.dimension_semantics<subcore_parallel>], iteration_bounds = array<i64: 2, 16>, scalar_prefetch = 0 : i64, scratch_operands = 16 : i64, tpu.core_type = #tpu.core_type<sc_vector_subcore>, window_params = [{transform_indices = #map}, {transform_indices = #map1}, {transform_indices = #map1}, {transform_indices = #map}, {transform_indices = #map}]} {
    %mul3A = arith.constant 2 : i32
    %mul3A_0 = arith.muli %arg1, %mul3A : i32
    %add3A = arith.addi %mul3A_0, %arg0 : i32
    "tpu.region"() ({
      %run_scoped3A = tpu.sem_alloc : memref<!tpu.dma_semaphore, #tpu.memory_space<semaphore_mem>>
      %dma_start3A_664 = arith.constant 0 : i32
      %dma_start3A_665 = arith.constant 0 : i32
      %dma_start3A_666 = tpu.memref_slice %arg3[%add3A, %dma_start3A_664, %dma_start3A_665] : memref<32x16x48xi32, #tpu.memory_space<hbm>> -> memref<1x16x48xi32, #tpu.memory_space<hbm>>
      %dma_start3A_667 = tpu.memref_squeeze %dma_start3A_666 : memref<1x16x48xi32, #tpu.memory_space<hbm>> -> memref<16x48xi32, #tpu.memory_space<hbm>>
      %dma_start3A_668 = arith.constant 0 : i32
      %dma_start3A_669 = arith.constant 0 : i32
      %dma_start3A_670 = tpu.memref_slice %arg3[%add3A, %dma_start3A_668, %dma_start3A_669] : memref<32x16x48xi32, #tpu.memory_space<hbm>> -> memref<1x16x48xi32, #tpu.memory_space<hbm>>
      %dma_start3A_671 = tpu.memref_squeeze %dma_start3A_670 : memref<1x16x48xi32, #tpu.memory_space<hbm>> -> memref<16x48xi32, #tpu.memory_space<hbm>>
      tpu.enqueue_dma source(%dma_start3A_671 : memref<16x48xi32, #tpu.memory_space<hbm>>) target(%arg7 : memref<16x48xi32, #tpu.memory_space<vmem>>) target_semaphore(%run_scoped3A : memref<!tpu.dma_semaphore, #tpu.memory_space<semaphore_mem>>)
      %dma_wait3A_672 = arith.constant 0 : i32
      %dma_wait3A_673 = arith.constant 0 : i32
      %dma_wait3A_674 = tpu.memref_slice %arg3[%add3A, %dma_wait3A_672, %dma_wait3A_673] : memref<32x16x48xi32, #tpu.memory_space<hbm>> -> memref<1x16x48xi32, #tpu.memory_space<hbm>>
      %dma_wait3A_675 = tpu.memref_squeeze %dma_wait3A_674 : memref<1x16x48xi32, #tpu.memory_space<hbm>> -> memref<16x48xi32, #tpu.memory_space<hbm>>
      %dma_wait3A_676 = arith.constant 0 : i32
      %dma_wait3A_677 = arith.constant 0 : i32
      %dma_wait3A_678 = tpu.memref_slice %arg3[%add3A, %dma_wait3A_676, %dma_wait3A_677] : memref<32x16x48xi32, #tpu.memory_space<hbm>> -> memref<1x16x48xi32, #tpu.memory_space<hbm>>
      %dma_wait3A_679 = tpu.memref_squeeze %dma_wait3A_678 : memref<1x16x48xi32, #tpu.memory_space<hbm>> -> memref<16x48xi32, #tpu.memory_space<hbm>>
      tpu.wait_dma2 semaphore(%run_scoped3A : memref<!tpu.dma_semaphore, #tpu.memory_space<semaphore_mem>>) src(%dma_wait3A_679 : memref<16x48xi32, #tpu.memory_space<hbm>>) dst(%arg7 : memref<16x48xi32, #tpu.memory_space<vmem>>)
      tpu.yield
    }) : () -> ()
    "tpu.region"() ({
      %run_scoped3A = tpu.sem_alloc : memref<!tpu.dma_semaphore, #tpu.memory_space<semaphore_mem>>
      %dma_start3A_664 = arith.constant 0 : i32
      %dma_start3A_665 = arith.constant 0 : i32
      %dma_start3A_666 = tpu.memref_slice %arg4[%add3A, %dma_start3A_664, %dma_start3A_665] : memref<32x16x16xi32, #tpu.memory_space<hbm>> -> memref<1x16x16xi32, #tpu.memory_space<hbm>>
      %dma_start3A_667 = tpu.memref_squeeze %dma_start3A_666 : memref<1x16x16xi32, #tpu.memory_space<hbm>> -> memref<16x16xi32, #tpu.memory_space<hbm>>
      %dma_start3A_668 = arith.constant 0 : i32
      %dma_start3A_669 = arith.constant 0 : i32
      %dma_start3A_670 = tpu.memref_slice %arg4[%add3A, %dma_start3A_668, %dma_start3A_669] : memref<32x16x16xi32, #tpu.memory_space<hbm>> -> memref<1x16x16xi32, #tpu.memory_space<hbm>>
      %dma_start3A_671 = tpu.memref_squeeze %dma_start3A_670 : memref<1x16x16xi32, #tpu.memory_space<hbm>> -> memref<16x16xi32, #tpu.memory_space<hbm>>
      tpu.enqueue_dma source(%dma_start3A_671 : memref<16x16xi32, #tpu.memory_space<hbm>>) target(%arg8 : memref<16x16xi32, #tpu.memory_space<vmem>>) target_semaphore(%run_scoped3A : memref<!tpu.dma_semaphore, #tpu.memory_space<semaphore_mem>>)
      %dma_wait3A_672 = arith.constant 0 : i32
      %dma_wait3A_673 = arith.constant 0 : i32
      %dma_wait3A_674 = tpu.memref_slice %arg4[%add3A, %dma_wait3A_672, %dma_wait3A_673] : memref<32x16x16xi32, #tpu.memory_space<hbm>> -> memref<1x16x16xi32, #tpu.memory_space<hbm>>
      %dma_wait3A_675 = tpu.memref_squeeze %dma_wait3A_674 : memref<1x16x16xi32, #tpu.memory_space<hbm>> -> memref<16x16xi32, #tpu.memory_space<hbm>>
      %dma_wait3A_676 = arith.constant 0 : i32
      %dma_wait3A_677 = arith.constant 0 : i32
      %dma_wait3A_678 = tpu.memref_slice %arg4[%add3A, %dma_wait3A_676, %dma_wait3A_677] : memref<32x16x16xi32, #tpu.memory_space<hbm>> -> memref<1x16x16xi32, #tpu.memory_space<hbm>>
      %dma_wait3A_679 = tpu.memref_squeeze %dma_wait3A_678 : memref<1x16x16xi32, #tpu.memory_space<hbm>> -> memref<16x16xi32, #tpu.memory_space<hbm>>
      tpu.wait_dma2 semaphore(%run_scoped3A : memref<!tpu.dma_semaphore, #tpu.memory_space<semaphore_mem>>) src(%dma_wait3A_679 : memref<16x16xi32, #tpu.memory_space<hbm>>) dst(%arg8 : memref<16x16xi32, #tpu.memory_space<vmem>>)
      tpu.yield
    }) : () -> ()
    "tpu.region"() ({
      %run_scoped3A = tpu.sem_alloc : memref<!tpu.dma_semaphore, #tpu.memory_space<semaphore_mem>>
      tpu.enqueue_dma source(%arg5 : memref<48x1024xf32, #tpu.memory_space<hbm>>) target(%arg9 : memref<48x1024xf32, #tpu.memory_space<vmem>>) target_semaphore(%run_scoped3A : memref<!tpu.dma_semaphore, #tpu.memory_space<semaphore_mem>>)
      tpu.wait_dma2 semaphore(%run_scoped3A : memref<!tpu.dma_semaphore, #tpu.memory_space<semaphore_mem>>) src(%arg5 : memref<48x1024xf32, #tpu.memory_space<hbm>>) dst(%arg9 : memref<48x1024xf32, #tpu.memory_space<vmem>>)
      tpu.yield
    }) : () -> ()
    %dma_start3A = arith.constant 0 : i32
    %dma_start3A_1 = arith.constant 0 : i32
    %dma_start3A_2 = tpu.memref_slice %arg7[%dma_start3A, %dma_start3A_1] : memref<16x48xi32, #tpu.memory_space<vmem>> -> memref<1x48xi32, #tpu.memory_space<vmem>>
    %dma_start3A_3 = tpu.memref_squeeze %dma_start3A_2 : memref<1x48xi32, #tpu.memory_space<vmem>> -> memref<48xi32, #tpu.memory_space<vmem>>
    %dma_start3A_4 = arith.constant 0 : i32
    %dma_start3A_5 = arith.constant 0 : i32
    %dma_start3A_6 = tpu.memref_slice %arg6[%dma_start3A_4, %dma_start3A_5] : memref<32768x1024xf32, #tpu.memory_space<hbm>> -> memref<32768x1024xf32, #tpu.memory_space<hbm>>
    tpu.enqueue_indirect_dma source(%arg9 : memref<48x1024xf32, #tpu.memory_space<vmem>>) target(%dma_start3A_6 : memref<32768x1024xf32, #tpu.memory_space<hbm>>) offsets(%dma_start3A_3 : memref<48xi32, #tpu.memory_space<vmem>>) semaphore(%arg14 : memref<!tpu.dma_semaphore, #tpu.memory_space<semaphore_mem>>)
    %dma_start3A_7 = arith.constant 1 : i32
    %dma_start3A_8 = arith.constant 0 : i32
    %dma_start3A_9 = tpu.memref_slice %arg7[%dma_start3A_7, %dma_start3A_8] : memref<16x48xi32, #tpu.memory_space<vmem>> -> memref<1x48xi32, #tpu.memory_space<vmem>>
    %dma_start3A_10 = tpu.memref_squeeze %dma_start3A_9 : memref<1x48xi32, #tpu.memory_space<vmem>> -> memref<48xi32, #tpu.memory_space<vmem>>
    %dma_start3A_11 = arith.constant 0 : i32
    %dma_start3A_12 = arith.constant 0 : i32
    %dma_start3A_13 = tpu.memref_slice %arg6[%dma_start3A_11, %dma_start3A_12] : memref<32768x1024xf32, #tpu.memory_space<hbm>> -> memref<32768x1024xf32, #tpu.memory_space<hbm>>
    tpu.enqueue_indirect_dma source(%arg9 : memref<48x1024xf32, #tpu.memory_space<vmem>>) target(%dma_start3A_13 : memref<32768x1024xf32, #tpu.memory_space<hbm>>) offsets(%dma_start3A_10 : memref<48xi32, #tpu.memory_space<vmem>>) semaphore(%arg14 : memref<!tpu.dma_semaphore, #tpu.memory_space<semaphore_mem>>)
    %dma_start3A_14 = arith.constant 2 : i32
    %dma_start3A_15 = arith.constant 0 : i32
    %dma_start3A_16 = tpu.memref_slice %arg7[%dma_start3A_14, %dma_start3A_15] : memref<16x48xi32, #tpu.memory_space<vmem>> -> memref<1x48xi32, #tpu.memory_space<vmem>>
    %dma_start3A_17 = tpu.memref_squeeze %dma_start3A_16 : memref<1x48xi32, #tpu.memory_space<vmem>> -> memref<48xi32, #tpu.memory_space<vmem>>
    %dma_start3A_18 = arith.constant 0 : i32
    %dma_start3A_19 = arith.constant 0 : i32
    %dma_start3A_20 = tpu.memref_slice %arg6[%dma_start3A_18, %dma_start3A_19] : memref<32768x1024xf32, #tpu.memory_space<hbm>> -> memref<32768x1024xf32, #tpu.memory_space<hbm>>
    tpu.enqueue_indirect_dma source(%arg9 : memref<48x1024xf32, #tpu.memory_space<vmem>>) target(%dma_start3A_20 : memref<32768x1024xf32, #tpu.memory_space<hbm>>) offsets(%dma_start3A_17 : memref<48xi32, #tpu.memory_space<vmem>>) semaphore(%arg14 : memref<!tpu.dma_semaphore, #tpu.memory_space<semaphore_mem>>)
    %dma_start3A_21 = arith.constant 3 : i32
    %dma_start3A_22 = arith.constant 0 : i32
    %dma_start3A_23 = tpu.memref_slice %arg7[%dma_start3A_21, %dma_start3A_22] : memref<16x48xi32, #tpu.memory_space<vmem>> -> memref<1x48xi32, #tpu.memory_space<vmem>>
    %dma_start3A_24 = tpu.memref_squeeze %dma_start3A_23 : memref<1x48xi32, #tpu.memory_space<vmem>> -> memref<48xi32, #tpu.memory_space<vmem>>
    %dma_start3A_25 = arith.constant 0 : i32
    %dma_start3A_26 = arith.constant 0 : i32
    %dma_start3A_27 = tpu.memref_slice %arg6[%dma_start3A_25, %dma_start3A_26] : memref<32768x1024xf32, #tpu.memory_space<hbm>> -> memref<32768x1024xf32, #tpu.memory_space<hbm>>
    tpu.enqueue_indirect_dma source(%arg9 : memref<48x1024xf32, #tpu.memory_space<vmem>>) target(%dma_start3A_27 : memref<32768x1024xf32, #tpu.memory_space<hbm>>) offsets(%dma_start3A_24 : memref<48xi32, #tpu.memory_space<vmem>>) semaphore(%arg14 : memref<!tpu.dma_semaphore, #tpu.memory_space<semaphore_mem>>)
    %dma_start3A_28 = arith.constant 4 : i32
    %dma_start3A_29 = arith.constant 0 : i32
    %dma_start3A_30 = tpu.memref_slice %arg7[%dma_start3A_28, %dma_start3A_29] : memref<16x48xi32, #tpu.memory_space<vmem>> -> memref<1x48xi32, #tpu.memory_space<vmem>>
    %dma_start3A_31 = tpu.memref_squeeze %dma_start3A_30 : memref<1x48xi32, #tpu.memory_space<vmem>> -> memref<48xi32, #tpu.memory_space<vmem>>
    %dma_start3A_32 = arith.constant 0 : i32
    %dma_start3A_33 = arith.constant 0 : i32
    %dma_start3A_34 = tpu.memref_slice %arg6[%dma_start3A_32, %dma_start3A_33] : memref<32768x1024xf32, #tpu.memory_space<hbm>> -> memref<32768x1024xf32, #tpu.memory_space<hbm>>
    tpu.enqueue_indirect_dma source(%arg9 : memref<48x1024xf32, #tpu.memory_space<vmem>>) target(%dma_start3A_34 : memref<32768x1024xf32, #tpu.memory_space<hbm>>) offsets(%dma_start3A_31 : memref<48xi32, #tpu.memory_space<vmem>>) semaphore(%arg14 : memref<!tpu.dma_semaphore, #tpu.memory_space<semaphore_mem>>)
    %dma_start3A_35 = arith.constant 5 : i32
    %dma_start3A_36 = arith.constant 0 : i32
    %dma_start3A_37 = tpu.memref_slice %arg7[%dma_start3A_35, %dma_start3A_36] : memref<16x48xi32, #tpu.memory_space<vmem>> -> memref<1x48xi32, #tpu.memory_space<vmem>>
    %dma_start3A_38 = tpu.memref_squeeze %dma_start3A_37 : memref<1x48xi32, #tpu.memory_space<vmem>> -> memref<48xi32, #tpu.memory_space<vmem>>
    %dma_start3A_39 = arith.constant 0 : i32
    %dma_start3A_40 = arith.constant 0 : i32
    %dma_start3A_41 = tpu.memref_slice %arg6[%dma_start3A_39, %dma_start3A_40] : memref<32768x1024xf32, #tpu.memory_space<hbm>> -> memref<32768x1024xf32, #tpu.memory_space<hbm>>
    tpu.enqueue_indirect_dma source(%arg9 : memref<48x1024xf32, #tpu.memory_space<vmem>>) target(%dma_start3A_41 : memref<32768x1024xf32, #tpu.memory_space<hbm>>) offsets(%dma_start3A_38 : memref<48xi32, #tpu.memory_space<vmem>>) semaphore(%arg14 : memref<!tpu.dma_semaphore, #tpu.memory_space<semaphore_mem>>)
    %dma_start3A_42 = arith.constant 6 : i32
    %dma_start3A_43 = arith.constant 0 : i32
    %dma_start3A_44 = tpu.memref_slice %arg7[%dma_start3A_42, %dma_start3A_43] : memref<16x48xi32, #tpu.memory_space<vmem>> -> memref<1x48xi32, #tpu.memory_space<vmem>>
    %dma_start3A_45 = tpu.memref_squeeze %dma_start3A_44 : memref<1x48xi32, #tpu.memory_space<vmem>> -> memref<48xi32, #tpu.memory_space<vmem>>
    %dma_start3A_46 = arith.constant 0 : i32
    %dma_start3A_47 = arith.constant 0 : i32
    %dma_start3A_48 = tpu.memref_slice %arg6[%dma_start3A_46, %dma_start3A_47] : memref<32768x1024xf32, #tpu.memory_space<hbm>> -> memref<32768x1024xf32, #tpu.memory_space<hbm>>
    tpu.enqueue_indirect_dma source(%arg9 : memref<48x1024xf32, #tpu.memory_space<vmem>>) target(%dma_start3A_48 : memref<32768x1024xf32, #tpu.memory_space<hbm>>) offsets(%dma_start3A_45 : memref<48xi32, #tpu.memory_space<vmem>>) semaphore(%arg14 : memref<!tpu.dma_semaphore, #tpu.memory_space<semaphore_mem>>)
    %dma_start3A_49 = arith.constant 7 : i32
    %dma_start3A_50 = arith.constant 0 : i32
    %dma_start3A_51 = tpu.memref_slice %arg7[%dma_start3A_49, %dma_start3A_50] : memref<16x48xi32, #tpu.memory_space<vmem>> -> memref<1x48xi32, #tpu.memory_space<vmem>>
    %dma_start3A_52 = tpu.memref_squeeze %dma_start3A_51 : memref<1x48xi32, #tpu.memory_space<vmem>> -> memref<48xi32, #tpu.memory_space<vmem>>
    %dma_start3A_53 = arith.constant 0 : i32
    %dma_start3A_54 = arith.constant 0 : i32
    %dma_start3A_55 = tpu.memref_slice %arg6[%dma_start3A_53, %dma_start3A_54] : memref<32768x1024xf32, #tpu.memory_space<hbm>> -> memref<32768x1024xf32, #tpu.memory_space<hbm>>
    tpu.enqueue_indirect_dma source(%arg9 : memref<48x1024xf32, #tpu.memory_space<vmem>>) target(%dma_start3A_55 : memref<32768x1024xf32, #tpu.memory_space<hbm>>) offsets(%dma_start3A_52 : memref<48xi32, #tpu.memory_space<vmem>>) semaphore(%arg14 : memref<!tpu.dma_semaphore, #tpu.memory_space<semaphore_mem>>)
    %dma_start3A_56 = arith.constant 8 : i32
    %dma_start3A_57 = arith.constant 0 : i32
    %dma_start3A_58 = tpu.memref_slice %arg7[%dma_start3A_56, %dma_start3A_57] : memref<16x48xi32, #tpu.memory_space<vmem>> -> memref<1x48xi32, #tpu.memory_space<vmem>>
    %dma_start3A_59 = tpu.memref_squeeze %dma_start3A_58 : memref<1x48xi32, #tpu.memory_space<vmem>> -> memref<48xi32, #tpu.memory_space<vmem>>
    %dma_start3A_60 = arith.constant 0 : i32
    %dma_start3A_61 = arith.constant 0 : i32
    %dma_start3A_62 = tpu.memref_slice %arg6[%dma_start3A_60, %dma_start3A_61] : memref<32768x1024xf32, #tpu.memory_space<hbm>> -> memref<32768x1024xf32, #tpu.memory_space<hbm>>
    tpu.enqueue_indirect_dma source(%arg9 : memref<48x1024xf32, #tpu.memory_space<vmem>>) target(%dma_start3A_62 : memref<32768x1024xf32, #tpu.memory_space<hbm>>) offsets(%dma_start3A_59 : memref<48xi32, #tpu.memory_space<vmem>>) semaphore(%arg14 : memref<!tpu.dma_semaphore, #tpu.memory_space<semaphore_mem>>)
    %dma_start3A_63 = arith.constant 9 : i32
    %dma_start3A_64 = arith.constant 0 : i32
    %dma_start3A_65 = tpu.memref_slice %arg7[%dma_start3A_63, %dma_start3A_64] : memref<16x48xi32, #tpu.memory_space<vmem>> -> memref<1x48xi32, #tpu.memory_space<vmem>>
    %dma_start3A_66 = tpu.memref_squeeze %dma_start3A_65 : memref<1x48xi32, #tpu.memory_space<vmem>> -> memref<48xi32, #tpu.memory_space<vmem>>
    %dma_start3A_67 = arith.constant 0 : i32
    %dma_start3A_68 = arith.constant 0 : i32
    %dma_start3A_69 = tpu.memref_slice %arg6[%dma_start3A_67, %dma_start3A_68] : memref<32768x1024xf32, #tpu.memory_space<hbm>> -> memref<32768x1024xf32, #tpu.memory_space<hbm>>
    tpu.enqueue_indirect_dma source(%arg9 : memref<48x1024xf32, #tpu.memory_space<vmem>>) target(%dma_start3A_69 : memref<32768x1024xf32, #tpu.memory_space<hbm>>) offsets(%dma_start3A_66 : memref<48xi32, #tpu.memory_space<vmem>>) semaphore(%arg14 : memref<!tpu.dma_semaphore, #tpu.memory_space<semaphore_mem>>)
    %dma_start3A_70 = arith.constant 10 : i32
    %dma_start3A_71 = arith.constant 0 : i32
    %dma_start3A_72 = tpu.memref_slice %arg7[%dma_start3A_70, %dma_start3A_71] : memref<16x48xi32, #tpu.memory_space<vmem>> -> memref<1x48xi32, #tpu.memory_space<vmem>>
    %dma_start3A_73 = tpu.memref_squeeze %dma_start3A_72 : memref<1x48xi32, #tpu.memory_space<vmem>> -> memref<48xi32, #tpu.memory_space<vmem>>
    %dma_start3A_74 = arith.constant 0 : i32
    %dma_start3A_75 = arith.constant 0 : i32
    %dma_start3A_76 = tpu.memref_slice %arg6[%dma_start3A_74, %dma_start3A_75] : memref<32768x1024xf32, #tpu.memory_space<hbm>> -> memref<32768x1024xf32, #tpu.memory_space<hbm>>
    tpu.enqueue_indirect_dma source(%arg9 : memref<48x1024xf32, #tpu.memory_space<vmem>>) target(%dma_start3A_76 : memref<32768x1024xf32, #tpu.memory_space<hbm>>) offsets(%dma_start3A_73 : memref<48xi32, #tpu.memory_space<vmem>>) semaphore(%arg14 : memref<!tpu.dma_semaphore, #tpu.memory_space<semaphore_mem>>)
    %dma_start3A_77 = arith.constant 11 : i32
    %dma_start3A_78 = arith.constant 0 : i32
    %dma_start3A_79 = tpu.memref_slice %arg7[%dma_start3A_77, %dma_start3A_78] : memref<16x48xi32, #tpu.memory_space<vmem>> -> memref<1x48xi32, #tpu.memory_space<vmem>>
    %dma_start3A_80 = tpu.memref_squeeze %dma_start3A_79 : memref<1x48xi32, #tpu.memory_space<vmem>> -> memref<48xi32, #tpu.memory_space<vmem>>
    %dma_start3A_81 = arith.constant 0 : i32
    %dma_start3A_82 = arith.constant 0 : i32
    %dma_start3A_83 = tpu.memref_slice %arg6[%dma_start3A_81, %dma_start3A_82] : memref<32768x1024xf32, #tpu.memory_space<hbm>> -> memref<32768x1024xf32, #tpu.memory_space<hbm>>
    tpu.enqueue_indirect_dma source(%arg9 : memref<48x1024xf32, #tpu.memory_space<vmem>>) target(%dma_start3A_83 : memref<32768x1024xf32, #tpu.memory_space<hbm>>) offsets(%dma_start3A_80 : memref<48xi32, #tpu.memory_space<vmem>>) semaphore(%arg14 : memref<!tpu.dma_semaphore, #tpu.memory_space<semaphore_mem>>)
    %dma_start3A_84 = arith.constant 12 : i32
    %dma_start3A_85 = arith.constant 0 : i32
    %dma_start3A_86 = tpu.memref_slice %arg7[%dma_start3A_84, %dma_start3A_85] : memref<16x48xi32, #tpu.memory_space<vmem>> -> memref<1x48xi32, #tpu.memory_space<vmem>>
    %dma_start3A_87 = tpu.memref_squeeze %dma_start3A_86 : memref<1x48xi32, #tpu.memory_space<vmem>> -> memref<48xi32, #tpu.memory_space<vmem>>
    %dma_start3A_88 = arith.constant 0 : i32
    %dma_start3A_89 = arith.constant 0 : i32
    %dma_start3A_90 = tpu.memref_slice %arg6[%dma_start3A_88, %dma_start3A_89] : memref<32768x1024xf32, #tpu.memory_space<hbm>> -> memref<32768x1024xf32, #tpu.memory_space<hbm>>
    tpu.enqueue_indirect_dma source(%arg9 : memref<48x1024xf32, #tpu.memory_space<vmem>>) target(%dma_start3A_90 : memref<32768x1024xf32, #tpu.memory_space<hbm>>) offsets(%dma_start3A_87 : memref<48xi32, #tpu.memory_space<vmem>>) semaphore(%arg14 : memref<!tpu.dma_semaphore, #tpu.memory_space<semaphore_mem>>)
    %dma_start3A_91 = arith.constant 13 : i32
    %dma_start3A_92 = arith.constant 0 : i32
    %dma_start3A_93 = tpu.memref_slice %arg7[%dma_start3A_91, %dma_start3A_92] : memref<16x48xi32, #tpu.memory_space<vmem>> -> memref<1x48xi32, #tpu.memory_space<vmem>>
    %dma_start3A_94 = tpu.memref_squeeze %dma_start3A_93 : memref<1x48xi32, #tpu.memory_space<vmem>> -> memref<48xi32, #tpu.memory_space<vmem>>
    %dma_start3A_95 = arith.constant 0 : i32
    %dma_start3A_96 = arith.constant 0 : i32
    %dma_start3A_97 = tpu.memref_slice %arg6[%dma_start3A_95, %dma_start3A_96] : memref<32768x1024xf32, #tpu.memory_space<hbm>> -> memref<32768x1024xf32, #tpu.memory_space<hbm>>
    tpu.enqueue_indirect_dma source(%arg9 : memref<48x1024xf32, #tpu.memory_space<vmem>>) target(%dma_start3A_97 : memref<32768x1024xf32, #tpu.memory_space<hbm>>) offsets(%dma_start3A_94 : memref<48xi32, #tpu.memory_space<vmem>>) semaphore(%arg14 : memref<!tpu.dma_semaphore, #tpu.memory_space<semaphore_mem>>)
    %dma_start3A_98 = arith.constant 14 : i32
    %dma_start3A_99 = arith.constant 0 : i32
    %dma_start3A_100 = tpu.memref_slice %arg7[%dma_start3A_98, %dma_start3A_99] : memref<16x48xi32, #tpu.memory_space<vmem>> -> memref<1x48xi32, #tpu.memory_space<vmem>>
    %dma_start3A_101 = tpu.memref_squeeze %dma_start3A_100 : memref<1x48xi32, #tpu.memory_space<vmem>> -> memref<48xi32, #tpu.memory_space<vmem>>
    %dma_start3A_102 = arith.constant 0 : i32
    %dma_start3A_103 = arith.constant 0 : i32
    %dma_start3A_104 = tpu.memref_slice %arg6[%dma_start3A_102, %dma_start3A_103] : memref<32768x1024xf32, #tpu.memory_space<hbm>> -> memref<32768x1024xf32, #tpu.memory_space<hbm>>
    tpu.enqueue_indirect_dma source(%arg9 : memref<48x1024xf32, #tpu.memory_space<vmem>>) target(%dma_start3A_104 : memref<32768x1024xf32, #tpu.memory_space<hbm>>) offsets(%dma_start3A_101 : memref<48xi32, #tpu.memory_space<vmem>>) semaphore(%arg14 : memref<!tpu.dma_semaphore, #tpu.memory_space<semaphore_mem>>)
    %dma_start3A_105 = arith.constant 15 : i32
    %dma_start3A_106 = arith.constant 0 : i32
    %dma_start3A_107 = tpu.memref_slice %arg7[%dma_start3A_105, %dma_start3A_106] : memref<16x48xi32, #tpu.memory_space<vmem>> -> memref<1x48xi32, #tpu.memory_space<vmem>>
    %dma_start3A_108 = tpu.memref_squeeze %dma_start3A_107 : memref<1x48xi32, #tpu.memory_space<vmem>> -> memref<48xi32, #tpu.memory_space<vmem>>
    %dma_start3A_109 = arith.constant 0 : i32
    %dma_start3A_110 = arith.constant 0 : i32
    %dma_start3A_111 = tpu.memref_slice %arg6[%dma_start3A_109, %dma_start3A_110] : memref<32768x1024xf32, #tpu.memory_space<hbm>> -> memref<32768x1024xf32, #tpu.memory_space<hbm>>
    tpu.enqueue_indirect_dma source(%arg9 : memref<48x1024xf32, #tpu.memory_space<vmem>>) target(%dma_start3A_111 : memref<32768x1024xf32, #tpu.memory_space<hbm>>) offsets(%dma_start3A_108 : memref<48xi32, #tpu.memory_space<vmem>>) semaphore(%arg14 : memref<!tpu.dma_semaphore, #tpu.memory_space<semaphore_mem>>)
    %dma_start3A_112 = arith.constant 0 : i32
    %dma_start3A_113 = arith.constant 0 : i32
    %dma_start3A_114 = tpu.memref_slice %arg8[%dma_start3A_112, %dma_start3A_113] : memref<16x16xi32, #tpu.memory_space<vmem>> -> memref<1x16xi32, #tpu.memory_space<vmem>>
    %dma_start3A_115 = tpu.memref_squeeze %dma_start3A_114 : memref<1x16xi32, #tpu.memory_space<vmem>> -> memref<16xi32, #tpu.memory_space<vmem>>
    %dma_start3A_116 = arith.constant 0 : i32
    %dma_start3A_117 = arith.constant 0 : i32
    %dma_start3A_118 = tpu.memref_slice %arg2[%dma_start3A_116, %dma_start3A_117] : memref<32768x1024xf32, #tpu.memory_space<hbm>> -> memref<32768x1024xf32, #tpu.memory_space<hbm>>
    tpu.enqueue_indirect_dma source(%dma_start3A_118 : memref<32768x1024xf32, #tpu.memory_space<hbm>>) target(%arg10 : memref<16x1024xf32, #tpu.memory_space<vmem>>) offsets(%dma_start3A_115 : memref<16xi32, #tpu.memory_space<vmem>>) semaphore(%arg15 : memref<!tpu.dma_semaphore, #tpu.memory_space<semaphore_mem>>)
    %dma_start3A_119 = arith.constant 1 : i32
    %dma_start3A_120 = arith.constant 0 : i32
    %dma_start3A_121 = tpu.memref_slice %arg8[%dma_start3A_119, %dma_start3A_120] : memref<16x16xi32, #tpu.memory_space<vmem>> -> memref<1x16xi32, #tpu.memory_space<vmem>>
    %dma_start3A_122 = tpu.memref_squeeze %dma_start3A_121 : memref<1x16xi32, #tpu.memory_space<vmem>> -> memref<16xi32, #tpu.memory_space<vmem>>
    %dma_start3A_123 = arith.constant 0 : i32
    %dma_start3A_124 = arith.constant 0 : i32
    %dma_start3A_125 = tpu.memref_slice %arg2[%dma_start3A_123, %dma_start3A_124] : memref<32768x1024xf32, #tpu.memory_space<hbm>> -> memref<32768x1024xf32, #tpu.memory_space<hbm>>
    tpu.enqueue_indirect_dma source(%dma_start3A_125 : memref<32768x1024xf32, #tpu.memory_space<hbm>>) target(%arg11 : memref<16x1024xf32, #tpu.memory_space<vmem>>) offsets(%dma_start3A_122 : memref<16xi32, #tpu.memory_space<vmem>>) semaphore(%arg16 : memref<!tpu.dma_semaphore, #tpu.memory_space<semaphore_mem>>)
    %dma_wait3A = arith.constant 0 : i32
    %dma_wait3A_126 = arith.constant 0 : i32
    %dma_wait3A_127 = tpu.memref_slice %arg8[%dma_wait3A, %dma_wait3A_126] : memref<16x16xi32, #tpu.memory_space<vmem>> -> memref<1x16xi32, #tpu.memory_space<vmem>>
    %dma_wait3A_128 = tpu.memref_squeeze %dma_wait3A_127 : memref<1x16xi32, #tpu.memory_space<vmem>> -> memref<16xi32, #tpu.memory_space<vmem>>
    %dma_wait3A_129 = arith.constant 0 : i32
    %dma_wait3A_130 = arith.constant 0 : i32
    %dma_wait3A_131 = tpu.memref_slice %arg2[%dma_wait3A_129, %dma_wait3A_130] : memref<32768x1024xf32, #tpu.memory_space<hbm>> -> memref<32768x1024xf32, #tpu.memory_space<hbm>>
    tpu.wait_indirect_dma semaphore(%arg15 : memref<!tpu.dma_semaphore, #tpu.memory_space<semaphore_mem>>) src(%dma_wait3A_131 : memref<32768x1024xf32, #tpu.memory_space<hbm>>) dst(%arg10 : memref<16x1024xf32, #tpu.memory_space<vmem>>)
    %dma_start3A_132 = arith.constant 0 : i32
    %dma_start3A_133 = arith.constant 0 : i32
    %dma_start3A_134 = tpu.memref_slice %arg8[%dma_start3A_132, %dma_start3A_133] : memref<16x16xi32, #tpu.memory_space<vmem>> -> memref<1x16xi32, #tpu.memory_space<vmem>>
    %dma_start3A_135 = tpu.memref_squeeze %dma_start3A_134 : memref<1x16xi32, #tpu.memory_space<vmem>> -> memref<16xi32, #tpu.memory_space<vmem>>
    %dma_start3A_136 = arith.constant 0 : i32
    %dma_start3A_137 = arith.constant 0 : i32
    %dma_start3A_138 = tpu.memref_slice %arg6[%dma_start3A_136, %dma_start3A_137] : memref<32768x1024xf32, #tpu.memory_space<hbm>> -> memref<32768x1024xf32, #tpu.memory_space<hbm>>
    tpu.enqueue_indirect_dma source(%arg10 : memref<16x1024xf32, #tpu.memory_space<vmem>>) target(%dma_start3A_138 : memref<32768x1024xf32, #tpu.memory_space<hbm>>) offsets(%dma_start3A_135 : memref<16xi32, #tpu.memory_space<vmem>>) semaphore(%arg19 : memref<!tpu.dma_semaphore, #tpu.memory_space<semaphore_mem>>)
    %dma_start3A_139 = arith.constant 2 : i32
    %dma_start3A_140 = arith.constant 0 : i32
    %dma_start3A_141 = tpu.memref_slice %arg8[%dma_start3A_139, %dma_start3A_140] : memref<16x16xi32, #tpu.memory_space<vmem>> -> memref<1x16xi32, #tpu.memory_space<vmem>>
    %dma_start3A_142 = tpu.memref_squeeze %dma_start3A_141 : memref<1x16xi32, #tpu.memory_space<vmem>> -> memref<16xi32, #tpu.memory_space<vmem>>
    %dma_start3A_143 = arith.constant 0 : i32
    %dma_start3A_144 = arith.constant 0 : i32
    %dma_start3A_145 = tpu.memref_slice %arg2[%dma_start3A_143, %dma_start3A_144] : memref<32768x1024xf32, #tpu.memory_space<hbm>> -> memref<32768x1024xf32, #tpu.memory_space<hbm>>
    tpu.enqueue_indirect_dma source(%dma_start3A_145 : memref<32768x1024xf32, #tpu.memory_space<hbm>>) target(%arg12 : memref<16x1024xf32, #tpu.memory_space<vmem>>) offsets(%dma_start3A_142 : memref<16xi32, #tpu.memory_space<vmem>>) semaphore(%arg17 : memref<!tpu.dma_semaphore, #tpu.memory_space<semaphore_mem>>)
    %dma_wait3A_146 = arith.constant 1 : i32
    %dma_wait3A_147 = arith.constant 0 : i32
    %dma_wait3A_148 = tpu.memref_slice %arg8[%dma_wait3A_146, %dma_wait3A_147] : memref<16x16xi32, #tpu.memory_space<vmem>> -> memref<1x16xi32, #tpu.memory_space<vmem>>
    %dma_wait3A_149 = tpu.memref_squeeze %dma_wait3A_148 : memref<1x16xi32, #tpu.memory_space<vmem>> -> memref<16xi32, #tpu.memory_space<vmem>>
    %dma_wait3A_150 = arith.constant 0 : i32
    %dma_wait3A_151 = arith.constant 0 : i32
    %dma_wait3A_152 = tpu.memref_slice %arg2[%dma_wait3A_150, %dma_wait3A_151] : memref<32768x1024xf32, #tpu.memory_space<hbm>> -> memref<32768x1024xf32, #tpu.memory_space<hbm>>
    tpu.wait_indirect_dma semaphore(%arg16 : memref<!tpu.dma_semaphore, #tpu.memory_space<semaphore_mem>>) src(%dma_wait3A_152 : memref<32768x1024xf32, #tpu.memory_space<hbm>>) dst(%arg11 : memref<16x1024xf32, #tpu.memory_space<vmem>>)
    %dma_start3A_153 = arith.constant 1 : i32
    %dma_start3A_154 = arith.constant 0 : i32
    %dma_start3A_155 = tpu.memref_slice %arg8[%dma_start3A_153, %dma_start3A_154] : memref<16x16xi32, #tpu.memory_space<vmem>> -> memref<1x16xi32, #tpu.memory_space<vmem>>
    %dma_start3A_156 = tpu.memref_squeeze %dma_start3A_155 : memref<1x16xi32, #tpu.memory_space<vmem>> -> memref<16xi32, #tpu.memory_space<vmem>>
    %dma_start3A_157 = arith.constant 0 : i32
    %dma_start3A_158 = arith.constant 0 : i32
    %dma_start3A_159 = tpu.memref_slice %arg6[%dma_start3A_157, %dma_start3A_158] : memref<32768x1024xf32, #tpu.memory_space<hbm>> -> memref<32768x1024xf32, #tpu.memory_space<hbm>>
    tpu.enqueue_indirect_dma source(%arg11 : memref<16x1024xf32, #tpu.memory_space<vmem>>) target(%dma_start3A_159 : memref<32768x1024xf32, #tpu.memory_space<hbm>>) offsets(%dma_start3A_156 : memref<16xi32, #tpu.memory_space<vmem>>) semaphore(%arg20 : memref<!tpu.dma_semaphore, #tpu.memory_space<semaphore_mem>>)
    %dma_start3A_160 = arith.constant 3 : i32
    %dma_start3A_161 = arith.constant 0 : i32
    %dma_start3A_162 = tpu.memref_slice %arg8[%dma_start3A_160, %dma_start3A_161] : memref<16x16xi32, #tpu.memory_space<vmem>> -> memref<1x16xi32, #tpu.memory_space<vmem>>
    %dma_start3A_163 = tpu.memref_squeeze %dma_start3A_162 : memref<1x16xi32, #tpu.memory_space<vmem>> -> memref<16xi32, #tpu.memory_space<vmem>>
    %dma_start3A_164 = arith.constant 0 : i32
    %dma_start3A_165 = arith.constant 0 : i32
    %dma_start3A_166 = tpu.memref_slice %arg2[%dma_start3A_164, %dma_start3A_165] : memref<32768x1024xf32, #tpu.memory_space<hbm>> -> memref<32768x1024xf32, #tpu.memory_space<hbm>>
    tpu.enqueue_indirect_dma source(%dma_start3A_166 : memref<32768x1024xf32, #tpu.memory_space<hbm>>) target(%arg13 : memref<16x1024xf32, #tpu.memory_space<vmem>>) offsets(%dma_start3A_163 : memref<16xi32, #tpu.memory_space<vmem>>) semaphore(%arg18 : memref<!tpu.dma_semaphore, #tpu.memory_space<semaphore_mem>>)
    %dma_wait3A_167 = arith.constant 2 : i32
    %dma_wait3A_168 = arith.constant 0 : i32
    %dma_wait3A_169 = tpu.memref_slice %arg8[%dma_wait3A_167, %dma_wait3A_168] : memref<16x16xi32, #tpu.memory_space<vmem>> -> memref<1x16xi32, #tpu.memory_space<vmem>>
    %dma_wait3A_170 = tpu.memref_squeeze %dma_wait3A_169 : memref<1x16xi32, #tpu.memory_space<vmem>> -> memref<16xi32, #tpu.memory_space<vmem>>
    %dma_wait3A_171 = arith.constant 0 : i32
    %dma_wait3A_172 = arith.constant 0 : i32
    %dma_wait3A_173 = tpu.memref_slice %arg2[%dma_wait3A_171, %dma_wait3A_172] : memref<32768x1024xf32, #tpu.memory_space<hbm>> -> memref<32768x1024xf32, #tpu.memory_space<hbm>>
    tpu.wait_indirect_dma semaphore(%arg17 : memref<!tpu.dma_semaphore, #tpu.memory_space<semaphore_mem>>) src(%dma_wait3A_173 : memref<32768x1024xf32, #tpu.memory_space<hbm>>) dst(%arg12 : memref<16x1024xf32, #tpu.memory_space<vmem>>)
    %dma_start3A_174 = arith.constant 2 : i32
    %dma_start3A_175 = arith.constant 0 : i32
    %dma_start3A_176 = tpu.memref_slice %arg8[%dma_start3A_174, %dma_start3A_175] : memref<16x16xi32, #tpu.memory_space<vmem>> -> memref<1x16xi32, #tpu.memory_space<vmem>>
    %dma_start3A_177 = tpu.memref_squeeze %dma_start3A_176 : memref<1x16xi32, #tpu.memory_space<vmem>> -> memref<16xi32, #tpu.memory_space<vmem>>
    %dma_start3A_178 = arith.constant 0 : i32
    %dma_start3A_179 = arith.constant 0 : i32
    %dma_start3A_180 = tpu.memref_slice %arg6[%dma_start3A_178, %dma_start3A_179] : memref<32768x1024xf32, #tpu.memory_space<hbm>> -> memref<32768x1024xf32, #tpu.memory_space<hbm>>
    tpu.enqueue_indirect_dma source(%arg12 : memref<16x1024xf32, #tpu.memory_space<vmem>>) target(%dma_start3A_180 : memref<32768x1024xf32, #tpu.memory_space<hbm>>) offsets(%dma_start3A_177 : memref<16xi32, #tpu.memory_space<vmem>>) semaphore(%arg21 : memref<!tpu.dma_semaphore, #tpu.memory_space<semaphore_mem>>)
    %dma_wait3A_181 = arith.constant 0 : i32
    %dma_wait3A_182 = arith.constant 0 : i32
    %dma_wait3A_183 = tpu.memref_slice %arg8[%dma_wait3A_181, %dma_wait3A_182] : memref<16x16xi32, #tpu.memory_space<vmem>> -> memref<1x16xi32, #tpu.memory_space<vmem>>
    %dma_wait3A_184 = tpu.memref_squeeze %dma_wait3A_183 : memref<1x16xi32, #tpu.memory_space<vmem>> -> memref<16xi32, #tpu.memory_space<vmem>>
    %dma_wait3A_185 = arith.constant 0 : i32
    %dma_wait3A_186 = arith.constant 0 : i32
    %dma_wait3A_187 = tpu.memref_slice %arg6[%dma_wait3A_185, %dma_wait3A_186] : memref<32768x1024xf32, #tpu.memory_space<hbm>> -> memref<32768x1024xf32, #tpu.memory_space<hbm>>
    tpu.wait_indirect_dma semaphore(%arg19 : memref<!tpu.dma_semaphore, #tpu.memory_space<semaphore_mem>>) src(%arg10 : memref<16x1024xf32, #tpu.memory_space<vmem>>) dst(%dma_wait3A_187 : memref<32768x1024xf32, #tpu.memory_space<hbm>>)
    %dma_start3A_188 = arith.constant 4 : i32
    %dma_start3A_189 = arith.constant 0 : i32
    %dma_start3A_190 = tpu.memref_slice %arg8[%dma_start3A_188, %dma_start3A_189] : memref<16x16xi32, #tpu.memory_space<vmem>> -> memref<1x16xi32, #tpu.memory_space<vmem>>
    %dma_start3A_191 = tpu.memref_squeeze %dma_start3A_190 : memref<1x16xi32, #tpu.memory_space<vmem>> -> memref<16xi32, #tpu.memory_space<vmem>>
    %dma_start3A_192 = arith.constant 0 : i32
    %dma_start3A_193 = arith.constant 0 : i32
    %dma_start3A_194 = tpu.memref_slice %arg2[%dma_start3A_192, %dma_start3A_193] : memref<32768x1024xf32, #tpu.memory_space<hbm>> -> memref<32768x1024xf32, #tpu.memory_space<hbm>>
    tpu.enqueue_indirect_dma source(%dma_start3A_194 : memref<32768x1024xf32, #tpu.memory_space<hbm>>) target(%arg10 : memref<16x1024xf32, #tpu.memory_space<vmem>>) offsets(%dma_start3A_191 : memref<16xi32, #tpu.memory_space<vmem>>) semaphore(%arg15 : memref<!tpu.dma_semaphore, #tpu.memory_space<semaphore_mem>>)
    %dma_wait3A_195 = arith.constant 3 : i32
    %dma_wait3A_196 = arith.constant 0 : i32
    %dma_wait3A_197 = tpu.memref_slice %arg8[%dma_wait3A_195, %dma_wait3A_196] : memref<16x16xi32, #tpu.memory_space<vmem>> -> memref<1x16xi32, #tpu.memory_space<vmem>>
    %dma_wait3A_198 = tpu.memref_squeeze %dma_wait3A_197 : memref<1x16xi32, #tpu.memory_space<vmem>> -> memref<16xi32, #tpu.memory_space<vmem>>
    %dma_wait3A_199 = arith.constant 0 : i32
    %dma_wait3A_200 = arith.constant 0 : i32
    %dma_wait3A_201 = tpu.memref_slice %arg2[%dma_wait3A_199, %dma_wait3A_200] : memref<32768x1024xf32, #tpu.memory_space<hbm>> -> memref<32768x1024xf32, #tpu.memory_space<hbm>>
    tpu.wait_indirect_dma semaphore(%arg18 : memref<!tpu.dma_semaphore, #tpu.memory_space<semaphore_mem>>) src(%dma_wait3A_201 : memref<32768x1024xf32, #tpu.memory_space<hbm>>) dst(%arg13 : memref<16x1024xf32, #tpu.memory_space<vmem>>)
    %dma_start3A_202 = arith.constant 3 : i32
    %dma_start3A_203 = arith.constant 0 : i32
    %dma_start3A_204 = tpu.memref_slice %arg8[%dma_start3A_202, %dma_start3A_203] : memref<16x16xi32, #tpu.memory_space<vmem>> -> memref<1x16xi32, #tpu.memory_space<vmem>>
    %dma_start3A_205 = tpu.memref_squeeze %dma_start3A_204 : memref<1x16xi32, #tpu.memory_space<vmem>> -> memref<16xi32, #tpu.memory_space<vmem>>
    %dma_start3A_206 = arith.constant 0 : i32
    %dma_start3A_207 = arith.constant 0 : i32
    %dma_start3A_208 = tpu.memref_slice %arg6[%dma_start3A_206, %dma_start3A_207] : memref<32768x1024xf32, #tpu.memory_space<hbm>> -> memref<32768x1024xf32, #tpu.memory_space<hbm>>
    tpu.enqueue_indirect_dma source(%arg13 : memref<16x1024xf32, #tpu.memory_space<vmem>>) target(%dma_start3A_208 : memref<32768x1024xf32, #tpu.memory_space<hbm>>) offsets(%dma_start3A_205 : memref<16xi32, #tpu.memory_space<vmem>>) semaphore(%arg22 : memref<!tpu.dma_semaphore, #tpu.memory_space<semaphore_mem>>)
    %dma_wait3A_209 = arith.constant 1 : i32
    %dma_wait3A_210 = arith.constant 0 : i32
    %dma_wait3A_211 = tpu.memref_slice %arg8[%dma_wait3A_209, %dma_wait3A_210] : memref<16x16xi32, #tpu.memory_space<vmem>> -> memref<1x16xi32, #tpu.memory_space<vmem>>
    %dma_wait3A_212 = tpu.memref_squeeze %dma_wait3A_211 : memref<1x16xi32, #tpu.memory_space<vmem>> -> memref<16xi32, #tpu.memory_space<vmem>>
    %dma_wait3A_213 = arith.constant 0 : i32
    %dma_wait3A_214 = arith.constant 0 : i32
    %dma_wait3A_215 = tpu.memref_slice %arg6[%dma_wait3A_213, %dma_wait3A_214] : memref<32768x1024xf32, #tpu.memory_space<hbm>> -> memref<32768x1024xf32, #tpu.memory_space<hbm>>
    tpu.wait_indirect_dma semaphore(%arg20 : memref<!tpu.dma_semaphore, #tpu.memory_space<semaphore_mem>>) src(%arg11 : memref<16x1024xf32, #tpu.memory_space<vmem>>) dst(%dma_wait3A_215 : memref<32768x1024xf32, #tpu.memory_space<hbm>>)
    %dma_start3A_216 = arith.constant 5 : i32
    %dma_start3A_217 = arith.constant 0 : i32
    %dma_start3A_218 = tpu.memref_slice %arg8[%dma_start3A_216, %dma_start3A_217] : memref<16x16xi32, #tpu.memory_space<vmem>> -> memref<1x16xi32, #tpu.memory_space<vmem>>
    %dma_start3A_219 = tpu.memref_squeeze %dma_start3A_218 : memref<1x16xi32, #tpu.memory_space<vmem>> -> memref<16xi32, #tpu.memory_space<vmem>>
    %dma_start3A_220 = arith.constant 0 : i32
    %dma_start3A_221 = arith.constant 0 : i32
    %dma_start3A_222 = tpu.memref_slice %arg2[%dma_start3A_220, %dma_start3A_221] : memref<32768x1024xf32, #tpu.memory_space<hbm>> -> memref<32768x1024xf32, #tpu.memory_space<hbm>>
    tpu.enqueue_indirect_dma source(%dma_start3A_222 : memref<32768x1024xf32, #tpu.memory_space<hbm>>) target(%arg11 : memref<16x1024xf32, #tpu.memory_space<vmem>>) offsets(%dma_start3A_219 : memref<16xi32, #tpu.memory_space<vmem>>) semaphore(%arg16 : memref<!tpu.dma_semaphore, #tpu.memory_space<semaphore_mem>>)
    %dma_wait3A_223 = arith.constant 4 : i32
    %dma_wait3A_224 = arith.constant 0 : i32
    %dma_wait3A_225 = tpu.memref_slice %arg8[%dma_wait3A_223, %dma_wait3A_224] : memref<16x16xi32, #tpu.memory_space<vmem>> -> memref<1x16xi32, #tpu.memory_space<vmem>>
    %dma_wait3A_226 = tpu.memref_squeeze %dma_wait3A_225 : memref<1x16xi32, #tpu.memory_space<vmem>> -> memref<16xi32, #tpu.memory_space<vmem>>
    %dma_wait3A_227 = arith.constant 0 : i32
    %dma_wait3A_228 = arith.constant 0 : i32
    %dma_wait3A_229 = tpu.memref_slice %arg2[%dma_wait3A_227, %dma_wait3A_228] : memref<32768x1024xf32, #tpu.memory_space<hbm>> -> memref<32768x1024xf32, #tpu.memory_space<hbm>>
    tpu.wait_indirect_dma semaphore(%arg15 : memref<!tpu.dma_semaphore, #tpu.memory_space<semaphore_mem>>) src(%dma_wait3A_229 : memref<32768x1024xf32, #tpu.memory_space<hbm>>) dst(%arg10 : memref<16x1024xf32, #tpu.memory_space<vmem>>)
    %dma_start3A_230 = arith.constant 4 : i32
    %dma_start3A_231 = arith.constant 0 : i32
    %dma_start3A_232 = tpu.memref_slice %arg8[%dma_start3A_230, %dma_start3A_231] : memref<16x16xi32, #tpu.memory_space<vmem>> -> memref<1x16xi32, #tpu.memory_space<vmem>>
    %dma_start3A_233 = tpu.memref_squeeze %dma_start3A_232 : memref<1x16xi32, #tpu.memory_space<vmem>> -> memref<16xi32, #tpu.memory_space<vmem>>
    %dma_start3A_234 = arith.constant 0 : i32
    %dma_start3A_235 = arith.constant 0 : i32
    %dma_start3A_236 = tpu.memref_slice %arg6[%dma_start3A_234, %dma_start3A_235] : memref<32768x1024xf32, #tpu.memory_space<hbm>> -> memref<32768x1024xf32, #tpu.memory_space<hbm>>
    tpu.enqueue_indirect_dma source(%arg10 : memref<16x1024xf32, #tpu.memory_space<vmem>>) target(%dma_start3A_236 : memref<32768x1024xf32, #tpu.memory_space<hbm>>) offsets(%dma_start3A_233 : memref<16xi32, #tpu.memory_space<vmem>>) semaphore(%arg19 : memref<!tpu.dma_semaphore, #tpu.memory_space<semaphore_mem>>)
    %dma_wait3A_237 = arith.constant 2 : i32
    %dma_wait3A_238 = arith.constant 0 : i32
    %dma_wait3A_239 = tpu.memref_slice %arg8[%dma_wait3A_237, %dma_wait3A_238] : memref<16x16xi32, #tpu.memory_space<vmem>> -> memref<1x16xi32, #tpu.memory_space<vmem>>
    %dma_wait3A_240 = tpu.memref_squeeze %dma_wait3A_239 : memref<1x16xi32, #tpu.memory_space<vmem>> -> memref<16xi32, #tpu.memory_space<vmem>>
    %dma_wait3A_241 = arith.constant 0 : i32
    %dma_wait3A_242 = arith.constant 0 : i32
    %dma_wait3A_243 = tpu.memref_slice %arg6[%dma_wait3A_241, %dma_wait3A_242] : memref<32768x1024xf32, #tpu.memory_space<hbm>> -> memref<32768x1024xf32, #tpu.memory_space<hbm>>
    tpu.wait_indirect_dma semaphore(%arg21 : memref<!tpu.dma_semaphore, #tpu.memory_space<semaphore_mem>>) src(%arg12 : memref<16x1024xf32, #tpu.memory_space<vmem>>) dst(%dma_wait3A_243 : memref<32768x1024xf32, #tpu.memory_space<hbm>>)
    %dma_start3A_244 = arith.constant 6 : i32
    %dma_start3A_245 = arith.constant 0 : i32
    %dma_start3A_246 = tpu.memref_slice %arg8[%dma_start3A_244, %dma_start3A_245] : memref<16x16xi32, #tpu.memory_space<vmem>> -> memref<1x16xi32, #tpu.memory_space<vmem>>
    %dma_start3A_247 = tpu.memref_squeeze %dma_start3A_246 : memref<1x16xi32, #tpu.memory_space<vmem>> -> memref<16xi32, #tpu.memory_space<vmem>>
    %dma_start3A_248 = arith.constant 0 : i32
    %dma_start3A_249 = arith.constant 0 : i32
    %dma_start3A_250 = tpu.memref_slice %arg2[%dma_start3A_248, %dma_start3A_249] : memref<32768x1024xf32, #tpu.memory_space<hbm>> -> memref<32768x1024xf32, #tpu.memory_space<hbm>>
    tpu.enqueue_indirect_dma source(%dma_start3A_250 : memref<32768x1024xf32, #tpu.memory_space<hbm>>) target(%arg12 : memref<16x1024xf32, #tpu.memory_space<vmem>>) offsets(%dma_start3A_247 : memref<16xi32, #tpu.memory_space<vmem>>) semaphore(%arg17 : memref<!tpu.dma_semaphore, #tpu.memory_space<semaphore_mem>>)
    %dma_wait3A_251 = arith.constant 5 : i32
    %dma_wait3A_252 = arith.constant 0 : i32
    %dma_wait3A_253 = tpu.memref_slice %arg8[%dma_wait3A_251, %dma_wait3A_252] : memref<16x16xi32, #tpu.memory_space<vmem>> -> memref<1x16xi32, #tpu.memory_space<vmem>>
    %dma_wait3A_254 = tpu.memref_squeeze %dma_wait3A_253 : memref<1x16xi32, #tpu.memory_space<vmem>> -> memref<16xi32, #tpu.memory_space<vmem>>
    %dma_wait3A_255 = arith.constant 0 : i32
    %dma_wait3A_256 = arith.constant 0 : i32
    %dma_wait3A_257 = tpu.memref_slice %arg2[%dma_wait3A_255, %dma_wait3A_256] : memref<32768x1024xf32, #tpu.memory_space<hbm>> -> memref<32768x1024xf32, #tpu.memory_space<hbm>>
    tpu.wait_indirect_dma semaphore(%arg16 : memref<!tpu.dma_semaphore, #tpu.memory_space<semaphore_mem>>) src(%dma_wait3A_257 : memref<32768x1024xf32, #tpu.memory_space<hbm>>) dst(%arg11 : memref<16x1024xf32, #tpu.memory_space<vmem>>)
    %dma_start3A_258 = arith.constant 5 : i32
    %dma_start3A_259 = arith.constant 0 : i32
    %dma_start3A_260 = tpu.memref_slice %arg8[%dma_start3A_258, %dma_start3A_259] : memref<16x16xi32, #tpu.memory_space<vmem>> -> memref<1x16xi32, #tpu.memory_space<vmem>>
    %dma_start3A_261 = tpu.memref_squeeze %dma_start3A_260 : memref<1x16xi32, #tpu.memory_space<vmem>> -> memref<16xi32, #tpu.memory_space<vmem>>
    %dma_start3A_262 = arith.constant 0 : i32
    %dma_start3A_263 = arith.constant 0 : i32
    %dma_start3A_264 = tpu.memref_slice %arg6[%dma_start3A_262, %dma_start3A_263] : memref<32768x1024xf32, #tpu.memory_space<hbm>> -> memref<32768x1024xf32, #tpu.memory_space<hbm>>
    tpu.enqueue_indirect_dma source(%arg11 : memref<16x1024xf32, #tpu.memory_space<vmem>>) target(%dma_start3A_264 : memref<32768x1024xf32, #tpu.memory_space<hbm>>) offsets(%dma_start3A_261 : memref<16xi32, #tpu.memory_space<vmem>>) semaphore(%arg20 : memref<!tpu.dma_semaphore, #tpu.memory_space<semaphore_mem>>)
    %dma_wait3A_265 = arith.constant 3 : i32
    %dma_wait3A_266 = arith.constant 0 : i32
    %dma_wait3A_267 = tpu.memref_slice %arg8[%dma_wait3A_265, %dma_wait3A_266] : memref<16x16xi32, #tpu.memory_space<vmem>> -> memref<1x16xi32, #tpu.memory_space<vmem>>
    %dma_wait3A_268 = tpu.memref_squeeze %dma_wait3A_267 : memref<1x16xi32, #tpu.memory_space<vmem>> -> memref<16xi32, #tpu.memory_space<vmem>>
    %dma_wait3A_269 = arith.constant 0 : i32
    %dma_wait3A_270 = arith.constant 0 : i32
    %dma_wait3A_271 = tpu.memref_slice %arg6[%dma_wait3A_269, %dma_wait3A_270] : memref<32768x1024xf32, #tpu.memory_space<hbm>> -> memref<32768x1024xf32, #tpu.memory_space<hbm>>
    tpu.wait_indirect_dma semaphore(%arg22 : memref<!tpu.dma_semaphore, #tpu.memory_space<semaphore_mem>>) src(%arg13 : memref<16x1024xf32, #tpu.memory_space<vmem>>) dst(%dma_wait3A_271 : memref<32768x1024xf32, #tpu.memory_space<hbm>>)
    %dma_start3A_272 = arith.constant 7 : i32
    %dma_start3A_273 = arith.constant 0 : i32
    %dma_start3A_274 = tpu.memref_slice %arg8[%dma_start3A_272, %dma_start3A_273] : memref<16x16xi32, #tpu.memory_space<vmem>> -> memref<1x16xi32, #tpu.memory_space<vmem>>
    %dma_start3A_275 = tpu.memref_squeeze %dma_start3A_274 : memref<1x16xi32, #tpu.memory_space<vmem>> -> memref<16xi32, #tpu.memory_space<vmem>>
    %dma_start3A_276 = arith.constant 0 : i32
    %dma_start3A_277 = arith.constant 0 : i32
    %dma_start3A_278 = tpu.memref_slice %arg2[%dma_start3A_276, %dma_start3A_277] : memref<32768x1024xf32, #tpu.memory_space<hbm>> -> memref<32768x1024xf32, #tpu.memory_space<hbm>>
    tpu.enqueue_indirect_dma source(%dma_start3A_278 : memref<32768x1024xf32, #tpu.memory_space<hbm>>) target(%arg13 : memref<16x1024xf32, #tpu.memory_space<vmem>>) offsets(%dma_start3A_275 : memref<16xi32, #tpu.memory_space<vmem>>) semaphore(%arg18 : memref<!tpu.dma_semaphore, #tpu.memory_space<semaphore_mem>>)
    %dma_wait3A_279 = arith.constant 6 : i32
    %dma_wait3A_280 = arith.constant 0 : i32
    %dma_wait3A_281 = tpu.memref_slice %arg8[%dma_wait3A_279, %dma_wait3A_280] : memref<16x16xi32, #tpu.memory_space<vmem>> -> memref<1x16xi32, #tpu.memory_space<vmem>>
    %dma_wait3A_282 = tpu.memref_squeeze %dma_wait3A_281 : memref<1x16xi32, #tpu.memory_space<vmem>> -> memref<16xi32, #tpu.memory_space<vmem>>
    %dma_wait3A_283 = arith.constant 0 : i32
    %dma_wait3A_284 = arith.constant 0 : i32
    %dma_wait3A_285 = tpu.memref_slice %arg2[%dma_wait3A_283, %dma_wait3A_284] : memref<32768x1024xf32, #tpu.memory_space<hbm>> -> memref<32768x1024xf32, #tpu.memory_space<hbm>>
    tpu.wait_indirect_dma semaphore(%arg17 : memref<!tpu.dma_semaphore, #tpu.memory_space<semaphore_mem>>) src(%dma_wait3A_285 : memref<32768x1024xf32, #tpu.memory_space<hbm>>) dst(%arg12 : memref<16x1024xf32, #tpu.memory_space<vmem>>)
    %dma_start3A_286 = arith.constant 6 : i32
    %dma_start3A_287 = arith.constant 0 : i32
    %dma_start3A_288 = tpu.memref_slice %arg8[%dma_start3A_286, %dma_start3A_287] : memref<16x16xi32, #tpu.memory_space<vmem>> -> memref<1x16xi32, #tpu.memory_space<vmem>>
    %dma_start3A_289 = tpu.memref_squeeze %dma_start3A_288 : memref<1x16xi32, #tpu.memory_space<vmem>> -> memref<16xi32, #tpu.memory_space<vmem>>
    %dma_start3A_290 = arith.constant 0 : i32
    %dma_start3A_291 = arith.constant 0 : i32
    %dma_start3A_292 = tpu.memref_slice %arg6[%dma_start3A_290, %dma_start3A_291] : memref<32768x1024xf32, #tpu.memory_space<hbm>> -> memref<32768x1024xf32, #tpu.memory_space<hbm>>
    tpu.enqueue_indirect_dma source(%arg12 : memref<16x1024xf32, #tpu.memory_space<vmem>>) target(%dma_start3A_292 : memref<32768x1024xf32, #tpu.memory_space<hbm>>) offsets(%dma_start3A_289 : memref<16xi32, #tpu.memory_space<vmem>>) semaphore(%arg21 : memref<!tpu.dma_semaphore, #tpu.memory_space<semaphore_mem>>)
    %dma_wait3A_293 = arith.constant 4 : i32
    %dma_wait3A_294 = arith.constant 0 : i32
    %dma_wait3A_295 = tpu.memref_slice %arg8[%dma_wait3A_293, %dma_wait3A_294] : memref<16x16xi32, #tpu.memory_space<vmem>> -> memref<1x16xi32, #tpu.memory_space<vmem>>
    %dma_wait3A_296 = tpu.memref_squeeze %dma_wait3A_295 : memref<1x16xi32, #tpu.memory_space<vmem>> -> memref<16xi32, #tpu.memory_space<vmem>>
    %dma_wait3A_297 = arith.constant 0 : i32
    %dma_wait3A_298 = arith.constant 0 : i32
    %dma_wait3A_299 = tpu.memref_slice %arg6[%dma_wait3A_297, %dma_wait3A_298] : memref<32768x1024xf32, #tpu.memory_space<hbm>> -> memref<32768x1024xf32, #tpu.memory_space<hbm>>
    tpu.wait_indirect_dma semaphore(%arg19 : memref<!tpu.dma_semaphore, #tpu.memory_space<semaphore_mem>>) src(%arg10 : memref<16x1024xf32, #tpu.memory_space<vmem>>) dst(%dma_wait3A_299 : memref<32768x1024xf32, #tpu.memory_space<hbm>>)
    %dma_start3A_300 = arith.constant 8 : i32
    %dma_start3A_301 = arith.constant 0 : i32
    %dma_start3A_302 = tpu.memref_slice %arg8[%dma_start3A_300, %dma_start3A_301] : memref<16x16xi32, #tpu.memory_space<vmem>> -> memref<1x16xi32, #tpu.memory_space<vmem>>
    %dma_start3A_303 = tpu.memref_squeeze %dma_start3A_302 : memref<1x16xi32, #tpu.memory_space<vmem>> -> memref<16xi32, #tpu.memory_space<vmem>>
    %dma_start3A_304 = arith.constant 0 : i32
    %dma_start3A_305 = arith.constant 0 : i32
    %dma_start3A_306 = tpu.memref_slice %arg2[%dma_start3A_304, %dma_start3A_305] : memref<32768x1024xf32, #tpu.memory_space<hbm>> -> memref<32768x1024xf32, #tpu.memory_space<hbm>>
    tpu.enqueue_indirect_dma source(%dma_start3A_306 : memref<32768x1024xf32, #tpu.memory_space<hbm>>) target(%arg10 : memref<16x1024xf32, #tpu.memory_space<vmem>>) offsets(%dma_start3A_303 : memref<16xi32, #tpu.memory_space<vmem>>) semaphore(%arg15 : memref<!tpu.dma_semaphore, #tpu.memory_space<semaphore_mem>>)
    %dma_wait3A_307 = arith.constant 7 : i32
    %dma_wait3A_308 = arith.constant 0 : i32
    %dma_wait3A_309 = tpu.memref_slice %arg8[%dma_wait3A_307, %dma_wait3A_308] : memref<16x16xi32, #tpu.memory_space<vmem>> -> memref<1x16xi32, #tpu.memory_space<vmem>>
    %dma_wait3A_310 = tpu.memref_squeeze %dma_wait3A_309 : memref<1x16xi32, #tpu.memory_space<vmem>> -> memref<16xi32, #tpu.memory_space<vmem>>
    %dma_wait3A_311 = arith.constant 0 : i32
    %dma_wait3A_312 = arith.constant 0 : i32
    %dma_wait3A_313 = tpu.memref_slice %arg2[%dma_wait3A_311, %dma_wait3A_312] : memref<32768x1024xf32, #tpu.memory_space<hbm>> -> memref<32768x1024xf32, #tpu.memory_space<hbm>>
    tpu.wait_indirect_dma semaphore(%arg18 : memref<!tpu.dma_semaphore, #tpu.memory_space<semaphore_mem>>) src(%dma_wait3A_313 : memref<32768x1024xf32, #tpu.memory_space<hbm>>) dst(%arg13 : memref<16x1024xf32, #tpu.memory_space<vmem>>)
    %dma_start3A_314 = arith.constant 7 : i32
    %dma_start3A_315 = arith.constant 0 : i32
    %dma_start3A_316 = tpu.memref_slice %arg8[%dma_start3A_314, %dma_start3A_315] : memref<16x16xi32, #tpu.memory_space<vmem>> -> memref<1x16xi32, #tpu.memory_space<vmem>>
    %dma_start3A_317 = tpu.memref_squeeze %dma_start3A_316 : memref<1x16xi32, #tpu.memory_space<vmem>> -> memref<16xi32, #tpu.memory_space<vmem>>
    %dma_start3A_318 = arith.constant 0 : i32
    %dma_start3A_319 = arith.constant 0 : i32
    %dma_start3A_320 = tpu.memref_slice %arg6[%dma_start3A_318, %dma_start3A_319] : memref<32768x1024xf32, #tpu.memory_space<hbm>> -> memref<32768x1024xf32, #tpu.memory_space<hbm>>
    tpu.enqueue_indirect_dma source(%arg13 : memref<16x1024xf32, #tpu.memory_space<vmem>>) target(%dma_start3A_320 : memref<32768x1024xf32, #tpu.memory_space<hbm>>) offsets(%dma_start3A_317 : memref<16xi32, #tpu.memory_space<vmem>>) semaphore(%arg22 : memref<!tpu.dma_semaphore, #tpu.memory_space<semaphore_mem>>)
    %dma_wait3A_321 = arith.constant 5 : i32
    %dma_wait3A_322 = arith.constant 0 : i32
    %dma_wait3A_323 = tpu.memref_slice %arg8[%dma_wait3A_321, %dma_wait3A_322] : memref<16x16xi32, #tpu.memory_space<vmem>> -> memref<1x16xi32, #tpu.memory_space<vmem>>
    %dma_wait3A_324 = tpu.memref_squeeze %dma_wait3A_323 : memref<1x16xi32, #tpu.memory_space<vmem>> -> memref<16xi32, #tpu.memory_space<vmem>>
    %dma_wait3A_325 = arith.constant 0 : i32
    %dma_wait3A_326 = arith.constant 0 : i32
    %dma_wait3A_327 = tpu.memref_slice %arg6[%dma_wait3A_325, %dma_wait3A_326] : memref<32768x1024xf32, #tpu.memory_space<hbm>> -> memref<32768x1024xf32, #tpu.memory_space<hbm>>
    tpu.wait_indirect_dma semaphore(%arg20 : memref<!tpu.dma_semaphore, #tpu.memory_space<semaphore_mem>>) src(%arg11 : memref<16x1024xf32, #tpu.memory_space<vmem>>) dst(%dma_wait3A_327 : memref<32768x1024xf32, #tpu.memory_space<hbm>>)
    %dma_start3A_328 = arith.constant 9 : i32
    %dma_start3A_329 = arith.constant 0 : i32
    %dma_start3A_330 = tpu.memref_slice %arg8[%dma_start3A_328, %dma_start3A_329] : memref<16x16xi32, #tpu.memory_space<vmem>> -> memref<1x16xi32, #tpu.memory_space<vmem>>
    %dma_start3A_331 = tpu.memref_squeeze %dma_start3A_330 : memref<1x16xi32, #tpu.memory_space<vmem>> -> memref<16xi32, #tpu.memory_space<vmem>>
    %dma_start3A_332 = arith.constant 0 : i32
    %dma_start3A_333 = arith.constant 0 : i32
    %dma_start3A_334 = tpu.memref_slice %arg2[%dma_start3A_332, %dma_start3A_333] : memref<32768x1024xf32, #tpu.memory_space<hbm>> -> memref<32768x1024xf32, #tpu.memory_space<hbm>>
    tpu.enqueue_indirect_dma source(%dma_start3A_334 : memref<32768x1024xf32, #tpu.memory_space<hbm>>) target(%arg11 : memref<16x1024xf32, #tpu.memory_space<vmem>>) offsets(%dma_start3A_331 : memref<16xi32, #tpu.memory_space<vmem>>) semaphore(%arg16 : memref<!tpu.dma_semaphore, #tpu.memory_space<semaphore_mem>>)
    %dma_wait3A_335 = arith.constant 8 : i32
    %dma_wait3A_336 = arith.constant 0 : i32
    %dma_wait3A_337 = tpu.memref_slice %arg8[%dma_wait3A_335, %dma_wait3A_336] : memref<16x16xi32, #tpu.memory_space<vmem>> -> memref<1x16xi32, #tpu.memory_space<vmem>>
    %dma_wait3A_338 = tpu.memref_squeeze %dma_wait3A_337 : memref<1x16xi32, #tpu.memory_space<vmem>> -> memref<16xi32, #tpu.memory_space<vmem>>
    %dma_wait3A_339 = arith.constant 0 : i32
    %dma_wait3A_340 = arith.constant 0 : i32
    %dma_wait3A_341 = tpu.memref_slice %arg2[%dma_wait3A_339, %dma_wait3A_340] : memref<32768x1024xf32, #tpu.memory_space<hbm>> -> memref<32768x1024xf32, #tpu.memory_space<hbm>>
    tpu.wait_indirect_dma semaphore(%arg15 : memref<!tpu.dma_semaphore, #tpu.memory_space<semaphore_mem>>) src(%dma_wait3A_341 : memref<32768x1024xf32, #tpu.memory_space<hbm>>) dst(%arg10 : memref<16x1024xf32, #tpu.memory_space<vmem>>)
    %dma_start3A_342 = arith.constant 8 : i32
    %dma_start3A_343 = arith.constant 0 : i32
    %dma_start3A_344 = tpu.memref_slice %arg8[%dma_start3A_342, %dma_start3A_343] : memref<16x16xi32, #tpu.memory_space<vmem>> -> memref<1x16xi32, #tpu.memory_space<vmem>>
    %dma_start3A_345 = tpu.memref_squeeze %dma_start3A_344 : memref<1x16xi32, #tpu.memory_space<vmem>> -> memref<16xi32, #tpu.memory_space<vmem>>
    %dma_start3A_346 = arith.constant 0 : i32
    %dma_start3A_347 = arith.constant 0 : i32
    %dma_start3A_348 = tpu.memref_slice %arg6[%dma_start3A_346, %dma_start3A_347] : memref<32768x1024xf32, #tpu.memory_space<hbm>> -> memref<32768x1024xf32, #tpu.memory_space<hbm>>
    tpu.enqueue_indirect_dma source(%arg10 : memref<16x1024xf32, #tpu.memory_space<vmem>>) target(%dma_start3A_348 : memref<32768x1024xf32, #tpu.memory_space<hbm>>) offsets(%dma_start3A_345 : memref<16xi32, #tpu.memory_space<vmem>>) semaphore(%arg19 : memref<!tpu.dma_semaphore, #tpu.memory_space<semaphore_mem>>)
    %dma_wait3A_349 = arith.constant 6 : i32
    %dma_wait3A_350 = arith.constant 0 : i32
    %dma_wait3A_351 = tpu.memref_slice %arg8[%dma_wait3A_349, %dma_wait3A_350] : memref<16x16xi32, #tpu.memory_space<vmem>> -> memref<1x16xi32, #tpu.memory_space<vmem>>
    %dma_wait3A_352 = tpu.memref_squeeze %dma_wait3A_351 : memref<1x16xi32, #tpu.memory_space<vmem>> -> memref<16xi32, #tpu.memory_space<vmem>>
    %dma_wait3A_353 = arith.constant 0 : i32
    %dma_wait3A_354 = arith.constant 0 : i32
    %dma_wait3A_355 = tpu.memref_slice %arg6[%dma_wait3A_353, %dma_wait3A_354] : memref<32768x1024xf32, #tpu.memory_space<hbm>> -> memref<32768x1024xf32, #tpu.memory_space<hbm>>
    tpu.wait_indirect_dma semaphore(%arg21 : memref<!tpu.dma_semaphore, #tpu.memory_space<semaphore_mem>>) src(%arg12 : memref<16x1024xf32, #tpu.memory_space<vmem>>) dst(%dma_wait3A_355 : memref<32768x1024xf32, #tpu.memory_space<hbm>>)
    %dma_start3A_356 = arith.constant 10 : i32
    %dma_start3A_357 = arith.constant 0 : i32
    %dma_start3A_358 = tpu.memref_slice %arg8[%dma_start3A_356, %dma_start3A_357] : memref<16x16xi32, #tpu.memory_space<vmem>> -> memref<1x16xi32, #tpu.memory_space<vmem>>
    %dma_start3A_359 = tpu.memref_squeeze %dma_start3A_358 : memref<1x16xi32, #tpu.memory_space<vmem>> -> memref<16xi32, #tpu.memory_space<vmem>>
    %dma_start3A_360 = arith.constant 0 : i32
    %dma_start3A_361 = arith.constant 0 : i32
    %dma_start3A_362 = tpu.memref_slice %arg2[%dma_start3A_360, %dma_start3A_361] : memref<32768x1024xf32, #tpu.memory_space<hbm>> -> memref<32768x1024xf32, #tpu.memory_space<hbm>>
    tpu.enqueue_indirect_dma source(%dma_start3A_362 : memref<32768x1024xf32, #tpu.memory_space<hbm>>) target(%arg12 : memref<16x1024xf32, #tpu.memory_space<vmem>>) offsets(%dma_start3A_359 : memref<16xi32, #tpu.memory_space<vmem>>) semaphore(%arg17 : memref<!tpu.dma_semaphore, #tpu.memory_space<semaphore_mem>>)
    %dma_wait3A_363 = arith.constant 9 : i32
    %dma_wait3A_364 = arith.constant 0 : i32
    %dma_wait3A_365 = tpu.memref_slice %arg8[%dma_wait3A_363, %dma_wait3A_364] : memref<16x16xi32, #tpu.memory_space<vmem>> -> memref<1x16xi32, #tpu.memory_space<vmem>>
    %dma_wait3A_366 = tpu.memref_squeeze %dma_wait3A_365 : memref<1x16xi32, #tpu.memory_space<vmem>> -> memref<16xi32, #tpu.memory_space<vmem>>
    %dma_wait3A_367 = arith.constant 0 : i32
    %dma_wait3A_368 = arith.constant 0 : i32
    %dma_wait3A_369 = tpu.memref_slice %arg2[%dma_wait3A_367, %dma_wait3A_368] : memref<32768x1024xf32, #tpu.memory_space<hbm>> -> memref<32768x1024xf32, #tpu.memory_space<hbm>>
    tpu.wait_indirect_dma semaphore(%arg16 : memref<!tpu.dma_semaphore, #tpu.memory_space<semaphore_mem>>) src(%dma_wait3A_369 : memref<32768x1024xf32, #tpu.memory_space<hbm>>) dst(%arg11 : memref<16x1024xf32, #tpu.memory_space<vmem>>)
    %dma_start3A_370 = arith.constant 9 : i32
    %dma_start3A_371 = arith.constant 0 : i32
    %dma_start3A_372 = tpu.memref_slice %arg8[%dma_start3A_370, %dma_start3A_371] : memref<16x16xi32, #tpu.memory_space<vmem>> -> memref<1x16xi32, #tpu.memory_space<vmem>>
    %dma_start3A_373 = tpu.memref_squeeze %dma_start3A_372 : memref<1x16xi32, #tpu.memory_space<vmem>> -> memref<16xi32, #tpu.memory_space<vmem>>
    %dma_start3A_374 = arith.constant 0 : i32
    %dma_start3A_375 = arith.constant 0 : i32
    %dma_start3A_376 = tpu.memref_slice %arg6[%dma_start3A_374, %dma_start3A_375] : memref<32768x1024xf32, #tpu.memory_space<hbm>> -> memref<32768x1024xf32, #tpu.memory_space<hbm>>
    tpu.enqueue_indirect_dma source(%arg11 : memref<16x1024xf32, #tpu.memory_space<vmem>>) target(%dma_start3A_376 : memref<32768x1024xf32, #tpu.memory_space<hbm>>) offsets(%dma_start3A_373 : memref<16xi32, #tpu.memory_space<vmem>>) semaphore(%arg20 : memref<!tpu.dma_semaphore, #tpu.memory_space<semaphore_mem>>)
    %dma_wait3A_377 = arith.constant 7 : i32
    %dma_wait3A_378 = arith.constant 0 : i32
    %dma_wait3A_379 = tpu.memref_slice %arg8[%dma_wait3A_377, %dma_wait3A_378] : memref<16x16xi32, #tpu.memory_space<vmem>> -> memref<1x16xi32, #tpu.memory_space<vmem>>
    %dma_wait3A_380 = tpu.memref_squeeze %dma_wait3A_379 : memref<1x16xi32, #tpu.memory_space<vmem>> -> memref<16xi32, #tpu.memory_space<vmem>>
    %dma_wait3A_381 = arith.constant 0 : i32
    %dma_wait3A_382 = arith.constant 0 : i32
    %dma_wait3A_383 = tpu.memref_slice %arg6[%dma_wait3A_381, %dma_wait3A_382] : memref<32768x1024xf32, #tpu.memory_space<hbm>> -> memref<32768x1024xf32, #tpu.memory_space<hbm>>
    tpu.wait_indirect_dma semaphore(%arg22 : memref<!tpu.dma_semaphore, #tpu.memory_space<semaphore_mem>>) src(%arg13 : memref<16x1024xf32, #tpu.memory_space<vmem>>) dst(%dma_wait3A_383 : memref<32768x1024xf32, #tpu.memory_space<hbm>>)
    %dma_start3A_384 = arith.constant 11 : i32
    %dma_start3A_385 = arith.constant 0 : i32
    %dma_start3A_386 = tpu.memref_slice %arg8[%dma_start3A_384, %dma_start3A_385] : memref<16x16xi32, #tpu.memory_space<vmem>> -> memref<1x16xi32, #tpu.memory_space<vmem>>
    %dma_start3A_387 = tpu.memref_squeeze %dma_start3A_386 : memref<1x16xi32, #tpu.memory_space<vmem>> -> memref<16xi32, #tpu.memory_space<vmem>>
    %dma_start3A_388 = arith.constant 0 : i32
    %dma_start3A_389 = arith.constant 0 : i32
    %dma_start3A_390 = tpu.memref_slice %arg2[%dma_start3A_388, %dma_start3A_389] : memref<32768x1024xf32, #tpu.memory_space<hbm>> -> memref<32768x1024xf32, #tpu.memory_space<hbm>>
    tpu.enqueue_indirect_dma source(%dma_start3A_390 : memref<32768x1024xf32, #tpu.memory_space<hbm>>) target(%arg13 : memref<16x1024xf32, #tpu.memory_space<vmem>>) offsets(%dma_start3A_387 : memref<16xi32, #tpu.memory_space<vmem>>) semaphore(%arg18 : memref<!tpu.dma_semaphore, #tpu.memory_space<semaphore_mem>>)
    %dma_wait3A_391 = arith.constant 10 : i32
    %dma_wait3A_392 = arith.constant 0 : i32
    %dma_wait3A_393 = tpu.memref_slice %arg8[%dma_wait3A_391, %dma_wait3A_392] : memref<16x16xi32, #tpu.memory_space<vmem>> -> memref<1x16xi32, #tpu.memory_space<vmem>>
    %dma_wait3A_394 = tpu.memref_squeeze %dma_wait3A_393 : memref<1x16xi32, #tpu.memory_space<vmem>> -> memref<16xi32, #tpu.memory_space<vmem>>
    %dma_wait3A_395 = arith.constant 0 : i32
    %dma_wait3A_396 = arith.constant 0 : i32
    %dma_wait3A_397 = tpu.memref_slice %arg2[%dma_wait3A_395, %dma_wait3A_396] : memref<32768x1024xf32, #tpu.memory_space<hbm>> -> memref<32768x1024xf32, #tpu.memory_space<hbm>>
    tpu.wait_indirect_dma semaphore(%arg17 : memref<!tpu.dma_semaphore, #tpu.memory_space<semaphore_mem>>) src(%dma_wait3A_397 : memref<32768x1024xf32, #tpu.memory_space<hbm>>) dst(%arg12 : memref<16x1024xf32, #tpu.memory_space<vmem>>)
    %dma_start3A_398 = arith.constant 10 : i32
    %dma_start3A_399 = arith.constant 0 : i32
    %dma_start3A_400 = tpu.memref_slice %arg8[%dma_start3A_398, %dma_start3A_399] : memref<16x16xi32, #tpu.memory_space<vmem>> -> memref<1x16xi32, #tpu.memory_space<vmem>>
    %dma_start3A_401 = tpu.memref_squeeze %dma_start3A_400 : memref<1x16xi32, #tpu.memory_space<vmem>> -> memref<16xi32, #tpu.memory_space<vmem>>
    %dma_start3A_402 = arith.constant 0 : i32
    %dma_start3A_403 = arith.constant 0 : i32
    %dma_start3A_404 = tpu.memref_slice %arg6[%dma_start3A_402, %dma_start3A_403] : memref<32768x1024xf32, #tpu.memory_space<hbm>> -> memref<32768x1024xf32, #tpu.memory_space<hbm>>
    tpu.enqueue_indirect_dma source(%arg12 : memref<16x1024xf32, #tpu.memory_space<vmem>>) target(%dma_start3A_404 : memref<32768x1024xf32, #tpu.memory_space<hbm>>) offsets(%dma_start3A_401 : memref<16xi32, #tpu.memory_space<vmem>>) semaphore(%arg21 : memref<!tpu.dma_semaphore, #tpu.memory_space<semaphore_mem>>)
    %dma_wait3A_405 = arith.constant 8 : i32
    %dma_wait3A_406 = arith.constant 0 : i32
    %dma_wait3A_407 = tpu.memref_slice %arg8[%dma_wait3A_405, %dma_wait3A_406] : memref<16x16xi32, #tpu.memory_space<vmem>> -> memref<1x16xi32, #tpu.memory_space<vmem>>
    %dma_wait3A_408 = tpu.memref_squeeze %dma_wait3A_407 : memref<1x16xi32, #tpu.memory_space<vmem>> -> memref<16xi32, #tpu.memory_space<vmem>>
    %dma_wait3A_409 = arith.constant 0 : i32
    %dma_wait3A_410 = arith.constant 0 : i32
    %dma_wait3A_411 = tpu.memref_slice %arg6[%dma_wait3A_409, %dma_wait3A_410] : memref<32768x1024xf32, #tpu.memory_space<hbm>> -> memref<32768x1024xf32, #tpu.memory_space<hbm>>
    tpu.wait_indirect_dma semaphore(%arg19 : memref<!tpu.dma_semaphore, #tpu.memory_space<semaphore_mem>>) src(%arg10 : memref<16x1024xf32, #tpu.memory_space<vmem>>) dst(%dma_wait3A_411 : memref<32768x1024xf32, #tpu.memory_space<hbm>>)
    %dma_start3A_412 = arith.constant 12 : i32
    %dma_start3A_413 = arith.constant 0 : i32
    %dma_start3A_414 = tpu.memref_slice %arg8[%dma_start3A_412, %dma_start3A_413] : memref<16x16xi32, #tpu.memory_space<vmem>> -> memref<1x16xi32, #tpu.memory_space<vmem>>
    %dma_start3A_415 = tpu.memref_squeeze %dma_start3A_414 : memref<1x16xi32, #tpu.memory_space<vmem>> -> memref<16xi32, #tpu.memory_space<vmem>>
    %dma_start3A_416 = arith.constant 0 : i32
    %dma_start3A_417 = arith.constant 0 : i32
    %dma_start3A_418 = tpu.memref_slice %arg2[%dma_start3A_416, %dma_start3A_417] : memref<32768x1024xf32, #tpu.memory_space<hbm>> -> memref<32768x1024xf32, #tpu.memory_space<hbm>>
    tpu.enqueue_indirect_dma source(%dma_start3A_418 : memref<32768x1024xf32, #tpu.memory_space<hbm>>) target(%arg10 : memref<16x1024xf32, #tpu.memory_space<vmem>>) offsets(%dma_start3A_415 : memref<16xi32, #tpu.memory_space<vmem>>) semaphore(%arg15 : memref<!tpu.dma_semaphore, #tpu.memory_space<semaphore_mem>>)
    %dma_wait3A_419 = arith.constant 11 : i32
    %dma_wait3A_420 = arith.constant 0 : i32
    %dma_wait3A_421 = tpu.memref_slice %arg8[%dma_wait3A_419, %dma_wait3A_420] : memref<16x16xi32, #tpu.memory_space<vmem>> -> memref<1x16xi32, #tpu.memory_space<vmem>>
    %dma_wait3A_422 = tpu.memref_squeeze %dma_wait3A_421 : memref<1x16xi32, #tpu.memory_space<vmem>> -> memref<16xi32, #tpu.memory_space<vmem>>
    %dma_wait3A_423 = arith.constant 0 : i32
    %dma_wait3A_424 = arith.constant 0 : i32
    %dma_wait3A_425 = tpu.memref_slice %arg2[%dma_wait3A_423, %dma_wait3A_424] : memref<32768x1024xf32, #tpu.memory_space<hbm>> -> memref<32768x1024xf32, #tpu.memory_space<hbm>>
    tpu.wait_indirect_dma semaphore(%arg18 : memref<!tpu.dma_semaphore, #tpu.memory_space<semaphore_mem>>) src(%dma_wait3A_425 : memref<32768x1024xf32, #tpu.memory_space<hbm>>) dst(%arg13 : memref<16x1024xf32, #tpu.memory_space<vmem>>)
    %dma_start3A_426 = arith.constant 11 : i32
    %dma_start3A_427 = arith.constant 0 : i32
    %dma_start3A_428 = tpu.memref_slice %arg8[%dma_start3A_426, %dma_start3A_427] : memref<16x16xi32, #tpu.memory_space<vmem>> -> memref<1x16xi32, #tpu.memory_space<vmem>>
    %dma_start3A_429 = tpu.memref_squeeze %dma_start3A_428 : memref<1x16xi32, #tpu.memory_space<vmem>> -> memref<16xi32, #tpu.memory_space<vmem>>
    %dma_start3A_430 = arith.constant 0 : i32
    %dma_start3A_431 = arith.constant 0 : i32
    %dma_start3A_432 = tpu.memref_slice %arg6[%dma_start3A_430, %dma_start3A_431] : memref<32768x1024xf32, #tpu.memory_space<hbm>> -> memref<32768x1024xf32, #tpu.memory_space<hbm>>
    tpu.enqueue_indirect_dma source(%arg13 : memref<16x1024xf32, #tpu.memory_space<vmem>>) target(%dma_start3A_432 : memref<32768x1024xf32, #tpu.memory_space<hbm>>) offsets(%dma_start3A_429 : memref<16xi32, #tpu.memory_space<vmem>>) semaphore(%arg22 : memref<!tpu.dma_semaphore, #tpu.memory_space<semaphore_mem>>)
    %dma_wait3A_433 = arith.constant 9 : i32
    %dma_wait3A_434 = arith.constant 0 : i32
    %dma_wait3A_435 = tpu.memref_slice %arg8[%dma_wait3A_433, %dma_wait3A_434] : memref<16x16xi32, #tpu.memory_space<vmem>> -> memref<1x16xi32, #tpu.memory_space<vmem>>
    %dma_wait3A_436 = tpu.memref_squeeze %dma_wait3A_435 : memref<1x16xi32, #tpu.memory_space<vmem>> -> memref<16xi32, #tpu.memory_space<vmem>>
    %dma_wait3A_437 = arith.constant 0 : i32
    %dma_wait3A_438 = arith.constant 0 : i32
    %dma_wait3A_439 = tpu.memref_slice %arg6[%dma_wait3A_437, %dma_wait3A_438] : memref<32768x1024xf32, #tpu.memory_space<hbm>> -> memref<32768x1024xf32, #tpu.memory_space<hbm>>
    tpu.wait_indirect_dma semaphore(%arg20 : memref<!tpu.dma_semaphore, #tpu.memory_space<semaphore_mem>>) src(%arg11 : memref<16x1024xf32, #tpu.memory_space<vmem>>) dst(%dma_wait3A_439 : memref<32768x1024xf32, #tpu.memory_space<hbm>>)
    %dma_start3A_440 = arith.constant 13 : i32
    %dma_start3A_441 = arith.constant 0 : i32
    %dma_start3A_442 = tpu.memref_slice %arg8[%dma_start3A_440, %dma_start3A_441] : memref<16x16xi32, #tpu.memory_space<vmem>> -> memref<1x16xi32, #tpu.memory_space<vmem>>
    %dma_start3A_443 = tpu.memref_squeeze %dma_start3A_442 : memref<1x16xi32, #tpu.memory_space<vmem>> -> memref<16xi32, #tpu.memory_space<vmem>>
    %dma_start3A_444 = arith.constant 0 : i32
    %dma_start3A_445 = arith.constant 0 : i32
    %dma_start3A_446 = tpu.memref_slice %arg2[%dma_start3A_444, %dma_start3A_445] : memref<32768x1024xf32, #tpu.memory_space<hbm>> -> memref<32768x1024xf32, #tpu.memory_space<hbm>>
    tpu.enqueue_indirect_dma source(%dma_start3A_446 : memref<32768x1024xf32, #tpu.memory_space<hbm>>) target(%arg11 : memref<16x1024xf32, #tpu.memory_space<vmem>>) offsets(%dma_start3A_443 : memref<16xi32, #tpu.memory_space<vmem>>) semaphore(%arg16 : memref<!tpu.dma_semaphore, #tpu.memory_space<semaphore_mem>>)
    %dma_wait3A_447 = arith.constant 12 : i32
    %dma_wait3A_448 = arith.constant 0 : i32
    %dma_wait3A_449 = tpu.memref_slice %arg8[%dma_wait3A_447, %dma_wait3A_448] : memref<16x16xi32, #tpu.memory_space<vmem>> -> memref<1x16xi32, #tpu.memory_space<vmem>>
    %dma_wait3A_450 = tpu.memref_squeeze %dma_wait3A_449 : memref<1x16xi32, #tpu.memory_space<vmem>> -> memref<16xi32, #tpu.memory_space<vmem>>
    %dma_wait3A_451 = arith.constant 0 : i32
    %dma_wait3A_452 = arith.constant 0 : i32
    %dma_wait3A_453 = tpu.memref_slice %arg2[%dma_wait3A_451, %dma_wait3A_452] : memref<32768x1024xf32, #tpu.memory_space<hbm>> -> memref<32768x1024xf32, #tpu.memory_space<hbm>>
    tpu.wait_indirect_dma semaphore(%arg15 : memref<!tpu.dma_semaphore, #tpu.memory_space<semaphore_mem>>) src(%dma_wait3A_453 : memref<32768x1024xf32, #tpu.memory_space<hbm>>) dst(%arg10 : memref<16x1024xf32, #tpu.memory_space<vmem>>)
    %dma_start3A_454 = arith.constant 12 : i32
    %dma_start3A_455 = arith.constant 0 : i32
    %dma_start3A_456 = tpu.memref_slice %arg8[%dma_start3A_454, %dma_start3A_455] : memref<16x16xi32, #tpu.memory_space<vmem>> -> memref<1x16xi32, #tpu.memory_space<vmem>>
    %dma_start3A_457 = tpu.memref_squeeze %dma_start3A_456 : memref<1x16xi32, #tpu.memory_space<vmem>> -> memref<16xi32, #tpu.memory_space<vmem>>
    %dma_start3A_458 = arith.constant 0 : i32
    %dma_start3A_459 = arith.constant 0 : i32
    %dma_start3A_460 = tpu.memref_slice %arg6[%dma_start3A_458, %dma_start3A_459] : memref<32768x1024xf32, #tpu.memory_space<hbm>> -> memref<32768x1024xf32, #tpu.memory_space<hbm>>
    tpu.enqueue_indirect_dma source(%arg10 : memref<16x1024xf32, #tpu.memory_space<vmem>>) target(%dma_start3A_460 : memref<32768x1024xf32, #tpu.memory_space<hbm>>) offsets(%dma_start3A_457 : memref<16xi32, #tpu.memory_space<vmem>>) semaphore(%arg19 : memref<!tpu.dma_semaphore, #tpu.memory_space<semaphore_mem>>)
    %dma_wait3A_461 = arith.constant 10 : i32
    %dma_wait3A_462 = arith.constant 0 : i32
    %dma_wait3A_463 = tpu.memref_slice %arg8[%dma_wait3A_461, %dma_wait3A_462] : memref<16x16xi32, #tpu.memory_space<vmem>> -> memref<1x16xi32, #tpu.memory_space<vmem>>
    %dma_wait3A_464 = tpu.memref_squeeze %dma_wait3A_463 : memref<1x16xi32, #tpu.memory_space<vmem>> -> memref<16xi32, #tpu.memory_space<vmem>>
    %dma_wait3A_465 = arith.constant 0 : i32
    %dma_wait3A_466 = arith.constant 0 : i32
    %dma_wait3A_467 = tpu.memref_slice %arg6[%dma_wait3A_465, %dma_wait3A_466] : memref<32768x1024xf32, #tpu.memory_space<hbm>> -> memref<32768x1024xf32, #tpu.memory_space<hbm>>
    tpu.wait_indirect_dma semaphore(%arg21 : memref<!tpu.dma_semaphore, #tpu.memory_space<semaphore_mem>>) src(%arg12 : memref<16x1024xf32, #tpu.memory_space<vmem>>) dst(%dma_wait3A_467 : memref<32768x1024xf32, #tpu.memory_space<hbm>>)
    %dma_start3A_468 = arith.constant 14 : i32
    %dma_start3A_469 = arith.constant 0 : i32
    %dma_start3A_470 = tpu.memref_slice %arg8[%dma_start3A_468, %dma_start3A_469] : memref<16x16xi32, #tpu.memory_space<vmem>> -> memref<1x16xi32, #tpu.memory_space<vmem>>
    %dma_start3A_471 = tpu.memref_squeeze %dma_start3A_470 : memref<1x16xi32, #tpu.memory_space<vmem>> -> memref<16xi32, #tpu.memory_space<vmem>>
    %dma_start3A_472 = arith.constant 0 : i32
    %dma_start3A_473 = arith.constant 0 : i32
    %dma_start3A_474 = tpu.memref_slice %arg2[%dma_start3A_472, %dma_start3A_473] : memref<32768x1024xf32, #tpu.memory_space<hbm>> -> memref<32768x1024xf32, #tpu.memory_space<hbm>>
    tpu.enqueue_indirect_dma source(%dma_start3A_474 : memref<32768x1024xf32, #tpu.memory_space<hbm>>) target(%arg12 : memref<16x1024xf32, #tpu.memory_space<vmem>>) offsets(%dma_start3A_471 : memref<16xi32, #tpu.memory_space<vmem>>) semaphore(%arg17 : memref<!tpu.dma_semaphore, #tpu.memory_space<semaphore_mem>>)
    %dma_wait3A_475 = arith.constant 13 : i32
    %dma_wait3A_476 = arith.constant 0 : i32
    %dma_wait3A_477 = tpu.memref_slice %arg8[%dma_wait3A_475, %dma_wait3A_476] : memref<16x16xi32, #tpu.memory_space<vmem>> -> memref<1x16xi32, #tpu.memory_space<vmem>>
    %dma_wait3A_478 = tpu.memref_squeeze %dma_wait3A_477 : memref<1x16xi32, #tpu.memory_space<vmem>> -> memref<16xi32, #tpu.memory_space<vmem>>
    %dma_wait3A_479 = arith.constant 0 : i32
    %dma_wait3A_480 = arith.constant 0 : i32
    %dma_wait3A_481 = tpu.memref_slice %arg2[%dma_wait3A_479, %dma_wait3A_480] : memref<32768x1024xf32, #tpu.memory_space<hbm>> -> memref<32768x1024xf32, #tpu.memory_space<hbm>>
    tpu.wait_indirect_dma semaphore(%arg16 : memref<!tpu.dma_semaphore, #tpu.memory_space<semaphore_mem>>) src(%dma_wait3A_481 : memref<32768x1024xf32, #tpu.memory_space<hbm>>) dst(%arg11 : memref<16x1024xf32, #tpu.memory_space<vmem>>)
    %dma_start3A_482 = arith.constant 13 : i32
    %dma_start3A_483 = arith.constant 0 : i32
    %dma_start3A_484 = tpu.memref_slice %arg8[%dma_start3A_482, %dma_start3A_483] : memref<16x16xi32, #tpu.memory_space<vmem>> -> memref<1x16xi32, #tpu.memory_space<vmem>>
    %dma_start3A_485 = tpu.memref_squeeze %dma_start3A_484 : memref<1x16xi32, #tpu.memory_space<vmem>> -> memref<16xi32, #tpu.memory_space<vmem>>
    %dma_start3A_486 = arith.constant 0 : i32
    %dma_start3A_487 = arith.constant 0 : i32
    %dma_start3A_488 = tpu.memref_slice %arg6[%dma_start3A_486, %dma_start3A_487] : memref<32768x1024xf32, #tpu.memory_space<hbm>> -> memref<32768x1024xf32, #tpu.memory_space<hbm>>
    tpu.enqueue_indirect_dma source(%arg11 : memref<16x1024xf32, #tpu.memory_space<vmem>>) target(%dma_start3A_488 : memref<32768x1024xf32, #tpu.memory_space<hbm>>) offsets(%dma_start3A_485 : memref<16xi32, #tpu.memory_space<vmem>>) semaphore(%arg20 : memref<!tpu.dma_semaphore, #tpu.memory_space<semaphore_mem>>)
    %dma_wait3A_489 = arith.constant 11 : i32
    %dma_wait3A_490 = arith.constant 0 : i32
    %dma_wait3A_491 = tpu.memref_slice %arg8[%dma_wait3A_489, %dma_wait3A_490] : memref<16x16xi32, #tpu.memory_space<vmem>> -> memref<1x16xi32, #tpu.memory_space<vmem>>
    %dma_wait3A_492 = tpu.memref_squeeze %dma_wait3A_491 : memref<1x16xi32, #tpu.memory_space<vmem>> -> memref<16xi32, #tpu.memory_space<vmem>>
    %dma_wait3A_493 = arith.constant 0 : i32
    %dma_wait3A_494 = arith.constant 0 : i32
    %dma_wait3A_495 = tpu.memref_slice %arg6[%dma_wait3A_493, %dma_wait3A_494] : memref<32768x1024xf32, #tpu.memory_space<hbm>> -> memref<32768x1024xf32, #tpu.memory_space<hbm>>
    tpu.wait_indirect_dma semaphore(%arg22 : memref<!tpu.dma_semaphore, #tpu.memory_space<semaphore_mem>>) src(%arg13 : memref<16x1024xf32, #tpu.memory_space<vmem>>) dst(%dma_wait3A_495 : memref<32768x1024xf32, #tpu.memory_space<hbm>>)
    %dma_start3A_496 = arith.constant 15 : i32
    %dma_start3A_497 = arith.constant 0 : i32
    %dma_start3A_498 = tpu.memref_slice %arg8[%dma_start3A_496, %dma_start3A_497] : memref<16x16xi32, #tpu.memory_space<vmem>> -> memref<1x16xi32, #tpu.memory_space<vmem>>
    %dma_start3A_499 = tpu.memref_squeeze %dma_start3A_498 : memref<1x16xi32, #tpu.memory_space<vmem>> -> memref<16xi32, #tpu.memory_space<vmem>>
    %dma_start3A_500 = arith.constant 0 : i32
    %dma_start3A_501 = arith.constant 0 : i32
    %dma_start3A_502 = tpu.memref_slice %arg2[%dma_start3A_500, %dma_start3A_501] : memref<32768x1024xf32, #tpu.memory_space<hbm>> -> memref<32768x1024xf32, #tpu.memory_space<hbm>>
    tpu.enqueue_indirect_dma source(%dma_start3A_502 : memref<32768x1024xf32, #tpu.memory_space<hbm>>) target(%arg13 : memref<16x1024xf32, #tpu.memory_space<vmem>>) offsets(%dma_start3A_499 : memref<16xi32, #tpu.memory_space<vmem>>) semaphore(%arg18 : memref<!tpu.dma_semaphore, #tpu.memory_space<semaphore_mem>>)
    %dma_wait3A_503 = arith.constant 14 : i32
    %dma_wait3A_504 = arith.constant 0 : i32
    %dma_wait3A_505 = tpu.memref_slice %arg8[%dma_wait3A_503, %dma_wait3A_504] : memref<16x16xi32, #tpu.memory_space<vmem>> -> memref<1x16xi32, #tpu.memory_space<vmem>>
    %dma_wait3A_506 = tpu.memref_squeeze %dma_wait3A_505 : memref<1x16xi32, #tpu.memory_space<vmem>> -> memref<16xi32, #tpu.memory_space<vmem>>
    %dma_wait3A_507 = arith.constant 0 : i32
    %dma_wait3A_508 = arith.constant 0 : i32
    %dma_wait3A_509 = tpu.memref_slice %arg2[%dma_wait3A_507, %dma_wait3A_508] : memref<32768x1024xf32, #tpu.memory_space<hbm>> -> memref<32768x1024xf32, #tpu.memory_space<hbm>>
    tpu.wait_indirect_dma semaphore(%arg17 : memref<!tpu.dma_semaphore, #tpu.memory_space<semaphore_mem>>) src(%dma_wait3A_509 : memref<32768x1024xf32, #tpu.memory_space<hbm>>) dst(%arg12 : memref<16x1024xf32, #tpu.memory_space<vmem>>)
    %dma_start3A_510 = arith.constant 14 : i32
    %dma_start3A_511 = arith.constant 0 : i32
    %dma_start3A_512 = tpu.memref_slice %arg8[%dma_start3A_510, %dma_start3A_511] : memref<16x16xi32, #tpu.memory_space<vmem>> -> memref<1x16xi32, #tpu.memory_space<vmem>>
    %dma_start3A_513 = tpu.memref_squeeze %dma_start3A_512 : memref<1x16xi32, #tpu.memory_space<vmem>> -> memref<16xi32, #tpu.memory_space<vmem>>
    %dma_start3A_514 = arith.constant 0 : i32
    %dma_start3A_515 = arith.constant 0 : i32
    %dma_start3A_516 = tpu.memref_slice %arg6[%dma_start3A_514, %dma_start3A_515] : memref<32768x1024xf32, #tpu.memory_space<hbm>> -> memref<32768x1024xf32, #tpu.memory_space<hbm>>
    tpu.enqueue_indirect_dma source(%arg12 : memref<16x1024xf32, #tpu.memory_space<vmem>>) target(%dma_start3A_516 : memref<32768x1024xf32, #tpu.memory_space<hbm>>) offsets(%dma_start3A_513 : memref<16xi32, #tpu.memory_space<vmem>>) semaphore(%arg21 : memref<!tpu.dma_semaphore, #tpu.memory_space<semaphore_mem>>)
    %dma_wait3A_517 = arith.constant 15 : i32
    %dma_wait3A_518 = arith.constant 0 : i32
    %dma_wait3A_519 = tpu.memref_slice %arg8[%dma_wait3A_517, %dma_wait3A_518] : memref<16x16xi32, #tpu.memory_space<vmem>> -> memref<1x16xi32, #tpu.memory_space<vmem>>
    %dma_wait3A_520 = tpu.memref_squeeze %dma_wait3A_519 : memref<1x16xi32, #tpu.memory_space<vmem>> -> memref<16xi32, #tpu.memory_space<vmem>>
    %dma_wait3A_521 = arith.constant 0 : i32
    %dma_wait3A_522 = arith.constant 0 : i32
    %dma_wait3A_523 = tpu.memref_slice %arg2[%dma_wait3A_521, %dma_wait3A_522] : memref<32768x1024xf32, #tpu.memory_space<hbm>> -> memref<32768x1024xf32, #tpu.memory_space<hbm>>
    tpu.wait_indirect_dma semaphore(%arg18 : memref<!tpu.dma_semaphore, #tpu.memory_space<semaphore_mem>>) src(%dma_wait3A_523 : memref<32768x1024xf32, #tpu.memory_space<hbm>>) dst(%arg13 : memref<16x1024xf32, #tpu.memory_space<vmem>>)
    %dma_start3A_524 = arith.constant 15 : i32
    %dma_start3A_525 = arith.constant 0 : i32
    %dma_start3A_526 = tpu.memref_slice %arg8[%dma_start3A_524, %dma_start3A_525] : memref<16x16xi32, #tpu.memory_space<vmem>> -> memref<1x16xi32, #tpu.memory_space<vmem>>
    %dma_start3A_527 = tpu.memref_squeeze %dma_start3A_526 : memref<1x16xi32, #tpu.memory_space<vmem>> -> memref<16xi32, #tpu.memory_space<vmem>>
    %dma_start3A_528 = arith.constant 0 : i32
    %dma_start3A_529 = arith.constant 0 : i32
    %dma_start3A_530 = tpu.memref_slice %arg6[%dma_start3A_528, %dma_start3A_529] : memref<32768x1024xf32, #tpu.memory_space<hbm>> -> memref<32768x1024xf32, #tpu.memory_space<hbm>>
    tpu.enqueue_indirect_dma source(%arg13 : memref<16x1024xf32, #tpu.memory_space<vmem>>) target(%dma_start3A_530 : memref<32768x1024xf32, #tpu.memory_space<hbm>>) offsets(%dma_start3A_527 : memref<16xi32, #tpu.memory_space<vmem>>) semaphore(%arg22 : memref<!tpu.dma_semaphore, #tpu.memory_space<semaphore_mem>>)
    %dma_wait3A_531 = arith.constant 13 : i32
    %dma_wait3A_532 = arith.constant 0 : i32
    %dma_wait3A_533 = tpu.memref_slice %arg8[%dma_wait3A_531, %dma_wait3A_532] : memref<16x16xi32, #tpu.memory_space<vmem>> -> memref<1x16xi32, #tpu.memory_space<vmem>>
    %dma_wait3A_534 = tpu.memref_squeeze %dma_wait3A_533 : memref<1x16xi32, #tpu.memory_space<vmem>> -> memref<16xi32, #tpu.memory_space<vmem>>
    %dma_wait3A_535 = arith.constant 0 : i32
    %dma_wait3A_536 = arith.constant 0 : i32
    %dma_wait3A_537 = tpu.memref_slice %arg6[%dma_wait3A_535, %dma_wait3A_536] : memref<32768x1024xf32, #tpu.memory_space<hbm>> -> memref<32768x1024xf32, #tpu.memory_space<hbm>>
    tpu.wait_indirect_dma semaphore(%arg20 : memref<!tpu.dma_semaphore, #tpu.memory_space<semaphore_mem>>) src(%arg11 : memref<16x1024xf32, #tpu.memory_space<vmem>>) dst(%dma_wait3A_537 : memref<32768x1024xf32, #tpu.memory_space<hbm>>)
    %dma_wait3A_538 = arith.constant 14 : i32
    %dma_wait3A_539 = arith.constant 0 : i32
    %dma_wait3A_540 = tpu.memref_slice %arg8[%dma_wait3A_538, %dma_wait3A_539] : memref<16x16xi32, #tpu.memory_space<vmem>> -> memref<1x16xi32, #tpu.memory_space<vmem>>
    %dma_wait3A_541 = tpu.memref_squeeze %dma_wait3A_540 : memref<1x16xi32, #tpu.memory_space<vmem>> -> memref<16xi32, #tpu.memory_space<vmem>>
    %dma_wait3A_542 = arith.constant 0 : i32
    %dma_wait3A_543 = arith.constant 0 : i32
    %dma_wait3A_544 = tpu.memref_slice %arg6[%dma_wait3A_542, %dma_wait3A_543] : memref<32768x1024xf32, #tpu.memory_space<hbm>> -> memref<32768x1024xf32, #tpu.memory_space<hbm>>
    tpu.wait_indirect_dma semaphore(%arg21 : memref<!tpu.dma_semaphore, #tpu.memory_space<semaphore_mem>>) src(%arg12 : memref<16x1024xf32, #tpu.memory_space<vmem>>) dst(%dma_wait3A_544 : memref<32768x1024xf32, #tpu.memory_space<hbm>>)
    %dma_wait3A_545 = arith.constant 15 : i32
    %dma_wait3A_546 = arith.constant 0 : i32
    %dma_wait3A_547 = tpu.memref_slice %arg8[%dma_wait3A_545, %dma_wait3A_546] : memref<16x16xi32, #tpu.memory_space<vmem>> -> memref<1x16xi32, #tpu.memory_space<vmem>>
    %dma_wait3A_548 = tpu.memref_squeeze %dma_wait3A_547 : memref<1x16xi32, #tpu.memory_space<vmem>> -> memref<16xi32, #tpu.memory_space<vmem>>
    %dma_wait3A_549 = arith.constant 0 : i32
    %dma_wait3A_550 = arith.constant 0 : i32
    %dma_wait3A_551 = tpu.memref_slice %arg6[%dma_wait3A_549, %dma_wait3A_550] : memref<32768x1024xf32, #tpu.memory_space<hbm>> -> memref<32768x1024xf32, #tpu.memory_space<hbm>>
    tpu.wait_indirect_dma semaphore(%arg22 : memref<!tpu.dma_semaphore, #tpu.memory_space<semaphore_mem>>) src(%arg13 : memref<16x1024xf32, #tpu.memory_space<vmem>>) dst(%dma_wait3A_551 : memref<32768x1024xf32, #tpu.memory_space<hbm>>)
    %dma_wait3A_552 = arith.constant 0 : i32
    %dma_wait3A_553 = arith.constant 0 : i32
    %dma_wait3A_554 = tpu.memref_slice %arg7[%dma_wait3A_552, %dma_wait3A_553] : memref<16x48xi32, #tpu.memory_space<vmem>> -> memref<1x48xi32, #tpu.memory_space<vmem>>
    %dma_wait3A_555 = tpu.memref_squeeze %dma_wait3A_554 : memref<1x48xi32, #tpu.memory_space<vmem>> -> memref<48xi32, #tpu.memory_space<vmem>>
    %dma_wait3A_556 = arith.constant 0 : i32
    %dma_wait3A_557 = arith.constant 0 : i32
    %dma_wait3A_558 = tpu.memref_slice %arg6[%dma_wait3A_556, %dma_wait3A_557] : memref<32768x1024xf32, #tpu.memory_space<hbm>> -> memref<32768x1024xf32, #tpu.memory_space<hbm>>
    tpu.wait_indirect_dma semaphore(%arg14 : memref<!tpu.dma_semaphore, #tpu.memory_space<semaphore_mem>>) src(%arg9 : memref<48x1024xf32, #tpu.memory_space<vmem>>) dst(%dma_wait3A_558 : memref<32768x1024xf32, #tpu.memory_space<hbm>>)
    %dma_wait3A_559 = arith.constant 1 : i32
    %dma_wait3A_560 = arith.constant 0 : i32
    %dma_wait3A_561 = tpu.memref_slice %arg7[%dma_wait3A_559, %dma_wait3A_560] : memref<16x48xi32, #tpu.memory_space<vmem>> -> memref<1x48xi32, #tpu.memory_space<vmem>>
    %dma_wait3A_562 = tpu.memref_squeeze %dma_wait3A_561 : memref<1x48xi32, #tpu.memory_space<vmem>> -> memref<48xi32, #tpu.memory_space<vmem>>
    %dma_wait3A_563 = arith.constant 0 : i32
    %dma_wait3A_564 = arith.constant 0 : i32
    %dma_wait3A_565 = tpu.memref_slice %arg6[%dma_wait3A_563, %dma_wait3A_564] : memref<32768x1024xf32, #tpu.memory_space<hbm>> -> memref<32768x1024xf32, #tpu.memory_space<hbm>>
    tpu.wait_indirect_dma semaphore(%arg14 : memref<!tpu.dma_semaphore, #tpu.memory_space<semaphore_mem>>) src(%arg9 : memref<48x1024xf32, #tpu.memory_space<vmem>>) dst(%dma_wait3A_565 : memref<32768x1024xf32, #tpu.memory_space<hbm>>)
    %dma_wait3A_566 = arith.constant 2 : i32
    %dma_wait3A_567 = arith.constant 0 : i32
    %dma_wait3A_568 = tpu.memref_slice %arg7[%dma_wait3A_566, %dma_wait3A_567] : memref<16x48xi32, #tpu.memory_space<vmem>> -> memref<1x48xi32, #tpu.memory_space<vmem>>
    %dma_wait3A_569 = tpu.memref_squeeze %dma_wait3A_568 : memref<1x48xi32, #tpu.memory_space<vmem>> -> memref<48xi32, #tpu.memory_space<vmem>>
    %dma_wait3A_570 = arith.constant 0 : i32
    %dma_wait3A_571 = arith.constant 0 : i32
    %dma_wait3A_572 = tpu.memref_slice %arg6[%dma_wait3A_570, %dma_wait3A_571] : memref<32768x1024xf32, #tpu.memory_space<hbm>> -> memref<32768x1024xf32, #tpu.memory_space<hbm>>
    tpu.wait_indirect_dma semaphore(%arg14 : memref<!tpu.dma_semaphore, #tpu.memory_space<semaphore_mem>>) src(%arg9 : memref<48x1024xf32, #tpu.memory_space<vmem>>) dst(%dma_wait3A_572 : memref<32768x1024xf32, #tpu.memory_space<hbm>>)
    %dma_wait3A_573 = arith.constant 3 : i32
    %dma_wait3A_574 = arith.constant 0 : i32
    %dma_wait3A_575 = tpu.memref_slice %arg7[%dma_wait3A_573, %dma_wait3A_574] : memref<16x48xi32, #tpu.memory_space<vmem>> -> memref<1x48xi32, #tpu.memory_space<vmem>>
    %dma_wait3A_576 = tpu.memref_squeeze %dma_wait3A_575 : memref<1x48xi32, #tpu.memory_space<vmem>> -> memref<48xi32, #tpu.memory_space<vmem>>
    %dma_wait3A_577 = arith.constant 0 : i32
    %dma_wait3A_578 = arith.constant 0 : i32
    %dma_wait3A_579 = tpu.memref_slice %arg6[%dma_wait3A_577, %dma_wait3A_578] : memref<32768x1024xf32, #tpu.memory_space<hbm>> -> memref<32768x1024xf32, #tpu.memory_space<hbm>>
    tpu.wait_indirect_dma semaphore(%arg14 : memref<!tpu.dma_semaphore, #tpu.memory_space<semaphore_mem>>) src(%arg9 : memref<48x1024xf32, #tpu.memory_space<vmem>>) dst(%dma_wait3A_579 : memref<32768x1024xf32, #tpu.memory_space<hbm>>)
    %dma_wait3A_580 = arith.constant 4 : i32
    %dma_wait3A_581 = arith.constant 0 : i32
    %dma_wait3A_582 = tpu.memref_slice %arg7[%dma_wait3A_580, %dma_wait3A_581] : memref<16x48xi32, #tpu.memory_space<vmem>> -> memref<1x48xi32, #tpu.memory_space<vmem>>
    %dma_wait3A_583 = tpu.memref_squeeze %dma_wait3A_582 : memref<1x48xi32, #tpu.memory_space<vmem>> -> memref<48xi32, #tpu.memory_space<vmem>>
    %dma_wait3A_584 = arith.constant 0 : i32
    %dma_wait3A_585 = arith.constant 0 : i32
    %dma_wait3A_586 = tpu.memref_slice %arg6[%dma_wait3A_584, %dma_wait3A_585] : memref<32768x1024xf32, #tpu.memory_space<hbm>> -> memref<32768x1024xf32, #tpu.memory_space<hbm>>
    tpu.wait_indirect_dma semaphore(%arg14 : memref<!tpu.dma_semaphore, #tpu.memory_space<semaphore_mem>>) src(%arg9 : memref<48x1024xf32, #tpu.memory_space<vmem>>) dst(%dma_wait3A_586 : memref<32768x1024xf32, #tpu.memory_space<hbm>>)
    %dma_wait3A_587 = arith.constant 5 : i32
    %dma_wait3A_588 = arith.constant 0 : i32
    %dma_wait3A_589 = tpu.memref_slice %arg7[%dma_wait3A_587, %dma_wait3A_588] : memref<16x48xi32, #tpu.memory_space<vmem>> -> memref<1x48xi32, #tpu.memory_space<vmem>>
    %dma_wait3A_590 = tpu.memref_squeeze %dma_wait3A_589 : memref<1x48xi32, #tpu.memory_space<vmem>> -> memref<48xi32, #tpu.memory_space<vmem>>
    %dma_wait3A_591 = arith.constant 0 : i32
    %dma_wait3A_592 = arith.constant 0 : i32
    %dma_wait3A_593 = tpu.memref_slice %arg6[%dma_wait3A_591, %dma_wait3A_592] : memref<32768x1024xf32, #tpu.memory_space<hbm>> -> memref<32768x1024xf32, #tpu.memory_space<hbm>>
    tpu.wait_indirect_dma semaphore(%arg14 : memref<!tpu.dma_semaphore, #tpu.memory_space<semaphore_mem>>) src(%arg9 : memref<48x1024xf32, #tpu.memory_space<vmem>>) dst(%dma_wait3A_593 : memref<32768x1024xf32, #tpu.memory_space<hbm>>)
    %dma_wait3A_594 = arith.constant 6 : i32
    %dma_wait3A_595 = arith.constant 0 : i32
    %dma_wait3A_596 = tpu.memref_slice %arg7[%dma_wait3A_594, %dma_wait3A_595] : memref<16x48xi32, #tpu.memory_space<vmem>> -> memref<1x48xi32, #tpu.memory_space<vmem>>
    %dma_wait3A_597 = tpu.memref_squeeze %dma_wait3A_596 : memref<1x48xi32, #tpu.memory_space<vmem>> -> memref<48xi32, #tpu.memory_space<vmem>>
    %dma_wait3A_598 = arith.constant 0 : i32
    %dma_wait3A_599 = arith.constant 0 : i32
    %dma_wait3A_600 = tpu.memref_slice %arg6[%dma_wait3A_598, %dma_wait3A_599] : memref<32768x1024xf32, #tpu.memory_space<hbm>> -> memref<32768x1024xf32, #tpu.memory_space<hbm>>
    tpu.wait_indirect_dma semaphore(%arg14 : memref<!tpu.dma_semaphore, #tpu.memory_space<semaphore_mem>>) src(%arg9 : memref<48x1024xf32, #tpu.memory_space<vmem>>) dst(%dma_wait3A_600 : memref<32768x1024xf32, #tpu.memory_space<hbm>>)
    %dma_wait3A_601 = arith.constant 7 : i32
    %dma_wait3A_602 = arith.constant 0 : i32
    %dma_wait3A_603 = tpu.memref_slice %arg7[%dma_wait3A_601, %dma_wait3A_602] : memref<16x48xi32, #tpu.memory_space<vmem>> -> memref<1x48xi32, #tpu.memory_space<vmem>>
    %dma_wait3A_604 = tpu.memref_squeeze %dma_wait3A_603 : memref<1x48xi32, #tpu.memory_space<vmem>> -> memref<48xi32, #tpu.memory_space<vmem>>
    %dma_wait3A_605 = arith.constant 0 : i32
    %dma_wait3A_606 = arith.constant 0 : i32
    %dma_wait3A_607 = tpu.memref_slice %arg6[%dma_wait3A_605, %dma_wait3A_606] : memref<32768x1024xf32, #tpu.memory_space<hbm>> -> memref<32768x1024xf32, #tpu.memory_space<hbm>>
    tpu.wait_indirect_dma semaphore(%arg14 : memref<!tpu.dma_semaphore, #tpu.memory_space<semaphore_mem>>) src(%arg9 : memref<48x1024xf32, #tpu.memory_space<vmem>>) dst(%dma_wait3A_607 : memref<32768x1024xf32, #tpu.memory_space<hbm>>)
    %dma_wait3A_608 = arith.constant 8 : i32
    %dma_wait3A_609 = arith.constant 0 : i32
    %dma_wait3A_610 = tpu.memref_slice %arg7[%dma_wait3A_608, %dma_wait3A_609] : memref<16x48xi32, #tpu.memory_space<vmem>> -> memref<1x48xi32, #tpu.memory_space<vmem>>
    %dma_wait3A_611 = tpu.memref_squeeze %dma_wait3A_610 : memref<1x48xi32, #tpu.memory_space<vmem>> -> memref<48xi32, #tpu.memory_space<vmem>>
    %dma_wait3A_612 = arith.constant 0 : i32
    %dma_wait3A_613 = arith.constant 0 : i32
    %dma_wait3A_614 = tpu.memref_slice %arg6[%dma_wait3A_612, %dma_wait3A_613] : memref<32768x1024xf32, #tpu.memory_space<hbm>> -> memref<32768x1024xf32, #tpu.memory_space<hbm>>
    tpu.wait_indirect_dma semaphore(%arg14 : memref<!tpu.dma_semaphore, #tpu.memory_space<semaphore_mem>>) src(%arg9 : memref<48x1024xf32, #tpu.memory_space<vmem>>) dst(%dma_wait3A_614 : memref<32768x1024xf32, #tpu.memory_space<hbm>>)
    %dma_wait3A_615 = arith.constant 9 : i32
    %dma_wait3A_616 = arith.constant 0 : i32
    %dma_wait3A_617 = tpu.memref_slice %arg7[%dma_wait3A_615, %dma_wait3A_616] : memref<16x48xi32, #tpu.memory_space<vmem>> -> memref<1x48xi32, #tpu.memory_space<vmem>>
    %dma_wait3A_618 = tpu.memref_squeeze %dma_wait3A_617 : memref<1x48xi32, #tpu.memory_space<vmem>> -> memref<48xi32, #tpu.memory_space<vmem>>
    %dma_wait3A_619 = arith.constant 0 : i32
    %dma_wait3A_620 = arith.constant 0 : i32
    %dma_wait3A_621 = tpu.memref_slice %arg6[%dma_wait3A_619, %dma_wait3A_620] : memref<32768x1024xf32, #tpu.memory_space<hbm>> -> memref<32768x1024xf32, #tpu.memory_space<hbm>>
    tpu.wait_indirect_dma semaphore(%arg14 : memref<!tpu.dma_semaphore, #tpu.memory_space<semaphore_mem>>) src(%arg9 : memref<48x1024xf32, #tpu.memory_space<vmem>>) dst(%dma_wait3A_621 : memref<32768x1024xf32, #tpu.memory_space<hbm>>)
    %dma_wait3A_622 = arith.constant 10 : i32
    %dma_wait3A_623 = arith.constant 0 : i32
    %dma_wait3A_624 = tpu.memref_slice %arg7[%dma_wait3A_622, %dma_wait3A_623] : memref<16x48xi32, #tpu.memory_space<vmem>> -> memref<1x48xi32, #tpu.memory_space<vmem>>
    %dma_wait3A_625 = tpu.memref_squeeze %dma_wait3A_624 : memref<1x48xi32, #tpu.memory_space<vmem>> -> memref<48xi32, #tpu.memory_space<vmem>>
    %dma_wait3A_626 = arith.constant 0 : i32
    %dma_wait3A_627 = arith.constant 0 : i32
    %dma_wait3A_628 = tpu.memref_slice %arg6[%dma_wait3A_626, %dma_wait3A_627] : memref<32768x1024xf32, #tpu.memory_space<hbm>> -> memref<32768x1024xf32, #tpu.memory_space<hbm>>
    tpu.wait_indirect_dma semaphore(%arg14 : memref<!tpu.dma_semaphore, #tpu.memory_space<semaphore_mem>>) src(%arg9 : memref<48x1024xf32, #tpu.memory_space<vmem>>) dst(%dma_wait3A_628 : memref<32768x1024xf32, #tpu.memory_space<hbm>>)
    %dma_wait3A_629 = arith.constant 11 : i32
    %dma_wait3A_630 = arith.constant 0 : i32
    %dma_wait3A_631 = tpu.memref_slice %arg7[%dma_wait3A_629, %dma_wait3A_630] : memref<16x48xi32, #tpu.memory_space<vmem>> -> memref<1x48xi32, #tpu.memory_space<vmem>>
    %dma_wait3A_632 = tpu.memref_squeeze %dma_wait3A_631 : memref<1x48xi32, #tpu.memory_space<vmem>> -> memref<48xi32, #tpu.memory_space<vmem>>
    %dma_wait3A_633 = arith.constant 0 : i32
    %dma_wait3A_634 = arith.constant 0 : i32
    %dma_wait3A_635 = tpu.memref_slice %arg6[%dma_wait3A_633, %dma_wait3A_634] : memref<32768x1024xf32, #tpu.memory_space<hbm>> -> memref<32768x1024xf32, #tpu.memory_space<hbm>>
    tpu.wait_indirect_dma semaphore(%arg14 : memref<!tpu.dma_semaphore, #tpu.memory_space<semaphore_mem>>) src(%arg9 : memref<48x1024xf32, #tpu.memory_space<vmem>>) dst(%dma_wait3A_635 : memref<32768x1024xf32, #tpu.memory_space<hbm>>)
    %dma_wait3A_636 = arith.constant 12 : i32
    %dma_wait3A_637 = arith.constant 0 : i32
    %dma_wait3A_638 = tpu.memref_slice %arg7[%dma_wait3A_636, %dma_wait3A_637] : memref<16x48xi32, #tpu.memory_space<vmem>> -> memref<1x48xi32, #tpu.memory_space<vmem>>
    %dma_wait3A_639 = tpu.memref_squeeze %dma_wait3A_638 : memref<1x48xi32, #tpu.memory_space<vmem>> -> memref<48xi32, #tpu.memory_space<vmem>>
    %dma_wait3A_640 = arith.constant 0 : i32
    %dma_wait3A_641 = arith.constant 0 : i32
    %dma_wait3A_642 = tpu.memref_slice %arg6[%dma_wait3A_640, %dma_wait3A_641] : memref<32768x1024xf32, #tpu.memory_space<hbm>> -> memref<32768x1024xf32, #tpu.memory_space<hbm>>
    tpu.wait_indirect_dma semaphore(%arg14 : memref<!tpu.dma_semaphore, #tpu.memory_space<semaphore_mem>>) src(%arg9 : memref<48x1024xf32, #tpu.memory_space<vmem>>) dst(%dma_wait3A_642 : memref<32768x1024xf32, #tpu.memory_space<hbm>>)
    %dma_wait3A_643 = arith.constant 13 : i32
    %dma_wait3A_644 = arith.constant 0 : i32
    %dma_wait3A_645 = tpu.memref_slice %arg7[%dma_wait3A_643, %dma_wait3A_644] : memref<16x48xi32, #tpu.memory_space<vmem>> -> memref<1x48xi32, #tpu.memory_space<vmem>>
    %dma_wait3A_646 = tpu.memref_squeeze %dma_wait3A_645 : memref<1x48xi32, #tpu.memory_space<vmem>> -> memref<48xi32, #tpu.memory_space<vmem>>
    %dma_wait3A_647 = arith.constant 0 : i32
    %dma_wait3A_648 = arith.constant 0 : i32
    %dma_wait3A_649 = tpu.memref_slice %arg6[%dma_wait3A_647, %dma_wait3A_648] : memref<32768x1024xf32, #tpu.memory_space<hbm>> -> memref<32768x1024xf32, #tpu.memory_space<hbm>>
    tpu.wait_indirect_dma semaphore(%arg14 : memref<!tpu.dma_semaphore, #tpu.memory_space<semaphore_mem>>) src(%arg9 : memref<48x1024xf32, #tpu.memory_space<vmem>>) dst(%dma_wait3A_649 : memref<32768x1024xf32, #tpu.memory_space<hbm>>)
    %dma_wait3A_650 = arith.constant 14 : i32
    %dma_wait3A_651 = arith.constant 0 : i32
    %dma_wait3A_652 = tpu.memref_slice %arg7[%dma_wait3A_650, %dma_wait3A_651] : memref<16x48xi32, #tpu.memory_space<vmem>> -> memref<1x48xi32, #tpu.memory_space<vmem>>
    %dma_wait3A_653 = tpu.memref_squeeze %dma_wait3A_652 : memref<1x48xi32, #tpu.memory_space<vmem>> -> memref<48xi32, #tpu.memory_space<vmem>>
    %dma_wait3A_654 = arith.constant 0 : i32
    %dma_wait3A_655 = arith.constant 0 : i32
    %dma_wait3A_656 = tpu.memref_slice %arg6[%dma_wait3A_654, %dma_wait3A_655] : memref<32768x1024xf32, #tpu.memory_space<hbm>> -> memref<32768x1024xf32, #tpu.memory_space<hbm>>
    tpu.wait_indirect_dma semaphore(%arg14 : memref<!tpu.dma_semaphore, #tpu.memory_space<semaphore_mem>>) src(%arg9 : memref<48x1024xf32, #tpu.memory_space<vmem>>) dst(%dma_wait3A_656 : memref<32768x1024xf32, #tpu.memory_space<hbm>>)
    %dma_wait3A_657 = arith.constant 15 : i32
    %dma_wait3A_658 = arith.constant 0 : i32
    %dma_wait3A_659 = tpu.memref_slice %arg7[%dma_wait3A_657, %dma_wait3A_658] : memref<16x48xi32, #tpu.memory_space<vmem>> -> memref<1x48xi32, #tpu.memory_space<vmem>>
    %dma_wait3A_660 = tpu.memref_squeeze %dma_wait3A_659 : memref<1x48xi32, #tpu.memory_space<vmem>> -> memref<48xi32, #tpu.memory_space<vmem>>
    %dma_wait3A_661 = arith.constant 0 : i32
    %dma_wait3A_662 = arith.constant 0 : i32
    %dma_wait3A_663 = tpu.memref_slice %arg6[%dma_wait3A_661, %dma_wait3A_662] : memref<32768x1024xf32, #tpu.memory_space<hbm>> -> memref<32768x1024xf32, #tpu.memory_space<hbm>>
    tpu.wait_indirect_dma semaphore(%arg14 : memref<!tpu.dma_semaphore, #tpu.memory_space<semaphore_mem>>) src(%arg9 : memref<48x1024xf32, #tpu.memory_space<vmem>>) dst(%dma_wait3A_663 : memref<32768x1024xf32, #tpu.memory_space<hbm>>)
    return
  }
}

module attributes {stable_mosaic.version = 14 : i64} {
  func.func @_copy_kernel(%arg0: i32, %arg1: memref<1x2048x1024xf32, #tpu.memory_space<vmem>>, %arg2: memref<1x2048x1024xf32, #tpu.memory_space<vmem>>) attributes {dimension_semantics = [#tpu.dimension_semantics<arbitrary>], iteration_bounds = array<i64: 16>, scalar_prefetch = 0 : i64, scratch_operands = 0 : i64, tpu.core_type = #tpu.core_type<tc>, window_params = [{transform_indices = @transform_0, window_bounds = array<i64: 1, 2048, 1024>}, {transform_indices = @transform_1, window_bounds = array<i64: 1, 2048, 1024>}]} {
    %get3A = arith.constant 0 : index
    %get3A_0 = arith.constant 0 : index
    %get3A_1 = arith.constant 0 : index
    %get3A_2 = vector.load %arg1[%get3A, %get3A_0, %get3A_1] : memref<1x2048x1024xf32, #tpu.memory_space<vmem>>, vector<1x2048x1024xf32>
    %get3A_3 = vector.shape_cast %get3A_2 : vector<1x2048x1024xf32> to vector<2048x1024xf32>
    %swap3A = arith.constant 0 : index
    %swap3A_4 = arith.constant 0 : index
    %swap3A_5 = arith.constant 0 : index
    %swap3A_6 = vector.load %arg2[%swap3A, %swap3A_4, %swap3A_5] : memref<1x2048x1024xf32, #tpu.memory_space<vmem>>, vector<1x2048x1024xf32>
    %swap3A_7 = vector.shape_cast %swap3A_6 : vector<1x2048x1024xf32> to vector<2048x1024xf32>
    %swap3A_8 = vector.shape_cast %get3A_3 : vector<2048x1024xf32> to vector<1x2048x1024xf32>
    tpu.vector_store %arg2[%swap3A, %swap3A_4, %swap3A_5], %swap3A_8 {strides = array<i32>} : memref<1x2048x1024xf32, #tpu.memory_space<vmem>>, vector<1x2048x1024xf32>,
    return
  }
  func.func @transform_0(%arg0: i32) -> (i32, i32, i32) {
    %c0_i32 = arith.constant 0 : i32
    %c0_i32_0 = arith.constant 0 : i32
    %c0_i32_1 = arith.constant 0 : i32
    return %arg0, %c0_i32, %c0_i32_0 : i32, i32, i32
  }
  func.func @transform_1(%arg0: i32) -> (i32, i32, i32) {
    %c0_i32 = arith.constant 0 : i32
    %c0_i32_0 = arith.constant 0 : i32
    %c0_i32_1 = arith.constant 0 : i32
    return %arg0, %c0_i32, %c0_i32_0 : i32, i32, i32
  }
}

</mosaic_0001>

<sc_bundles>
// kernel: kernel.4.cloned.1.call-start
scs
__scs_entry_jumppad:
0x0: {  	(pc) =	sbr.rel $0x88, $3  }
0x1: {  	(tag) =	ssettag $0x0;
	lr =	simm.s32 $0x1  }
0x2: {  	[smem:$0x3FA0] =	sst lr;
	_ =	strace $0xD0000000  }
0x3: {  	_ = 	snop  }
0x4: {  	_ = 	snop  }
0x5: {  	_ = 	snop  }
0x6: {  	_ = 	snop  }
0x7: {  	_ = 	snop  }
__scs_overlays_trampoline_lowered:
0x8: {  	[smem:$0x3FAF] =	sst s0  }
0x9: {  	[smem:$0x3FB0] =	sst s1  }
0xa: {  	[smem:$0x3FB1] =	sst s2  }
0xb: {  	[smem:$0x3FB2] =	sst s3  }
0xc: {  	[smem:$0x3FB3] =	sst s4  }
0xd: {  	[smem:$0x3FB4] =	sst s5  }
0xe: {  	[smem:$0x3FB5] =	sst s6  }
0xf: {  	[smem:$0x3FB6] =	sst s7  }
0x10: {  	[smem:$0x3FB7] =	sst s8  }
0x11: {  	[smem:$0x3FB8] =	sst s9;
	s0 =	simm.s32 @!p0 $0x0  }
0x12: {  	s1 =	sld [smem:$0x3F9E];
	s0 =	simm.s32 @p0 $0x1  }
0x13: {  	[smem:$0x3FB9] =	sst s0;
	s0 =	simm.s32 @!p1 $0x0  }
0x14: {  	s2 =	sld [smem:$0x3F9D];
	s0 =	simm.s32 @p1 $0x1  }
0x15: {  	[smem:$0x3FBA] =	sst s0;
	s0 =	simm.s32 @!p2 $0x0  }
0x16: {  	s3 =	sld [smem:$0x3FDB];
	s0 =	simm.s32 @p2 $0x1  }
0x17: {  	s4 =	simm.s32 $0x1BF5;
	[smem:$0x3FBC] =	sst s0  }
0x18: {  	s0 =	sld [smem:$0x3F9F];
	_ =	swait.ge [sflag:s4], $0x0  }
0x19: {  	s7 =	sld [smem:$0x3FA0]  }
0x1a: {  	s8 =	sadd.s32 $0xFFFFE003, lr  }
0x1b: {  	s9 =	sadd.s32 $0xFFFFFEF7, lr;
	s5 =	simm.s32 $0xFFFFFFFF;
	p2 =	slt.u32 s8, $0xFFFFF086  }
0x1c: {  	p1 =	slt.u32 s9, $0xF7A;
	s5 =	simm.s32 @!p2 $0x0  }
0x1d: {  	s5 =	simm.s32 @p1 $0x1;
	p0 =	seq.s32 s7, s2  }
0x1e: {  	s7 =	smul.u32 @!p0 $0xF7A, s2;
	p2 =	seq.s32 @!p0 s5, $0x0  }
0x1f: {  	s9 =	smul.u32 $0xF7A, s1;
	s8 =	simm.s32 @!p0 $0x1BF5;
	p2 =	por !p2, p0  }
0x20: {  	[sflag:s8] =	ssyncset.s32 @!p0 $0xFFFFF086;
	s6 =	sadd.s32 @!p0 s3, s7;
	s7 =	simm.s32 @!p0 $0x108  }
0x21: {  	s3 =	sadd.s32 s3, s9;
	s6 =	sadd.s32 @!p0 $0x88, s6;
	s7 =	simm.s32 @p2 $0x1082  }
0x22: {  	[simem:s7], [sflag:s8] =	dma.local @!p0 [hbm:s6], $0xF7A  }
0x23: {  	s9 =	sor.u32 $0xD0000000, s2;
	s6 =	simm.s32 $0x108;
	_ =	swait.ge @!p0 [sflag:s8], $0x0  }
0x24: {  	s3 =	sadd.s32 $0x88, s3;
	s6 =	simm.s32 @!p1 $0x1082;
	[sflag:s4] =	ssyncset.s32 $0xFFFFF086  }
0x25: {  	[simem:s6], [sflag:s4] =	dma.local [hbm:s3], $0xF7A  }
0x26: {  	[smem:$0x3FA0] =	sst s1;
	(tag) =	ssettag s2;
	_ =	strace s9  }
0x27: {  	s1 =	sld [smem:$0x3FB0]  }
0x28: {  	s2 =	sld [smem:$0x3FB1]  }
0x29: {  	s4 =	sld [smem:$0x3FB3]  }
0x2a: {  	p0 =	seq.s32 s5, $0x0;
	s5 =	sld [smem:$0x3FB4]  }
0x2b: {  	s6 =	sld [smem:$0x3FB5]  }
0x2c: {  	s7 =	sld [smem:$0x3FB6]  }
0x2d: {  	s3 =	simm.s32 $0x108;
	s8 =	sld [smem:$0x3FB7]  }
0x2e: {  	s3 =	simm.s32 @!p0 $0x1082;
	s9 =	sld [smem:$0x3FB8]  }
0x2f: {  	lr =	sadd.s32 s0, s3;
	s0 =	sld [smem:$0x3FAF]  }
0x30: {  	s3 =	sld [smem:$0x3FB2]  }
0x31: {  	[smem:$0x3FBB] =	sst s10  }
0x32: {  	s10 =	sld [smem:$0x3FB9];
	_ =	sdelay $0x3  }
0x33: {  	p0 =	seq.s32 s10, $0x1;
	s10 =	sld [smem:$0x3FBB];
	_ =	sdelay $0x3  }
0x34: {  	[smem:$0x3FBB] =	sst s10  }
0x35: {  	s10 =	sld [smem:$0x3FBA];
	_ =	sdelay $0x3  }
0x36: {  	p1 =	seq.s32 s10, $0x1;
	s10 =	sld [smem:$0x3FBB];
	_ =	sdelay $0x3  }
0x37: {  	[smem:$0x3FBB] =	sst s10  }
0x38: {  	s10 =	sld [smem:$0x3FBC]  }
0x39: {  	_ = 	snop;
	(pc) =	sbr.ind lr, $3  }
0x3a: {  	_ = 	snop  }
0x3b: {  	_ = 	snop  }
0x3c: {  	p2 =	seq.s32 s10, $0x1;
	s10 =	sld [smem:$0x3FBB]  }
0x3d: {  	_ =	shalt  }
0x3e: {  	_ =	shalt  }
0x3f: {  	_ =	shalt  }
0x40: {  	_ =	shalt  }
0x41: {  	_ =	shalt  }
0x42: {  	_ =	shalt  }
0x43: {  	_ =	shalt  }
0x44: {  	_ =	shalt  }
0x45: {  	_ =	shalt  }
0x46: {  	_ =	shalt  }
0x47: {  	_ =	shalt  }
0x48: {  	_ =	shalt  }
0x49: {  	_ =	shalt  }
0x4a: {  	_ =	shalt  }
0x4b: {  	_ =	shalt  }
0x4c: {  	_ =	shalt  }
0x4d: {  	_ =	shalt  }
0x4e: {  	_ =	shalt  }
0x4f: {  	_ =	shalt  }
0x50: {  	_ =	shalt  }
0x51: {  	_ =	shalt  }
0x52: {  	_ =	shalt  }
0x53: {  	_ =	shalt  }
0x54: {  	_ =	shalt  }
0x55: {  	_ =	shalt  }
0x56: {  	_ =	shalt  }
0x57: {  	_ =	shalt  }
0x58: {  	_ =	shalt  }
0x59: {  	_ =	shalt  }
0x5a: {  	_ =	shalt  }
0x5b: {  	_ =	shalt  }
0x5c: {  	_ =	shalt  }
0x5d: {  	_ =	shalt  }
0x5e: {  	_ =	shalt  }
0x5f: {  	_ =	shalt  }
0x60: {  	_ =	shalt  }
0x61: {  	_ =	shalt  }
0x62: {  	_ =	shalt  }
0x63: {  	_ =	shalt  }
0x64: {  	_ =	shalt  }
0x65: {  	_ =	shalt  }
0x66: {  	_ =	shalt  }
0x67: {  	_ =	shalt  }
0x68: {  	_ =	shalt  }
0x69: {  	_ =	shalt  }
0x6a: {  	_ =	shalt  }
0x6b: {  	_ =	shalt  }
0x6c: {  	_ =	shalt  }
0x6d: {  	_ =	shalt  }
0x6e: {  	_ =	shalt  }
0x6f: {  	_ =	shalt  }
0x70: {  	_ =	shalt  }
0x71: {  	_ =	shalt  }
0x72: {  	_ =	shalt  }
0x73: {  	_ =	shalt  }
0x74: {  	_ =	shalt  }
0x75: {  	_ =	shalt  }
0x76: {  	_ =	shalt  }
0x77: {  	_ =	shalt  }
0x78: {  	_ =	shalt  }
0x79: {  	_ =	shalt  }
0x7a: {  	_ =	shalt  }
0x7b: {  	_ =	shalt  }
0x7c: {  	_ =	shalt  }
0x7d: {  	_ =	shalt  }
0x7e: {  	_ =	shalt  }
0x7f: {  	_ =	shalt  }
0x80: {  	_ =	shalt  }
0x81: {  	_ =	shalt  }
0x82: {  	_ =	shalt  }
0x83: {  	_ =	shalt  }
0x84: {  	_ =	shalt  }
0x85: {  	_ =	shalt  }
0x86: {  	_ =	shalt  }
0x87: {  	_ =	shalt  }
.Lfunc_end0:
.L_simem_size_0:
called_computation_lowered:
.L_overlay_start_0:
0x88: {  	s2 =	sld [smem:$0x3FD9]  }
0x89: {  	s3 =	sld [smem:$0x3FFE];
	_ =	sdelay $0x1  }
0x8a: {  	s1 =	srdreg.scid  }
0x8b: {  	s0 =	sand.u32 $0x1, s1  }
0x8c: {  	s14 =	sshll.u32 s0, $0xA;
	s2 =	sadd.s32 s3, s2  }
0x8d: {  	s2 =	sadd.s32 s2, s14  }
0x8e: {  	[smem:$0x3FC7] =	sst s2  }
0x8f: {  	_ = 	snop  }
0x90: {  	s2 =	sld [smem:$0x3FD0];
	_ =	sdelay $0x2  }
0x91: {  	s4 =	simm.s32 $0xA;
	s5 =	simm.s32 $0x10;
	s15 =	sld [smem:$0x3FC9]  }
0x92: {  	[smem:s5], [sflag:s4] =	dma.local [hbm:s2], $0x1  }
0x93: {  	_ =	swait.eq [sflag:s4], $0x1  }
0x94: {  	[sflag:s4] =	ssyncset.done $0x0  }
0x95: {  	[sflag:s4] =	ssyncadd.s32 $0xFFFFFFFF  }
0x96: {  	s16 =	sld [smem:$0x10];
	(tm) =	ssettm $0x1  }
0x97: {  	s17 =	sld [smem:$0x3FFB];
	_ =	sdelay $0x3  }
0x98: {  	_ =	strace s17  }
0x99: {  	s4 =	sld [smem:$0x3FFC];
	_ =	sdelay $0x3  }
0x9a: {  	_ =	strace s4  }
0x9b: {  	s4 =	sld [smem:$0x3FFD];
	_ =	sdelay $0x3  }
0x9c: {  	_ =	strace s4  }
0x9d: {  	_ =	strace $0x8FFFFFFF  }
0x9e: {  	s18 =	sld [smem:$0x3FDB];
	_ =	sdelay $0x1  }
0x9f: {  	s19 =	simm.s32 $_scs_section_size  }
0xa0: {  	s6 =	simm.s32 $_size__tile_overlayer_lowered;
	s7 =	simm.s32 $_tile_overlayer_lowered  }
0xa1: {  	s22 =	simm.s32 $0x1BFF;
	s21 =	sshll.u32 s7, $0x1;
	s4 =	sadd.s32 s19, s18  }
0xa2: {  	s8 =	simm.s32 $0x0;
	s20 =	sshll.u32 s6, $0x1;
	s6 =	sadd.s32 s21, s4  }
0xa3: {  	[timem:s8], [sflag:s22] =	dma.local [hbm:s6], s20  }
0xa4: {  	_ =	swait.ge [sflag:s22], s20  }
0xa5: {  	s5 =	ssub.s32 $0x0, s20;
	[sflag:s22] =	ssyncset.done $0x0  }
0xa6: {  	[sflag:s22] =	ssyncadd.s32 s5;
	_ =	sdelay $0x1  }
0xa7: {  	s23 =	simm.s32 $0x1B8B  }
0xa8: {  	_ =	swait.ge [sflag:s23], $0x1  }
0xa9: {  	[sflag:s23] =	ssyncset.done $0x0  }
0xaa: {  	s25 =	simm.s32 $0x1B8E;
	s24 =	sld [smem:$0x3FFE];
	[sflag:s23] =	ssyncadd.s32 $0xFFFFFFFF  }
0xab: {  	s26 =	simm.s32 $execute0_lowered;
	[smem:$0x3FD2] =	sst s25  }
0xac: {  	s6 =	sshll.u32 s26, $0x1;
	_ =	strace $0x80000046;
	[dreg:$0x1] =	wrdreg $0xFFFFFFFF  }
0xad: {  	s28 =	simm.s32 $_size_execute0_lowered;
	s4 =	sadd.s32 s4, s6;
	[dreg:$0x0] =	wrdreg $0x0  }
0xae: {  	s6 =	sshll.u32 s28, $0x1;
	[dreg:$0x2] =	wrdreg s4  }
0xaf: {  	[dreg:$0x3] =	wrdreg s6  }
0xb0: {  	[dreg:$0x4] =	wrdreg $0xC0  }
0xb1: {  	_ =	task [dreg:s8], $0x5FFFF  }
0xb2: {  	[dreg:$0x1] =	wrdreg $0xFFFFFFFF  }
0xb3: {  	[dreg:$0x0] =	wrdreg $0x60  }
0xb4: {  	[dreg:$0x2] =	wrdreg s15  }
0xb5: {  	[dreg:$0x3] =	wrdreg s24  }
0xb6: {  	[dreg:$0x4] =	wrdreg s16  }
0xb7: {  	[dreg:$0x5] =	wrdreg $0x9  }
0xb8: {  	_ =	task.clear_ibuf [dreg:s8], $0x6FFFF;
	_ =	strace $0x90000046  }
0xb9: {  	s29 =	simm.s32 $0x9;
	_ =	strace $0x80000048  }
0xba: {  	_ =	swait.ge [sflag:s29], $0x1  }
0xbb: {  	[sflag:s29] =	ssyncadd.s32 $0xFFFFFFFF  }
0xbc: {  	_ =	strace $0x90000048  }
0xbd: {  	_ =	sfence  }
0xbe: {  	s30 =	sld [smem:$0x0];
	_ =	sdelay $0x2  }
0xbf: {  	s31 =	sshll.u32 s1, $0xD;
	s1 =	sshrl.u32 s1, $0x2  }
0xc0: {  	s3 =	sand.u32 $0x4000, s31;
	s1 =	sadd.s32 s1, s30  }
0xc1: {  	s0 =	sor.u32 s3, s0;
	s1 =	sshll.u32 s1, $0x11  }
0xc2: {  	s0 =	sor.u32 s1, s0  }
0xc3: {  	s0 =	sadd.s32 $0x8F2B, s0  }
0xc4: {  	[sflag:s0] =	ssyncadd.remote.s32 $0x1  }
0xc5: {  	_ =	sfence.sel $0xFFFF  }
0xc6: {  	[dreg:$0x0] =	wrdreg $0xFFFFFFFF;
	(pc) =	sbr.abs _section_cstart, $3  }
0xc7: {  	[dreg:$0x1] =	wrdreg $0xFFFFFFFF  }
0xc8: {  	_ =	task.clear_ibuf [dreg:s8], $0x2FFFF;
	_ =	strace $0x9FFFFFFF  }
0xc9: {  	(tm) =	ssettm $0x7FFFFFFF  }
tec
execute0_lowered:
.L_overlay_start_1:
0x0: {  	(tag) =	ssettag $0x1  }
0x1: {  	s1 =	rddreg [dreg:$0x0]  }
0x2: {  	s0 =	rddreg [dreg:$0x1]  }
0x3: {  	s3 =	rddreg [dreg:$0x2];
	s2 =	srdreg.scid  }
0x4: {  	s5 =	stileid.u32;
	s4 =	simm.s32 $0x0;
	s31 =	simm.s32 $0x800  }
0x5: {  	s2 =	sand.u32 $0x1, s2;
	s5 =	sshll.u32 s5, $0x9;
	[smem:$0x7FF] =	sst s4  }
0x6: {  	s7 =	sadd.s32 $0x300, s3;
	s8 =	sadd.s32 $0x100, s1;
	s9 =	sadd.s32 $0x200, s1  }
0x7: {  	s10 =	sadd.s32 $0x300, s1;
	s6 =	sshll.u32 s2, $0x8;
	_ =	strace $0x80000047  }
0x8: {  	s26 =	ssub.s32 $0x2, s2;
	[dreg:$0x7] =	wrdreg s31;
	s5 =	sor.u32 s6, s5  }
0x9: {  	s29 =	sshrl.u32 s26, $0x1;
	s5 =	sadd.s32 s5, s0;
	s0 =	sadd.s32 $0x4600, s0  }
0xa: {  	v2 =	vlaneseq.u32;
	s6 =	sadd.s32 $0x200, s3;
	[dreg:$0x4] =	wrdreg s0;
	s28 =	sadd.s32 $0x600, s5  }
0xb: {  	vm0 =	vmmov $0xffff;
	v1 =	vshrl.u32 v2, $0x3;
	s30 =	sadd.s32 $0x2600, s5;
	s0 =	ssub.s32 s26, s29;
	[dreg:$0x5] =	wrdreg s28  }
0xc: {  	v0 =	vand.u32 $0x7, v2;
	v2 =	vor.u32 $0x8, v2;
	v1 =	vmul.u32 $0x8, v1;
	s5 =	sadd.s32 $0x100, s3;
	[dreg:$0x6] =	wrdreg s30;
	s1 =	smax.u32 s0, $0x1  }
.LBB2_1:
0xd: {  	[dreg:$0x8] =	wrdreg s1  }
0xe: {  	s17 =	rddreg [dreg:$0x5];
	s20 =	simm.s32 $0xA  }
0xf: {  	[tilespmem:s4], [sflag:$0xA] =	stream.linear.gather [hbm4b:s17+s4], $0x800, $0x38;
	[tilespmem:$0x1D000] =	vst v63  }
0x10: {  	_ =	swait.ge [sflag:s20], $0x800  }
0x11: {  	s24 =	rddreg [dreg:$0x6];
	[sflag:s20] =	ssyncset.done $0x0  }
0x12: {  	s18 =	rddreg [dreg:$0x7];
	[sflag:s20] =	ssyncadd.s32 $0xFFFFF800  }
0x13: {  	[tilespmem:s18], [sflag:$0xA] =	stream.linear.gather [hbm4b:s24+s4], $0x800, $0x38;
	[tilespmem:$0x1D000] =	vst v63  }
0x14: {  	_ =	swait.ge [sflag:s20], $0x800  }
0x15: {  	[sflag:s20] =	ssyncset.done $0x0  }
0x16: {  	s0 =	simm.s32 $0x1000;
	s25 =	rddreg [dreg:$0x4];
	[sflag:s20] =	ssyncadd.s32 $0xFFFFF800  }
0x17: {  	[tilespmem:s0], [sflag:$0xA] =	stream.linear.gather [hbm4b:s25+s4], $0xC000, $0x38;
	[tilespmem:$0x1D000] =	vst v63  }
0x18: {  	_ =	swait.ge [sflag:s20], $0xC000  }
0x19: {  	[sflag:s20] =	ssyncset.done $0x0  }
0x1a: {  	[sflag:s20] =	ssyncadd.s32 $0xFFFF4000  }
0x1b: {  	v3 =	vld [tilespmem:$0x0];
	_ =	sdelay $0x4  }
0x1c: {  	v4 =	vshll.u32 v3, $0x3  }
0x1d: {  	v3 =	vand.u32 $0x7, v3;
	v4 =	vand.u32 $0xFFFFFFC0, v4  }
0x1e: {  	v3 =	vor.u32 v3, v4  }
0x1f: {  	v4 =	vperm.xlane v3, v0;
	_ =	sdelay $0x1  }
0x20: {  	v4 =	vadd.s32 v1, v4;
	_ =	sdelay $0x3  }
0x21: {  	s26 =	simm.s32 $0x1000  }
0x22: {  	[hbm4b:s3+s4] =	stream.indirect_vreg.scatter [tilespmem:s26], [sflag:$0x1], $0x80, v4, vm0, $0xb8;
	[tilespmem:$0x1D000] =	vst v63  }
0x23: {  	s28 =	simm.s32 $0x1800;
	v3 =	vperm.xlane v3, v2  }
0x24: {  	[hbm4b:s5+s4] =	stream.indirect_vreg.scatter [tilespmem:s28], [sflag:$0x1], $0x80, v4, vm0, $0xb8;
	[tilespmem:$0x1D000] =	vst v63  }
0x25: {  	s29 =	simm.s32 $0x2000;
	v3 =	vadd.s32 v1, v3  }
0x26: {  	[hbm4b:s6+s4] =	stream.indirect_vreg.scatter [tilespmem:s29], [sflag:$0x1], $0x80, v4, vm0, $0xb8;
	[tilespmem:$0x1D000] =	vst v63  }
0x27: {  	s30 =	simm.s32 $0x2800  }
0x28: {  	[hbm4b:s7+s4] =	stream.indirect_vreg.scatter [tilespmem:s30], [sflag:$0x1], $0x80, v4, vm0, $0xb8;
	[tilespmem:$0x1D000] =	vst v63  }
0x29: {  	s31 =	simm.s32 $0x3000  }
0x2a: {  	[hbm4b:s3+s4] =	stream.indirect_vreg.scatter [tilespmem:s31], [sflag:$0x1], $0x80, v3, vm0, $0xb8;
	[tilespmem:$0x1D000] =	vst v63  }
0x2b: {  	s1 =	simm.s32 $0x3800  }
0x2c: {  	[hbm4b:s5+s4] =	stream.indirect_vreg.scatter [tilespmem:s1], [sflag:$0x1], $0x80, v3, vm0, $0xb8;
	[tilespmem:$0x1D000] =	vst v63  }
0x2d: {  	s2 =	simm.s32 $0x4000  }
0x2e: {  	[hbm4b:s6+s4] =	stream.indirect_vreg.scatter [tilespmem:s2], [sflag:$0x1], $0x80, v3, vm0, $0xb8;
	[tilespmem:$0x1D000] =	vst v63  }
0x2f: {  	s11 =	simm.s32 $0x4800  }
0x30: {  	[hbm4b:s7+s4] =	stream.indirect_vreg.scatter [tilespmem:s11], [sflag:$0x1], $0x80, v3, vm0, $0xb8;
	[tilespmem:$0x1D000] =	vst v63  }
0x31: {  	v3 =	vld [tilespmem:$0x10];
	_ =	sdelay $0x4  }
0x32: {  	v41 =	vshll.u32 v3, $0x3  }
0x33: {  	v3 =	vand.u32 $0x7, v3;
	v4 =	vand.u32 $0xFFFFFFC0, v41  }
0x34: {  	v3 =	vor.u32 v3, v4  }
0x35: {  	v4 =	vperm.xlane v3, v0;
	_ =	sdelay $0x1  }
0x36: {  	v4 =	vadd.s32 v1, v4;
	_ =	sdelay $0x3  }
0x37: {  	s18 =	simm.s32 $0x5000  }
0x38: {  	[hbm4b:s3+s4] =	stream.indirect_vreg.scatter [tilespmem:s18], [sflag:$0x1], $0x80, v4, vm0, $0xb8;
	[tilespmem:$0x1D000] =	vst v63  }
0x39: {  	s19 =	simm.s32 $0x5800;
	v3 =	vperm.xlane v3, v2  }
0x3a: {  	[hbm4b:s5+s4] =	stream.indirect_vreg.scatter [tilespmem:s19], [sflag:$0x1], $0x80, v4, vm0, $0xb8;
	[tilespmem:$0x1D000] =	vst v63  }
0x3b: {  	s20 =	simm.s32 $0x6000;
	v3 =	vadd.s32 v1, v3  }
0x3c: {  	[hbm4b:s6+s4] =	stream.indirect_vreg.scatter [tilespmem:s20], [sflag:$0x1], $0x80, v4, vm0, $0xb8;
	[tilespmem:$0x1D000] =	vst v63  }
0x3d: {  	s21 =	simm.s32 $0x6800  }
0x3e: {  	[hbm4b:s7+s4] =	stream.indirect_vreg.scatter [tilespmem:s21], [sflag:$0x1], $0x80, v4, vm0, $0xb8;
	[tilespmem:$0x1D000] =	vst v63  }
0x3f: {  	s22 =	simm.s32 $0x7000  }
0x40: {  	[hbm4b:s3+s4] =	stream.indirect_vreg.scatter [tilespmem:s22], [sflag:$0x1], $0x80, v3, vm0, $0xb8;
	[tilespmem:$0x1D000] =	vst v63  }
0x41: {  	s23 =	simm.s32 $0x7800  }
0x42: {  	[hbm4b:s5+s4] =	stream.indirect_vreg.scatter [tilespmem:s23], [sflag:$0x1], $0x80, v3, vm0, $0xb8;
	[tilespmem:$0x1D000] =	vst v63  }
0x43: {  	s25 =	simm.s32 $0x8000  }
0x44: {  	[hbm4b:s6+s4] =	stream.indirect_vreg.scatter [tilespmem:s25], [sflag:$0x1], $0x80, v3, vm0, $0xb8;
	[tilespmem:$0x1D000] =	vst v63  }
0x45: {  	s26 =	simm.s32 $0x8800  }
0x46: {  	[hbm4b:s7+s4] =	stream.indirect_vreg.scatter [tilespmem:s26], [sflag:$0x1], $0x80, v3, vm0, $0xb8;
	[tilespmem:$0x1D000] =	vst v63  }
0x47: {  	v3 =	vld [tilespmem:$0x20];
	_ =	sdelay $0x4  }
0x48: {  	v42 =	vshll.u32 v3, $0x3  }
0x49: {  	v3 =	vand.u32 $0x7, v3;
	v4 =	vand.u32 $0xFFFFFFC0, v42  }
0x4a: {  	v3 =	vor.u32 v3, v4  }
0x4b: {  	v4 =	vperm.xlane v3, v0;
	_ =	sdelay $0x1  }
0x4c: {  	v4 =	vadd.s32 v1, v4;
	_ =	sdelay $0x3  }
0x4d: {  	s29 =	simm.s32 $0x9000  }
0x4e: {  	[hbm4b:s3+s4] =	stream.indirect_vreg.scatter [tilespmem:s29], [sflag:$0x1], $0x80, v4, vm0, $0xb8;
	[tilespmem:$0x1D000] =	vst v63  }
0x4f: {  	s20 =	simm.s32 $0x9800;
	v3 =	vperm.xlane v3, v2  }
0x50: {  	[hbm4b:s5+s4] =	stream.indirect_vreg.scatter [tilespmem:s20], [sflag:$0x1], $0x80, v4, vm0, $0xb8;
	[tilespmem:$0x1D000] =	vst v63  }
0x51: {  	s21 =	simm.s32 $0xA000;
	v3 =	vadd.s32 v1, v3  }
0x52: {  	[hbm4b:s6+s4] =	stream.indirect_vreg.scatter [tilespmem:s21], [sflag:$0x1], $0x80, v4, vm0, $0xb8;
	[tilespmem:$0x1D000] =	vst v63  }
0x53: {  	s22 =	simm.s32 $0xA800  }
0x54: {  	[hbm4b:s7+s4] =	stream.indirect_vreg.scatter [tilespmem:s22], [sflag:$0x1], $0x80, v4, vm0, $0xb8;
	[tilespmem:$0x1D000] =	vst v63  }
0x55: {  	s23 =	simm.s32 $0xB000  }
0x56: {  	[hbm4b:s3+s4] =	stream.indirect_vreg.scatter [tilespmem:s23], [sflag:$0x1], $0x80, v3, vm0, $0xb8;
	[tilespmem:$0x1D000] =	vst v63  }
0x57: {  	s25 =	simm.s32 $0xB800  }
0x58: {  	[hbm4b:s5+s4] =	stream.indirect_vreg.scatter [tilespmem:s25], [sflag:$0x1], $0x80, v3, vm0, $0xb8;
	[tilespmem:$0x1D000] =	vst v63  }
0x59: {  	s26 =	simm.s32 $0xC000  }
0x5a: {  	[hbm4b:s6+s4] =	stream.indirect_vreg.scatter [tilespmem:s26], [sflag:$0x1], $0x80, v3, vm0, $0xb8;
	[tilespmem:$0x1D000] =	vst v63  }
0x5b: {  	s2 =	simm.s32 $0xC800  }
0x5c: {  	[hbm4b:s7+s4] =	stream.indirect_vreg.scatter [tilespmem:s2], [sflag:$0x1], $0x80, v3, vm0, $0xb8;
	[tilespmem:$0x1D000] =	vst v63  }
0x5d: {  	v3 =	vld [tilespmem:$0x80];
	_ =	sdelay $0x4  }
0x5e: {  	v43 =	vshll.u32 v3, $0x3  }
0x5f: {  	v3 =	vand.u32 $0x7, v3;
	v4 =	vand.u32 $0xFFFFFFC0, v43  }
0x60: {  	v3 =	vor.u32 v3, v4  }
0x61: {  	v4 =	vperm.xlane v3, v0;
	_ =	sdelay $0x1  }
0x62: {  	v4 =	vadd.s32 v1, v4;
	_ =	sdelay $0x3  }
0x63: {  	s13 =	simm.s32 $0x1000  }
0x64: {  	[hbm4b:s3+s4] =	stream.indirect_vreg.scatter [tilespmem:s13], [sflag:$0x1], $0x80, v4, vm0, $0xb8;
	[tilespmem:$0x1D000] =	vst v63  }
0x65: {  	s15 =	simm.s32 $0x1800;
	v3 =	vperm.xlane v3, v2  }
0x66: {  	[hbm4b:s5+s4] =	stream.indirect_vreg.scatter [tilespmem:s15], [sflag:$0x1], $0x80, v4, vm0, $0xb8;
	[tilespmem:$0x1D000] =	vst v63  }
0x67: {  	s12 =	simm.s32 $0x2000;
	v3 =	vadd.s32 v1, v3  }
0x68: {  	[hbm4b:s6+s4] =	stream.indirect_vreg.scatter [tilespmem:s12], [sflag:$0x1], $0x80, v4, vm0, $0xb8;
	[tilespmem:$0x1D000] =	vst v63  }
0x69: {  	s17 =	simm.s32 $0x2800  }
0x6a: {  	[hbm4b:s7+s4] =	stream.indirect_vreg.scatter [tilespmem:s17], [sflag:$0x1], $0x80, v4, vm0, $0xb8;
	[tilespmem:$0x1D000] =	vst v63  }
0x6b: {  	s14 =	simm.s32 $0x3000  }
0x6c: {  	[hbm4b:s3+s4] =	stream.indirect_vreg.scatter [tilespmem:s14], [sflag:$0x1], $0x80, v3, vm0, $0xb8;
	[tilespmem:$0x1D000] =	vst v63  }
0x6d: {  	s16 =	simm.s32 $0x3800  }
0x6e: {  	[hbm4b:s5+s4] =	stream.indirect_vreg.scatter [tilespmem:s16], [sflag:$0x1], $0x80, v3, vm0, $0xb8;
	[tilespmem:$0x1D000] =	vst v63  }
0x6f: {  	s21 =	simm.s32 $0x4000  }
0x70: {  	[hbm4b:s6+s4] =	stream.indirect_vreg.scatter [tilespmem:s21], [sflag:$0x1], $0x80, v3, vm0, $0xb8;
	[tilespmem:$0x1D000] =	vst v63  }
0x71: {  	s13 =	simm.s32 $0x4800  }
0x72: {  	[hbm4b:s7+s4] =	stream.indirect_vreg.scatter [tilespmem:s13], [sflag:$0x1], $0x80, v3, vm0, $0xb8;
	[tilespmem:$0x1D000] =	vst v63  }
0x73: {  	v3 =	vld [tilespmem:$0x90];
	_ =	sdelay $0x4  }
0x74: {  	v44 =	vshll.u32 v3, $0x3  }
0x75: {  	v3 =	vand.u32 $0x7, v3;
	v4 =	vand.u32 $0xFFFFFFC0, v44  }
0x76: {  	v3 =	vor.u32 v3, v4  }
0x77: {  	v4 =	vperm.xlane v3, v0;
	_ =	sdelay $0x1  }
0x78: {  	v4 =	vadd.s32 v1, v4;
	_ =	sdelay $0x3  }
0x79: {  	s14 =	simm.s32 $0x5000  }
0x7a: {  	[hbm4b:s3+s4] =	stream.indirect_vreg.scatter [tilespmem:s14], [sflag:$0x1], $0x80, v4, vm0, $0xb8;
	[tilespmem:$0x1D000] =	vst v63  }
0x7b: {  	s28 =	simm.s32 $0x5800;
	v3 =	vperm.xlane v3, v2  }
0x7c: {  	[hbm4b:s5+s4] =	stream.indirect_vreg.scatter [tilespmem:s28], [sflag:$0x1], $0x80, v4, vm0, $0xb8;
	[tilespmem:$0x1D000] =	vst v63  }
0x7d: {  	s15 =	simm.s32 $0x6000;
	v3 =	vadd.s32 v1, v3  }
0x7e: {  	[hbm4b:s6+s4] =	stream.indirect_vreg.scatter [tilespmem:s15], [sflag:$0x1], $0x80, v4, vm0, $0xb8;
	[tilespmem:$0x1D000] =	vst v63  }
0x7f: {  	s24 =	simm.s32 $0x6800  }
0x80: {  	[hbm4b:s7+s4] =	stream.indirect_vreg.scatter [tilespmem:s24], [sflag:$0x1], $0x80, v4, vm0, $0xb8;
	[tilespmem:$0x1D000] =	vst v63  }
0x81: {  	s24 =	simm.s32 $0x7000  }
0x82: {  	[hbm4b:s3+s4] =	stream.indirect_vreg.scatter [tilespmem:s24], [sflag:$0x1], $0x80, v3, vm0, $0xb8;
	[tilespmem:$0x1D000] =	vst v63  }
0x83: {  	s17 =	simm.s32 $0x7800  }
0x84: {  	[hbm4b:s5+s4] =	stream.indirect_vreg.scatter [tilespmem:s17], [sflag:$0x1], $0x80, v3, vm0, $0xb8;
	[tilespmem:$0x1D000] =	vst v63  }
0x85: {  	s2 =	simm.s32 $0x8000  }
0x86: {  	[hbm4b:s6+s4] =	stream.indirect_vreg.scatter [tilespmem:s2], [sflag:$0x1], $0x80, v3, vm0, $0xb8;
	[tilespmem:$0x1D000] =	vst v63  }
0x87: {  	s0 =	simm.s32 $0x8800  }
0x88: {  	[hbm4b:s7+s4] =	stream.indirect_vreg.scatter [tilespmem:s0], [sflag:$0x1], $0x80, v3, vm0, $0xb8;
	[tilespmem:$0x1D000] =	vst v63  }
0x89: {  	v3 =	vld [tilespmem:$0xA0];
	_ =	sdelay $0x4  }
0x8a: {  	v45 =	vshll.u32 v3, $0x3  }
0x8b: {  	v3 =	vand.u32 $0x7, v3;
	v4 =	vand.u32 $0xFFFFFFC0, v45  }
0x8c: {  	v3 =	vor.u32 v3, v4  }
0x8d: {  	v4 =	vperm.xlane v3, v0;
	_ =	sdelay $0x1  }
0x8e: {  	v4 =	vadd.s32 v1, v4;
	_ =	sdelay $0x3  }
0x8f: {  	s30 =	simm.s32 $0x9000  }
0x90: {  	[hbm4b:s3+s4] =	stream.indirect_vreg.scatter [tilespmem:s30], [sflag:$0x1], $0x80, v4, vm0, $0xb8;
	[tilespmem:$0x1D000] =	vst v63  }
0x91: {  	s1 =	simm.s32 $0x9800;
	v3 =	vperm.xlane v3, v2  }
0x92: {  	[hbm4b:s5+s4] =	stream.indirect_vreg.scatter [tilespmem:s1], [sflag:$0x1], $0x80, v4, vm0, $0xb8;
	[tilespmem:$0x1D000] =	vst v63  }
0x93: {  	s11 =	simm.s32 $0xA000;
	v3 =	vadd.s32 v1, v3  }
0x94: {  	[hbm4b:s6+s4] =	stream.indirect_vreg.scatter [tilespmem:s11], [sflag:$0x1], $0x80, v4, vm0, $0xb8;
	[tilespmem:$0x1D000] =	vst v63  }
0x95: {  	s16 =	simm.s32 $0xA800  }
0x96: {  	[hbm4b:s7+s4] =	stream.indirect_vreg.scatter [tilespmem:s16], [sflag:$0x1], $0x80, v4, vm0, $0xb8;
	[tilespmem:$0x1D000] =	vst v63  }
0x97: {  	s11 =	simm.s32 $0xB000  }
0x98: {  	[hbm4b:s3+s4] =	stream.indirect_vreg.scatter [tilespmem:s11], [sflag:$0x1], $0x80, v3, vm0, $0xb8;
	[tilespmem:$0x1D000] =	vst v63  }
0x99: {  	s12 =	simm.s32 $0xB800  }
0x9a: {  	[hbm4b:s5+s4] =	stream.indirect_vreg.scatter [tilespmem:s12], [sflag:$0x1], $0x80, v3, vm0, $0xb8;
	[tilespmem:$0x1D000] =	vst v63  }
0x9b: {  	s23 =	simm.s32 $0xC000  }
0x9c: {  	[hbm4b:s6+s4] =	stream.indirect_vreg.scatter [tilespmem:s23], [sflag:$0x1], $0x80, v3, vm0, $0xb8;
	[tilespmem:$0x1D000] =	vst v63  }
0x9d: {  	s18 =	simm.s32 $0xC800  }
0x9e: {  	[hbm4b:s7+s4] =	stream.indirect_vreg.scatter [tilespmem:s18], [sflag:$0x1], $0x80, v3, vm0, $0xb8;
	[tilespmem:$0x1D000] =	vst v63  }
0x9f: {  	v3 =	vld [tilespmem:$0x100];
	_ =	sdelay $0x4  }
0xa0: {  	v46 =	vshll.u32 v3, $0x3  }
0xa1: {  	v3 =	vand.u32 $0x7, v3;
	v4 =	vand.u32 $0xFFFFFFC0, v46  }
0xa2: {  	v3 =	vor.u32 v3, v4  }
0xa3: {  	v4 =	vperm.xlane v3, v0;
	_ =	sdelay $0x1  }
0xa4: {  	v4 =	vadd.s32 v1, v4;
	_ =	sdelay $0x3  }
0xa5: {  	s18 =	simm.s32 $0x1000  }
0xa6: {  	[hbm4b:s3+s4] =	stream.indirect_vreg.scatter [tilespmem:s18], [sflag:$0x1], $0x80, v4, vm0, $0xb8;
	[tilespmem:$0x1D000] =	vst v63  }
0xa7: {  	s19 =	simm.s32 $0x1800;
	v3 =	vperm.xlane v3, v2  }
0xa8: {  	[hbm4b:s5+s4] =	stream.indirect_vreg.scatter [tilespmem:s19], [sflag:$0x1], $0x80, v4, vm0, $0xb8;
	[tilespmem:$0x1D000] =	vst v63  }
0xa9: {  	s20 =	simm.s32 $0x2000;
	v3 =	vadd.s32 v1, v3  }
0xaa: {  	[hbm4b:s6+s4] =	stream.indirect_vreg.scatter [tilespmem:s20], [sflag:$0x1], $0x80, v4, vm0, $0xb8;
	[tilespmem:$0x1D000] =	vst v63  }
0xab: {  	s26 =	simm.s32 $0x2800  }
0xac: {  	[hbm4b:s7+s4] =	stream.indirect_vreg.scatter [tilespmem:s26], [sflag:$0x1], $0x80, v4, vm0, $0xb8;
	[tilespmem:$0x1D000] =	vst v63  }
0xad: {  	s29 =	simm.s32 $0x3000  }
0xae: {  	[hbm4b:s3+s4] =	stream.indirect_vreg.scatter [tilespmem:s29], [sflag:$0x1], $0x80, v3, vm0, $0xb8;
	[tilespmem:$0x1D000] =	vst v63  }
0xaf: {  	s22 =	simm.s32 $0x3800  }
0xb0: {  	[hbm4b:s5+s4] =	stream.indirect_vreg.scatter [tilespmem:s22], [sflag:$0x1], $0x80, v3, vm0, $0xb8;
	[tilespmem:$0x1D000] =	vst v63  }
0xb1: {  	_ = 	snop  }
0xb2: {  	[hbm4b:s6+s4] =	stream.indirect_vreg.scatter [tilespmem:s21], [sflag:$0x1], $0x80, v3, vm0, $0xb8;
	[tilespmem:$0x1D000] =	vst v63  }
0xb3: {  	_ = 	snop  }
0xb4: {  	[hbm4b:s7+s4] =	stream.indirect_vreg.scatter [tilespmem:s13], [sflag:$0x1], $0x80, v3, vm0, $0xb8;
	[tilespmem:$0x1D000] =	vst v63  }
0xb5: {  	v3 =	vld [tilespmem:$0x110];
	_ =	sdelay $0x4  }
0xb6: {  	v47 =	vshll.u32 v3, $0x3  }
0xb7: {  	v3 =	vand.u32 $0x7, v3;
	v4 =	vand.u32 $0xFFFFFFC0, v47  }
0xb8: {  	v3 =	vor.u32 v3, v4  }
0xb9: {  	v4 =	vperm.xlane v3, v0;
	_ =	sdelay $0x1  }
0xba: {  	v4 =	vadd.s32 v1, v4;
	_ =	sdelay $0x4  }
0xbb: {  	[hbm4b:s3+s4] =	stream.indirect_vreg.scatter [tilespmem:s14], [sflag:$0x1], $0x80, v4, vm0, $0xb8;
	[tilespmem:$0x1D000] =	vst v63  }
0xbc: {  	s31 =	simm.s32 $0x5800;
	v3 =	vperm.xlane v3, v2  }
0xbd: {  	[hbm4b:s5+s4] =	stream.indirect_vreg.scatter [tilespmem:s31], [sflag:$0x1], $0x80, v4, vm0, $0xb8;
	[tilespmem:$0x1D000] =	vst v63  }
0xbe: {  	v3 =	vadd.s32 v1, v3  }
0xbf: {  	[hbm4b:s6+s4] =	stream.indirect_vreg.scatter [tilespmem:s15], [sflag:$0x1], $0x80, v4, vm0, $0xb8;
	[tilespmem:$0x1D000] =	vst v63  }
0xc0: {  	s25 =	simm.s32 $0x6800  }
0xc1: {  	[hbm4b:s7+s4] =	stream.indirect_vreg.scatter [tilespmem:s25], [sflag:$0x1], $0x80, v4, vm0, $0xb8;
	[tilespmem:$0x1D000] =	vst v63  }
0xc2: {  	_ = 	snop  }
0xc3: {  	[hbm4b:s3+s4] =	stream.indirect_vreg.scatter [tilespmem:s24], [sflag:$0x1], $0x80, v3, vm0, $0xb8;
	[tilespmem:$0x1D000] =	vst v63  }
0xc4: {  	_ = 	snop  }
0xc5: {  	[hbm4b:s5+s4] =	stream.indirect_vreg.scatter [tilespmem:s17], [sflag:$0x1], $0x80, v3, vm0, $0xb8;
	[tilespmem:$0x1D000] =	vst v63  }
0xc6: {  	_ = 	snop  }
0xc7: {  	[hbm4b:s6+s4] =	stream.indirect_vreg.scatter [tilespmem:s2], [sflag:$0x1], $0x80, v3, vm0, $0xb8;
	[tilespmem:$0x1D000] =	vst v63  }
0xc8: {  	_ = 	snop  }
0xc9: {  	[hbm4b:s7+s4] =	stream.indirect_vreg.scatter [tilespmem:s0], [sflag:$0x1], $0x80, v3, vm0, $0xb8;
	[tilespmem:$0x1D000] =	vst v63  }
0xca: {  	v3 =	vld [tilespmem:$0x120];
	_ =	sdelay $0x4  }
0xcb: {  	v48 =	vshll.u32 v3, $0x3  }
0xcc: {  	v3 =	vand.u32 $0x7, v3;
	v4 =	vand.u32 $0xFFFFFFC0, v48  }
0xcd: {  	v3 =	vor.u32 v3, v4  }
0xce: {  	v4 =	vperm.xlane v3, v0;
	_ =	sdelay $0x1  }
0xcf: {  	v4 =	vadd.s32 v1, v4;
	_ =	sdelay $0x3  }
0xd0: {  	s30 =	simm.s32 $0x9000  }
0xd1: {  	[hbm4b:s3+s4] =	stream.indirect_vreg.scatter [tilespmem:s30], [sflag:$0x1], $0x80, v4, vm0, $0xb8;
	[tilespmem:$0x1D000] =	vst v63  }
0xd2: {  	v3 =	vperm.xlane v3, v2  }
0xd3: {  	[hbm4b:s5+s4] =	stream.indirect_vreg.scatter [tilespmem:s1], [sflag:$0x1], $0x80, v4, vm0, $0xb8;
	[tilespmem:$0x1D000] =	vst v63  }
0xd4: {  	s28 =	simm.s32 $0xA000;
	v3 =	vadd.s32 v1, v3  }
0xd5: {  	[hbm4b:s6+s4] =	stream.indirect_vreg.scatter [tilespmem:s28], [sflag:$0x1], $0x80, v4, vm0, $0xb8;
	[tilespmem:$0x1D000] =	vst v63  }
0xd6: {  	_ = 	snop  }
0xd7: {  	[hbm4b:s7+s4] =	stream.indirect_vreg.scatter [tilespmem:s16], [sflag:$0x1], $0x80, v4, vm0, $0xb8;
	[tilespmem:$0x1D000] =	vst v63  }
0xd8: {  	_ = 	snop  }
0xd9: {  	[hbm4b:s3+s4] =	stream.indirect_vreg.scatter [tilespmem:s11], [sflag:$0x1], $0x80, v3, vm0, $0xb8;
	[tilespmem:$0x1D000] =	vst v63  }
0xda: {  	_ = 	snop  }
0xdb: {  	[hbm4b:s5+s4] =	stream.indirect_vreg.scatter [tilespmem:s12], [sflag:$0x1], $0x80, v3, vm0, $0xb8;
	[tilespmem:$0x1D000] =	vst v63  }
0xdc: {  	s23 =	simm.s32 $0xC000  }
0xdd: {  	[hbm4b:s6+s4] =	stream.indirect_vreg.scatter [tilespmem:s23], [sflag:$0x1], $0x80, v3, vm0, $0xb8;
	[tilespmem:$0x1D000] =	vst v63  }
0xde: {  	s28 =	simm.s32 $0xC800  }
0xdf: {  	[hbm4b:s7+s4] =	stream.indirect_vreg.scatter [tilespmem:s28], [sflag:$0x1], $0x80, v3, vm0, $0xb8;
	[tilespmem:$0x1D000] =	vst v63  }
0xe0: {  	v3 =	vld [tilespmem:$0x180];
	_ =	sdelay $0x4  }
0xe1: {  	v49 =	vshll.u32 v3, $0x3  }
0xe2: {  	v3 =	vand.u32 $0x7, v3;
	v4 =	vand.u32 $0xFFFFFFC0, v49  }
0xe3: {  	v3 =	vor.u32 v3, v4  }
0xe4: {  	v4 =	vperm.xlane v3, v0;
	_ =	sdelay $0x1  }
0xe5: {  	v4 =	vadd.s32 v1, v4;
	_ =	sdelay $0x3  }
0xe6: {  	s30 =	simm.s32 $0x1000  }
0xe7: {  	[hbm4b:s3+s4] =	stream.indirect_vreg.scatter [tilespmem:s30], [sflag:$0x1], $0x80, v4, vm0, $0xb8;
	[tilespmem:$0x1D000] =	vst v63  }
0xe8: {  	s18 =	simm.s32 $0x1800;
	v3 =	vperm.xlane v3, v2  }
0xe9: {  	[hbm4b:s5+s4] =	stream.indirect_vreg.scatter [tilespmem:s18], [sflag:$0x1], $0x80, v4, vm0, $0xb8;
	[tilespmem:$0x1D000] =	vst v63  }
0xea: {  	s20 =	simm.s32 $0x2000;
	v3 =	vadd.s32 v1, v3  }
0xeb: {  	[hbm4b:s6+s4] =	stream.indirect_vreg.scatter [tilespmem:s20], [sflag:$0x1], $0x80, v4, vm0, $0xb8;
	[tilespmem:$0x1D000] =	vst v63  }
0xec: {  	s26 =	simm.s32 $0x2800  }
0xed: {  	[hbm4b:s7+s4] =	stream.indirect_vreg.scatter [tilespmem:s26], [sflag:$0x1], $0x80, v4, vm0, $0xb8;
	[tilespmem:$0x1D000] =	vst v63  }
0xee: {  	s19 =	simm.s32 $0x3000  }
0xef: {  	[hbm4b:s3+s4] =	stream.indirect_vreg.scatter [tilespmem:s19], [sflag:$0x1], $0x80, v3, vm0, $0xb8;
	[tilespmem:$0x1D000] =	vst v63  }
0xf0: {  	s22 =	simm.s32 $0x3800  }
0xf1: {  	[hbm4b:s5+s4] =	stream.indirect_vreg.scatter [tilespmem:s22], [sflag:$0x1], $0x80, v3, vm0, $0xb8;
	[tilespmem:$0x1D000] =	vst v63  }
0xf2: {  	s21 =	simm.s32 $0x4000  }
0xf3: {  	[hbm4b:s6+s4] =	stream.indirect_vreg.scatter [tilespmem:s21], [sflag:$0x1], $0x80, v3, vm0, $0xb8;
	[tilespmem:$0x1D000] =	vst v63  }
0xf4: {  	s13 =	simm.s32 $0x4800  }
0xf5: {  	[hbm4b:s7+s4] =	stream.indirect_vreg.scatter [tilespmem:s13], [sflag:$0x1], $0x80, v3, vm0, $0xb8;
	[tilespmem:$0x1D000] =	vst v63  }
0xf6: {  	v3 =	vld [tilespmem:$0x190];
	_ =	sdelay $0x4  }
0xf7: {  	v50 =	vshll.u32 v3, $0x3  }
0xf8: {  	v3 =	vand.u32 $0x7, v3;
	v4 =	vand.u32 $0xFFFFFFC0, v50  }
0xf9: {  	v3 =	vor.u32 v3, v4  }
0xfa: {  	v4 =	vperm.xlane v3, v0;
	_ =	sdelay $0x1  }
0xfb: {  	v4 =	vadd.s32 v1, v4;
	_ =	sdelay $0x3  }
0xfc: {  	s14 =	simm.s32 $0x5000  }
0xfd: {  	[hbm4b:s3+s4] =	stream.indirect_vreg.scatter [tilespmem:s14], [sflag:$0x1], $0x80, v4, vm0, $0xb8;
	[tilespmem:$0x1D000] =	vst v63  }
0xfe: {  	s18 =	simm.s32 $0x5800;
	v3 =	vperm.xlane v3, v2  }
0xff: {  	[hbm4b:s5+s4] =	stream.indirect_vreg.scatter [tilespmem:s18], [sflag:$0x1], $0x80, v4, vm0, $0xb8;
	[tilespmem:$0x1D000] =	vst v63  }
0x100: {  	s29 =	simm.s32 $0x6000;
	v3 =	vadd.s32 v1, v3  }
0x101: {  	[hbm4b:s6+s4] =	stream.indirect_vreg.scatter [tilespmem:s29], [sflag:$0x1], $0x80, v4, vm0, $0xb8;
	[tilespmem:$0x1D000] =	vst v63  }
0x102: {  	s26 =	simm.s32 $0x6800  }
0x103: {  	[hbm4b:s7+s4] =	stream.indirect_vreg.scatter [tilespmem:s26], [sflag:$0x1], $0x80, v4, vm0, $0xb8;
	[tilespmem:$0x1D000] =	vst v63  }
0x104: {  	s25 =	simm.s32 $0x7000  }
0x105: {  	[hbm4b:s3+s4] =	stream.indirect_vreg.scatter [tilespmem:s25], [sflag:$0x1], $0x80, v3, vm0, $0xb8;
	[tilespmem:$0x1D000] =	vst v63  }
0x106: {  	s26 =	simm.s32 $0x7800  }
0x107: {  	[hbm4b:s5+s4] =	stream.indirect_vreg.scatter [tilespmem:s26], [sflag:$0x1], $0x80, v3, vm0, $0xb8;
	[tilespmem:$0x1D000] =	vst v63  }
0x108: {  	s15 =	simm.s32 $0x8000  }
0x109: {  	[hbm4b:s6+s4] =	stream.indirect_vreg.scatter [tilespmem:s15], [sflag:$0x1], $0x80, v3, vm0, $0xb8;
	[tilespmem:$0x1D000] =	vst v63  }
0x10a: {  	s24 =	simm.s32 $0x8800  }
0x10b: {  	[hbm4b:s7+s4] =	stream.indirect_vreg.scatter [tilespmem:s24], [sflag:$0x1], $0x80, v3, vm0, $0xb8;
	[tilespmem:$0x1D000] =	vst v63  }
0x10c: {  	v3 =	vld [tilespmem:$0x1A0];
	_ =	sdelay $0x4  }
0x10d: {  	v51 =	vshll.u32 v3, $0x3  }
0x10e: {  	v3 =	vand.u32 $0x7, v3;
	v4 =	vand.u32 $0xFFFFFFC0, v51  }
0x10f: {  	v3 =	vor.u32 v3, v4  }
0x110: {  	v4 =	vperm.xlane v3, v0;
	_ =	sdelay $0x1  }
0x111: {  	v4 =	vadd.s32 v1, v4;
	_ =	sdelay $0x3  }
0x112: {  	s31 =	simm.s32 $0x9000  }
0x113: {  	[hbm4b:s3+s4] =	stream.indirect_vreg.scatter [tilespmem:s31], [sflag:$0x1], $0x80, v4, vm0, $0xb8;
	[tilespmem:$0x1D000] =	vst v63  }
0x114: {  	s1 =	simm.s32 $0x9800;
	v3 =	vperm.xlane v3, v2  }
0x115: {  	[hbm4b:s5+s4] =	stream.indirect_vreg.scatter [tilespmem:s1], [sflag:$0x1], $0x80, v4, vm0, $0xb8;
	[tilespmem:$0x1D000] =	vst v63  }
0x116: {  	s17 =	simm.s32 $0xA000;
	v3 =	vadd.s32 v1, v3  }
0x117: {  	[hbm4b:s6+s4] =	stream.indirect_vreg.scatter [tilespmem:s17], [sflag:$0x1], $0x80, v4, vm0, $0xb8;
	[tilespmem:$0x1D000] =	vst v63  }
0x118: {  	s0 =	simm.s32 $0xA800  }
0x119: {  	[hbm4b:s7+s4] =	stream.indirect_vreg.scatter [tilespmem:s0], [sflag:$0x1], $0x80, v4, vm0, $0xb8;
	[tilespmem:$0x1D000] =	vst v63  }
0x11a: {  	s2 =	simm.s32 $0xB000  }
0x11b: {  	[hbm4b:s3+s4] =	stream.indirect_vreg.scatter [tilespmem:s2], [sflag:$0x1], $0x80, v3, vm0, $0xb8;
	[tilespmem:$0x1D000] =	vst v63  }
0x11c: {  	s12 =	simm.s32 $0xB800  }
0x11d: {  	[hbm4b:s5+s4] =	stream.indirect_vreg.scatter [tilespmem:s12], [sflag:$0x1], $0x80, v3, vm0, $0xb8;
	[tilespmem:$0x1D000] =	vst v63  }
0x11e: {  	s16 =	simm.s32 $0xC000  }
0x11f: {  	[hbm4b:s6+s4] =	stream.indirect_vreg.scatter [tilespmem:s16], [sflag:$0x1], $0x80, v3, vm0, $0xb8;
	[tilespmem:$0x1D000] =	vst v63  }
0x120: {  	s11 =	simm.s32 $0xC800  }
0x121: {  	[hbm4b:s7+s4] =	stream.indirect_vreg.scatter [tilespmem:s11], [sflag:$0x1], $0x80, v3, vm0, $0xb8;
	[tilespmem:$0x1D000] =	vst v63  }
0x122: {  	v3 =	vld [tilespmem:$0x200];
	_ =	sdelay $0x4  }
0x123: {  	v52 =	vshll.u32 v3, $0x3  }
0x124: {  	v3 =	vand.u32 $0x7, v3;
	v4 =	vand.u32 $0xFFFFFFC0, v52  }
0x125: {  	v3 =	vor.u32 v3, v4  }
0x126: {  	v4 =	vperm.xlane v3, v0;
	_ =	sdelay $0x1  }
0x127: {  	v4 =	vadd.s32 v1, v4;
	_ =	sdelay $0x3  }
0x128: {  	s11 =	simm.s32 $0x1000  }
0x129: {  	[hbm4b:s3+s4] =	stream.indirect_vreg.scatter [tilespmem:s11], [sflag:$0x1], $0x80, v4, vm0, $0xb8;
	[tilespmem:$0x1D000] =	vst v63  }
0x12a: {  	s23 =	simm.s32 $0x1800;
	v3 =	vperm.xlane v3, v2  }
0x12b: {  	[hbm4b:s5+s4] =	stream.indirect_vreg.scatter [tilespmem:s23], [sflag:$0x1], $0x80, v4, vm0, $0xb8;
	[tilespmem:$0x1D000] =	vst v63  }
0x12c: {  	s20 =	simm.s32 $0x2000;
	v3 =	vadd.s32 v1, v3  }
0x12d: {  	[hbm4b:s6+s4] =	stream.indirect_vreg.scatter [tilespmem:s20], [sflag:$0x1], $0x80, v4, vm0, $0xb8;
	[tilespmem:$0x1D000] =	vst v63  }
0x12e: {  	s30 =	simm.s32 $0x2800  }
0x12f: {  	[hbm4b:s7+s4] =	stream.indirect_vreg.scatter [tilespmem:s30], [sflag:$0x1], $0x80, v4, vm0, $0xb8;
	[tilespmem:$0x1D000] =	vst v63  }
0x130: {  	s28 =	simm.s32 $0x3000  }
0x131: {  	[hbm4b:s3+s4] =	stream.indirect_vreg.scatter [tilespmem:s28], [sflag:$0x1], $0x80, v3, vm0, $0xb8;
	[tilespmem:$0x1D000] =	vst v63  }
0x132: {  	s22 =	simm.s32 $0x3800  }
0x133: {  	[hbm4b:s5+s4] =	stream.indirect_vreg.scatter [tilespmem:s22], [sflag:$0x1], $0x80, v3, vm0, $0xb8;
	[tilespmem:$0x1D000] =	vst v63  }
0x134: {  	s19 =	simm.s32 $0x4000  }
0x135: {  	[hbm4b:s6+s4] =	stream.indirect_vreg.scatter [tilespmem:s19], [sflag:$0x1], $0x80, v3, vm0, $0xb8;
	[tilespmem:$0x1D000] =	vst v63  }
0x136: {  	s21 =	simm.s32 $0x4800  }
0x137: {  	[hbm4b:s7+s4] =	stream.indirect_vreg.scatter [tilespmem:s21], [sflag:$0x1], $0x80, v3, vm0, $0xb8;
	[tilespmem:$0x1D000] =	vst v63  }
0x138: {  	v3 =	vld [tilespmem:$0x210];
	_ =	sdelay $0x4  }
0x139: {  	v53 =	vshll.u32 v3, $0x3  }
0x13a: {  	v3 =	vand.u32 $0x7, v3;
	v4 =	vand.u32 $0xFFFFFFC0, v53  }
0x13b: {  	v3 =	vor.u32 v3, v4  }
0x13c: {  	v4 =	vperm.xlane v3, v0;
	_ =	sdelay $0x1  }
0x13d: {  	v4 =	vadd.s32 v1, v4;
	_ =	sdelay $0x3  }
0x13e: {  	s14 =	simm.s32 $0x5000  }
0x13f: {  	[hbm4b:s3+s4] =	stream.indirect_vreg.scatter [tilespmem:s14], [sflag:$0x1], $0x80, v4, vm0, $0xb8;
	[tilespmem:$0x1D000] =	vst v63  }
0x140: {  	s13 =	simm.s32 $0x5800;
	v3 =	vperm.xlane v3, v2  }
0x141: {  	[hbm4b:s5+s4] =	stream.indirect_vreg.scatter [tilespmem:s13], [sflag:$0x1], $0x80, v4, vm0, $0xb8;
	[tilespmem:$0x1D000] =	vst v63  }
0x142: {  	s29 =	simm.s32 $0x6000;
	v3 =	vadd.s32 v1, v3  }
0x143: {  	[hbm4b:s6+s4] =	stream.indirect_vreg.scatter [tilespmem:s29], [sflag:$0x1], $0x80, v4, vm0, $0xb8;
	[tilespmem:$0x1D000] =	vst v63  }
0x144: {  	s30 =	simm.s32 $0x6800  }
0x145: {  	[hbm4b:s7+s4] =	stream.indirect_vreg.scatter [tilespmem:s30], [sflag:$0x1], $0x80, v4, vm0, $0xb8;
	[tilespmem:$0x1D000] =	vst v63  }
0x146: {  	s18 =	simm.s32 $0x7000  }
0x147: {  	[hbm4b:s3+s4] =	stream.indirect_vreg.scatter [tilespmem:s18], [sflag:$0x1], $0x80, v3, vm0, $0xb8;
	[tilespmem:$0x1D000] =	vst v63  }
0x148: {  	s25 =	simm.s32 $0x7800  }
0x149: {  	[hbm4b:s5+s4] =	stream.indirect_vreg.scatter [tilespmem:s25], [sflag:$0x1], $0x80, v3, vm0, $0xb8;
	[tilespmem:$0x1D000] =	vst v63  }
0x14a: {  	s15 =	simm.s32 $0x8000  }
0x14b: {  	[hbm4b:s6+s4] =	stream.indirect_vreg.scatter [tilespmem:s15], [sflag:$0x1], $0x80, v3, vm0, $0xb8;
	[tilespmem:$0x1D000] =	vst v63  }
0x14c: {  	s26 =	simm.s32 $0x8800  }
0x14d: {  	[hbm4b:s7+s4] =	stream.indirect_vreg.scatter [tilespmem:s26], [sflag:$0x1], $0x80, v3, vm0, $0xb8;
	[tilespmem:$0x1D000] =	vst v63  }
0x14e: {  	v3 =	vld [tilespmem:$0x220];
	_ =	sdelay $0x4  }
0x14f: {  	v54 =	vshll.u32 v3, $0x3  }
0x150: {  	v3 =	vand.u32 $0x7, v3;
	v4 =	vand.u32 $0xFFFFFFC0, v54  }
0x151: {  	v3 =	vor.u32 v3, v4  }
0x152: {  	v4 =	vperm.xlane v3, v0;
	_ =	sdelay $0x1  }
0x153: {  	v4 =	vadd.s32 v1, v4;
	_ =	sdelay $0x3  }
0x154: {  	s31 =	simm.s32 $0x9000  }
0x155: {  	[hbm4b:s3+s4] =	stream.indirect_vreg.scatter [tilespmem:s31], [sflag:$0x1], $0x80, v4, vm0, $0xb8;
	[tilespmem:$0x1D000] =	vst v63  }
0x156: {  	s1 =	simm.s32 $0x9800;
	v3 =	vperm.xlane v3, v2  }
0x157: {  	[hbm4b:s5+s4] =	stream.indirect_vreg.scatter [tilespmem:s1], [sflag:$0x1], $0x80, v4, vm0, $0xb8;
	[tilespmem:$0x1D000] =	vst v63  }
0x158: {  	s24 =	simm.s32 $0xA000;
	v3 =	vadd.s32 v1, v3  }
0x159: {  	[hbm4b:s6+s4] =	stream.indirect_vreg.scatter [tilespmem:s24], [sflag:$0x1], $0x80, v4, vm0, $0xb8;
	[tilespmem:$0x1D000] =	vst v63  }
0x15a: {  	s17 =	simm.s32 $0xA800  }
0x15b: {  	[hbm4b:s7+s4] =	stream.indirect_vreg.scatter [tilespmem:s17], [sflag:$0x1], $0x80, v4, vm0, $0xb8;
	[tilespmem:$0x1D000] =	vst v63  }
0x15c: {  	s0 =	simm.s32 $0xB000  }
0x15d: {  	[hbm4b:s3+s4] =	stream.indirect_vreg.scatter [tilespmem:s0], [sflag:$0x1], $0x80, v3, vm0, $0xb8;
	[tilespmem:$0x1D000] =	vst v63  }
0x15e: {  	s12 =	simm.s32 $0xB800  }
0x15f: {  	[hbm4b:s5+s4] =	stream.indirect_vreg.scatter [tilespmem:s12], [sflag:$0x1], $0x80, v3, vm0, $0xb8;
	[tilespmem:$0x1D000] =	vst v63  }
0x160: {  	s16 =	simm.s32 $0xC000  }
0x161: {  	[hbm4b:s6+s4] =	stream.indirect_vreg.scatter [tilespmem:s16], [sflag:$0x1], $0x80, v3, vm0, $0xb8;
	[tilespmem:$0x1D000] =	vst v63  }
0x162: {  	s2 =	simm.s32 $0xC800  }
0x163: {  	[hbm4b:s7+s4] =	stream.indirect_vreg.scatter [tilespmem:s2], [sflag:$0x1], $0x80, v3, vm0, $0xb8;
	[tilespmem:$0x1D000] =	vst v63  }
0x164: {  	v3 =	vld [tilespmem:$0x280];
	_ =	sdelay $0x4  }
0x165: {  	v55 =	vshll.u32 v3, $0x3  }
0x166: {  	v3 =	vand.u32 $0x7, v3;
	v4 =	vand.u32 $0xFFFFFFC0, v55  }
0x167: {  	v3 =	vor.u32 v3, v4  }
0x168: {  	v4 =	vperm.xlane v3, v0;
	_ =	sdelay $0x1  }
0x169: {  	v4 =	vadd.s32 v1, v4;
	_ =	sdelay $0x3  }
0x16a: {  	s31 =	simm.s32 $0x1000  }
0x16b: {  	[hbm4b:s3+s4] =	stream.indirect_vreg.scatter [tilespmem:s31], [sflag:$0x1], $0x80, v4, vm0, $0xb8;
	[tilespmem:$0x1D000] =	vst v63  }
0x16c: {  	s11 =	simm.s32 $0x1800;
	v3 =	vperm.xlane v3, v2  }
0x16d: {  	[hbm4b:s5+s4] =	stream.indirect_vreg.scatter [tilespmem:s11], [sflag:$0x1], $0x80, v4, vm0, $0xb8;
	[tilespmem:$0x1D000] =	vst v63  }
0x16e: {  	s16 =	simm.s32 $0x2000;
	v3 =	vadd.s32 v1, v3  }
0x16f: {  	[hbm4b:s6+s4] =	stream.indirect_vreg.scatter [tilespmem:s16], [sflag:$0x1], $0x80, v4, vm0, $0xb8;
	[tilespmem:$0x1D000] =	vst v63  }
0x170: {  	s24 =	simm.s32 $0x2800  }
0x171: {  	[hbm4b:s7+s4] =	stream.indirect_vreg.scatter [tilespmem:s24], [sflag:$0x1], $0x80, v4, vm0, $0xb8;
	[tilespmem:$0x1D000] =	vst v63  }
0x172: {  	s20 =	simm.s32 $0x3000  }
0x173: {  	[hbm4b:s3+s4] =	stream.indirect_vreg.scatter [tilespmem:s20], [sflag:$0x1], $0x80, v3, vm0, $0xb8;
	[tilespmem:$0x1D000] =	vst v63  }
0x174: {  	s23 =	simm.s32 $0x3800  }
0x175: {  	[hbm4b:s5+s4] =	stream.indirect_vreg.scatter [tilespmem:s23], [sflag:$0x1], $0x80, v3, vm0, $0xb8;
	[tilespmem:$0x1D000] =	vst v63  }
0x176: {  	s22 =	simm.s32 $0x4000  }
0x177: {  	[hbm4b:s6+s4] =	stream.indirect_vreg.scatter [tilespmem:s22], [sflag:$0x1], $0x80, v3, vm0, $0xb8;
	[tilespmem:$0x1D000] =	vst v63  }
0x178: {  	s19 =	simm.s32 $0x4800  }
0x179: {  	[hbm4b:s7+s4] =	stream.indirect_vreg.scatter [tilespmem:s19], [sflag:$0x1], $0x80, v3, vm0, $0xb8;
	[tilespmem:$0x1D000] =	vst v63  }
0x17a: {  	v3 =	vld [tilespmem:$0x290];
	_ =	sdelay $0x4  }
0x17b: {  	v56 =	vshll.u32 v3, $0x3  }
0x17c: {  	v3 =	vand.u32 $0x7, v3;
	v4 =	vand.u32 $0xFFFFFFC0, v56  }
0x17d: {  	v3 =	vor.u32 v3, v4  }
0x17e: {  	v4 =	vperm.xlane v3, v0;
	_ =	sdelay $0x1  }
0x17f: {  	v4 =	vadd.s32 v1, v4;
	_ =	sdelay $0x3  }
0x180: {  	s28 =	simm.s32 $0x5000  }
0x181: {  	[hbm4b:s3+s4] =	stream.indirect_vreg.scatter [tilespmem:s28], [sflag:$0x1], $0x80, v4, vm0, $0xb8;
	[tilespmem:$0x1D000] =	vst v63  }
0x182: {  	s13 =	simm.s32 $0x5800;
	v3 =	vperm.xlane v3, v2  }
0x183: {  	[hbm4b:s5+s4] =	stream.indirect_vreg.scatter [tilespmem:s13], [sflag:$0x1], $0x80, v4, vm0, $0xb8;
	[tilespmem:$0x1D000] =	vst v63  }
0x184: {  	v3 =	vadd.s32 v1, v3;
	s28 =	simm.s32 $0x6000  }
0x185: {  	[hbm4b:s6+s4] =	stream.indirect_vreg.scatter [tilespmem:s28], [sflag:$0x1], $0x80, v4, vm0, $0xb8;
	[tilespmem:$0x1D000] =	vst v63  }
0x186: {  	s23 =	simm.s32 $0x6800  }
0x187: {  	[hbm4b:s7+s4] =	stream.indirect_vreg.scatter [tilespmem:s23], [sflag:$0x1], $0x80, v4, vm0, $0xb8;
	[tilespmem:$0x1D000] =	vst v63  }
0x188: {  	s14 =	simm.s32 $0x7000  }
0x189: {  	[hbm4b:s3+s4] =	stream.indirect_vreg.scatter [tilespmem:s14], [sflag:$0x1], $0x80, v3, vm0, $0xb8;
	[tilespmem:$0x1D000] =	vst v63  }
0x18a: {  	s25 =	simm.s32 $0x7800  }
0x18b: {  	[hbm4b:s5+s4] =	stream.indirect_vreg.scatter [tilespmem:s25], [sflag:$0x1], $0x80, v3, vm0, $0xb8;
	[tilespmem:$0x1D000] =	vst v63  }
0x18c: {  	s15 =	simm.s32 $0x8000  }
0x18d: {  	[hbm4b:s6+s4] =	stream.indirect_vreg.scatter [tilespmem:s15], [sflag:$0x1], $0x80, v3, vm0, $0xb8;
	[tilespmem:$0x1D000] =	vst v63  }
0x18e: {  	s30 =	simm.s32 $0x8800  }
0x18f: {  	[hbm4b:s7+s4] =	stream.indirect_vreg.scatter [tilespmem:s30], [sflag:$0x1], $0x80, v3, vm0, $0xb8;
	[tilespmem:$0x1D000] =	vst v63  }
0x190: {  	v3 =	vld [tilespmem:$0x2A0];
	_ =	sdelay $0x4  }
0x191: {  	v57 =	vshll.u32 v3, $0x3  }
0x192: {  	v3 =	vand.u32 $0x7, v3;
	v4 =	vand.u32 $0xFFFFFFC0, v57  }
0x193: {  	v3 =	vor.u32 v3, v4  }
0x194: {  	v4 =	vperm.xlane v3, v0;
	_ =	sdelay $0x1  }
0x195: {  	v4 =	vadd.s32 v1, v4;
	_ =	sdelay $0x3  }
0x196: {  	s21 =	simm.s32 $0x9000  }
0x197: {  	[hbm4b:s3+s4] =	stream.indirect_vreg.scatter [tilespmem:s21], [sflag:$0x1], $0x80, v4, vm0, $0xb8;
	[tilespmem:$0x1D000] =	vst v63  }
0x198: {  	s29 =	simm.s32 $0x9800;
	v3 =	vperm.xlane v3, v2  }
0x199: {  	[hbm4b:s5+s4] =	stream.indirect_vreg.scatter [tilespmem:s29], [sflag:$0x1], $0x80, v4, vm0, $0xb8;
	[tilespmem:$0x1D000] =	vst v63  }
0x19a: {  	s26 =	simm.s32 $0xA000;
	v3 =	vadd.s32 v1, v3  }
0x19b: {  	[hbm4b:s6+s4] =	stream.indirect_vreg.scatter [tilespmem:s26], [sflag:$0x1], $0x80, v4, vm0, $0xb8;
	[tilespmem:$0x1D000] =	vst v63  }
0x19c: {  	s17 =	simm.s32 $0xA800  }
0x19d: {  	[hbm4b:s7+s4] =	stream.indirect_vreg.scatter [tilespmem:s17], [sflag:$0x1], $0x80, v4, vm0, $0xb8;
	[tilespmem:$0x1D000] =	vst v63  }
0x19e: {  	s0 =	simm.s32 $0xB000  }
0x19f: {  	[hbm4b:s3+s4] =	stream.indirect_vreg.scatter [tilespmem:s0], [sflag:$0x1], $0x80, v3, vm0, $0xb8;
	[tilespmem:$0x1D000] =	vst v63  }
0x1a0: {  	s18 =	simm.s32 $0xB800  }
0x1a1: {  	[hbm4b:s5+s4] =	stream.indirect_vreg.scatter [tilespmem:s18], [sflag:$0x1], $0x80, v3, vm0, $0xb8;
	[tilespmem:$0x1D000] =	vst v63  }
0x1a2: {  	s12 =	simm.s32 $0xC000  }
0x1a3: {  	[hbm4b:s6+s4] =	stream.indirect_vreg.scatter [tilespmem:s12], [sflag:$0x1], $0x80, v3, vm0, $0xb8;
	[tilespmem:$0x1D000] =	vst v63  }
0x1a4: {  	s1 =	simm.s32 $0xC800  }
0x1a5: {  	[hbm4b:s7+s4] =	stream.indirect_vreg.scatter [tilespmem:s1], [sflag:$0x1], $0x80, v3, vm0, $0xb8;
	[tilespmem:$0x1D000] =	vst v63  }
0x1a6: {  	v3 =	vld [tilespmem:$0x300];
	_ =	sdelay $0x4  }
0x1a7: {  	v58 =	vshll.u32 v3, $0x3  }
0x1a8: {  	v3 =	vand.u32 $0x7, v3;
	v4 =	vand.u32 $0xFFFFFFC0, v58  }
0x1a9: {  	v3 =	vor.u32 v3, v4  }
0x1aa: {  	v4 =	vperm.xlane v3, v0;
	_ =	sdelay $0x1  }
0x1ab: {  	v4 =	vadd.s32 v1, v4;
	_ =	sdelay $0x3  }
0x1ac: {  	s26 =	simm.s32 $0x1000  }
0x1ad: {  	[hbm4b:s3+s4] =	stream.indirect_vreg.scatter [tilespmem:s26], [sflag:$0x1], $0x80, v4, vm0, $0xb8;
	[tilespmem:$0x1D000] =	vst v63  }
0x1ae: {  	s11 =	simm.s32 $0x1800;
	v3 =	vperm.xlane v3, v2  }
0x1af: {  	[hbm4b:s5+s4] =	stream.indirect_vreg.scatter [tilespmem:s11], [sflag:$0x1], $0x80, v4, vm0, $0xb8;
	[tilespmem:$0x1D000] =	vst v63  }
0x1b0: {  	s2 =	simm.s32 $0x2000;
	v3 =	vadd.s32 v1, v3  }
0x1b1: {  	[hbm4b:s6+s4] =	stream.indirect_vreg.scatter [tilespmem:s2], [sflag:$0x1], $0x80, v4, vm0, $0xb8;
	[tilespmem:$0x1D000] =	vst v63  }
0x1b2: {  	s12 =	simm.s32 $0x2800  }
0x1b3: {  	[hbm4b:s7+s4] =	stream.indirect_vreg.scatter [tilespmem:s12], [sflag:$0x1], $0x80, v4, vm0, $0xb8;
	[tilespmem:$0x1D000] =	vst v63  }
0x1b4: {  	s31 =	simm.s32 $0x3000  }
0x1b5: {  	[hbm4b:s3+s4] =	stream.indirect_vreg.scatter [tilespmem:s31], [sflag:$0x1], $0x80, v3, vm0, $0xb8;
	[tilespmem:$0x1D000] =	vst v63  }
0x1b6: {  	s24 =	simm.s32 $0x3800  }
0x1b7: {  	[hbm4b:s5+s4] =	stream.indirect_vreg.scatter [tilespmem:s24], [sflag:$0x1], $0x80, v3, vm0, $0xb8;
	[tilespmem:$0x1D000] =	vst v63  }
0x1b8: {  	s20 =	simm.s32 $0x4000  }
0x1b9: {  	[hbm4b:s6+s4] =	stream.indirect_vreg.scatter [tilespmem:s20], [sflag:$0x1], $0x80, v3, vm0, $0xb8;
	[tilespmem:$0x1D000] =	vst v63  }
0x1ba: {  	s19 =	simm.s32 $0x4800  }
0x1bb: {  	[hbm4b:s7+s4] =	stream.indirect_vreg.scatter [tilespmem:s19], [sflag:$0x1], $0x80, v3, vm0, $0xb8;
	[tilespmem:$0x1D000] =	vst v63  }
0x1bc: {  	v3 =	vld [tilespmem:$0x310];
	_ =	sdelay $0x4  }
0x1bd: {  	v59 =	vshll.u32 v3, $0x3  }
0x1be: {  	v3 =	vand.u32 $0x7, v3;
	v4 =	vand.u32 $0xFFFFFFC0, v59  }
0x1bf: {  	v3 =	vor.u32 v3, v4  }
0x1c0: {  	v4 =	vperm.xlane v3, v0;
	_ =	sdelay $0x1  }
0x1c1: {  	v4 =	vadd.s32 v1, v4;
	_ =	sdelay $0x3  }
0x1c2: {  	s22 =	simm.s32 $0x5000  }
0x1c3: {  	[hbm4b:s3+s4] =	stream.indirect_vreg.scatter [tilespmem:s22], [sflag:$0x1], $0x80, v4, vm0, $0xb8;
	[tilespmem:$0x1D000] =	vst v63  }
0x1c4: {  	s13 =	simm.s32 $0x5800;
	v3 =	vperm.xlane v3, v2  }
0x1c5: {  	[hbm4b:s5+s4] =	stream.indirect_vreg.scatter [tilespmem:s13], [sflag:$0x1], $0x80, v4, vm0, $0xb8;
	[tilespmem:$0x1D000] =	vst v63  }
0x1c6: {  	v3 =	vadd.s32 v1, v3;
	s13 =	simm.s32 $0x6000  }
0x1c7: {  	[hbm4b:s6+s4] =	stream.indirect_vreg.scatter [tilespmem:s13], [sflag:$0x1], $0x80, v4, vm0, $0xb8;
	[tilespmem:$0x1D000] =	vst v63  }
0x1c8: {  	s22 =	simm.s32 $0x6800  }
0x1c9: {  	[hbm4b:s7+s4] =	stream.indirect_vreg.scatter [tilespmem:s22], [sflag:$0x1], $0x80, v4, vm0, $0xb8;
	[tilespmem:$0x1D000] =	vst v63  }
0x1ca: {  	s14 =	simm.s32 $0x7000  }
0x1cb: {  	[hbm4b:s3+s4] =	stream.indirect_vreg.scatter [tilespmem:s14], [sflag:$0x1], $0x80, v3, vm0, $0xb8;
	[tilespmem:$0x1D000] =	vst v63  }
0x1cc: {  	s25 =	simm.s32 $0x7800  }
0x1cd: {  	[hbm4b:s5+s4] =	stream.indirect_vreg.scatter [tilespmem:s25], [sflag:$0x1], $0x80, v3, vm0, $0xb8;
	[tilespmem:$0x1D000] =	vst v63  }
0x1ce: {  	s15 =	simm.s32 $0x8000  }
0x1cf: {  	[hbm4b:s6+s4] =	stream.indirect_vreg.scatter [tilespmem:s15], [sflag:$0x1], $0x80, v3, vm0, $0xb8;
	[tilespmem:$0x1D000] =	vst v63  }
0x1d0: {  	s30 =	simm.s32 $0x8800  }
0x1d1: {  	[hbm4b:s7+s4] =	stream.indirect_vreg.scatter [tilespmem:s30], [sflag:$0x1], $0x80, v3, vm0, $0xb8;
	[tilespmem:$0x1D000] =	vst v63  }
0x1d2: {  	v3 =	vld [tilespmem:$0x320];
	_ =	sdelay $0x4  }
0x1d3: {  	v60 =	vshll.u32 v3, $0x3  }
0x1d4: {  	v3 =	vand.u32 $0x7, v3;
	v4 =	vand.u32 $0xFFFFFFC0, v60  }
0x1d5: {  	v3 =	vor.u32 v3, v4  }
0x1d6: {  	v4 =	vperm.xlane v3, v0;
	_ =	sdelay $0x1  }
0x1d7: {  	v4 =	vadd.s32 v1, v4;
	_ =	sdelay $0x3  }
0x1d8: {  	s16 =	simm.s32 $0x9000  }
0x1d9: {  	[hbm4b:s3+s4] =	stream.indirect_vreg.scatter [tilespmem:s16], [sflag:$0x1], $0x80, v4, vm0, $0xb8;
	[tilespmem:$0x1D000] =	vst v63  }
0x1da: {  	s29 =	simm.s32 $0x9800;
	v3 =	vperm.xlane v3, v2  }
0x1db: {  	[hbm4b:s5+s4] =	stream.indirect_vreg.scatter [tilespmem:s29], [sflag:$0x1], $0x80, v4, vm0, $0xb8;
	[tilespmem:$0x1D000] =	vst v63  }
0x1dc: {  	s28 =	simm.s32 $0xA000;
	v3 =	vadd.s32 v1, v3  }
0x1dd: {  	[hbm4b:s6+s4] =	stream.indirect_vreg.scatter [tilespmem:s28], [sflag:$0x1], $0x80, v4, vm0, $0xb8;
	[tilespmem:$0x1D000] =	vst v63  }
0x1de: {  	s23 =	simm.s32 $0xA800  }
0x1df: {  	[hbm4b:s7+s4] =	stream.indirect_vreg.scatter [tilespmem:s23], [sflag:$0x1], $0x80, v4, vm0, $0xb8;
	[tilespmem:$0x1D000] =	vst v63  }
0x1e0: {  	s21 =	simm.s32 $0xB000  }
0x1e1: {  	[hbm4b:s3+s4] =	stream.indirect_vreg.scatter [tilespmem:s21], [sflag:$0x1], $0x80, v3, vm0, $0xb8;
	[tilespmem:$0x1D000] =	vst v63  }
0x1e2: {  	s17 =	simm.s32 $0xB800  }
0x1e3: {  	[hbm4b:s5+s4] =	stream.indirect_vreg.scatter [tilespmem:s17], [sflag:$0x1], $0x80, v3, vm0, $0xb8;
	[tilespmem:$0x1D000] =	vst v63  }
0x1e4: {  	s0 =	simm.s32 $0xC000  }
0x1e5: {  	[hbm4b:s6+s4] =	stream.indirect_vreg.scatter [tilespmem:s0], [sflag:$0x1], $0x80, v3, vm0, $0xb8;
	[tilespmem:$0x1D000] =	vst v63  }
0x1e6: {  	s1 =	simm.s32 $0xC800  }
0x1e7: {  	[hbm4b:s7+s4] =	stream.indirect_vreg.scatter [tilespmem:s1], [sflag:$0x1], $0x80, v3, vm0, $0xb8;
	[tilespmem:$0x1D000] =	vst v63  }
0x1e8: {  	v3 =	vld [tilespmem:$0x380];
	_ =	sdelay $0x4  }
0x1e9: {  	v61 =	vshll.u32 v3, $0x3  }
0x1ea: {  	v3 =	vand.u32 $0x7, v3;
	v4 =	vand.u32 $0xFFFFFFC0, v61  }
0x1eb: {  	v3 =	vor.u32 v3, v4  }
0x1ec: {  	v4 =	vperm.xlane v3, v0;
	_ =	sdelay $0x1  }
0x1ed: {  	v4 =	vadd.s32 v1, v4;
	_ =	sdelay $0x3  }
0x1ee: {  	s28 =	simm.s32 $0x1000  }
0x1ef: {  	[hbm4b:s3+s4] =	stream.indirect_vreg.scatter [tilespmem:s28], [sflag:$0x1], $0x80, v4, vm0, $0xb8;
	[tilespmem:$0x1D000] =	vst v63  }
0x1f0: {  	s18 =	simm.s32 $0x1800;
	v3 =	vperm.xlane v3, v2  }
0x1f1: {  	[hbm4b:s5+s4] =	stream.indirect_vreg.scatter [tilespmem:s18], [sflag:$0x1], $0x80, v4, vm0, $0xb8;
	[tilespmem:$0x1D000] =	vst v63  }
0x1f2: {  	s29 =	simm.s32 $0x2000;
	v3 =	vadd.s32 v1, v3  }
0x1f3: {  	[hbm4b:s6+s4] =	stream.indirect_vreg.scatter [tilespmem:s29], [sflag:$0x1], $0x80, v4, vm0, $0xb8;
	[tilespmem:$0x1D000] =	vst v63  }
0x1f4: {  	s26 =	simm.s32 $0x2800  }
0x1f5: {  	[hbm4b:s7+s4] =	stream.indirect_vreg.scatter [tilespmem:s26], [sflag:$0x1], $0x80, v4, vm0, $0xb8;
	[tilespmem:$0x1D000] =	vst v63  }
0x1f6: {  	s2 =	simm.s32 $0x3000  }
0x1f7: {  	[hbm4b:s3+s4] =	stream.indirect_vreg.scatter [tilespmem:s2], [sflag:$0x1], $0x80, v3, vm0, $0xb8;
	[tilespmem:$0x1D000] =	vst v63  }
0x1f8: {  	s31 =	simm.s32 $0x3800  }
0x1f9: {  	[hbm4b:s5+s4] =	stream.indirect_vreg.scatter [tilespmem:s31], [sflag:$0x1], $0x80, v3, vm0, $0xb8;
	[tilespmem:$0x1D000] =	vst v63  }
0x1fa: {  	s20 =	simm.s32 $0x4000  }
0x1fb: {  	[hbm4b:s6+s4] =	stream.indirect_vreg.scatter [tilespmem:s20], [sflag:$0x1], $0x80, v3, vm0, $0xb8;
	[tilespmem:$0x1D000] =	vst v63  }
0x1fc: {  	s19 =	simm.s32 $0x4800  }
0x1fd: {  	[hbm4b:s7+s4] =	stream.indirect_vreg.scatter [tilespmem:s19], [sflag:$0x1], $0x80, v3, vm0, $0xb8;
	[tilespmem:$0x1D000] =	vst v63  }
0x1fe: {  	v3 =	vld [tilespmem:$0x390];
	_ =	sdelay $0x4  }
0x1ff: {  	v62 =	vshll.u32 v3, $0x3  }
0x200: {  	v3 =	vand.u32 $0x7, v3;
	v4 =	vand.u32 $0xFFFFFFC0, v62  }
0x201: {  	v3 =	vor.u32 v3, v4  }
0x202: {  	v4 =	vperm.xlane v3, v0;
	_ =	sdelay $0x1  }
0x203: {  	v4 =	vadd.s32 v1, v4;
	_ =	sdelay $0x3  }
0x204: {  	s24 =	simm.s32 $0x5000  }
0x205: {  	[hbm4b:s3+s4] =	stream.indirect_vreg.scatter [tilespmem:s24], [sflag:$0x1], $0x80, v4, vm0, $0xb8;
	[tilespmem:$0x1D000] =	vst v63  }
0x206: {  	s11 =	simm.s32 $0x5800;
	v3 =	vperm.xlane v3, v2  }
0x207: {  	[hbm4b:s5+s4] =	stream.indirect_vreg.scatter [tilespmem:s11], [sflag:$0x1], $0x80, v4, vm0, $0xb8;
	[tilespmem:$0x1D000] =	vst v63  }
0x208: {  	s28 =	simm.s32 $0x6000;
	v3 =	vadd.s32 v1, v3  }
0x209: {  	[hbm4b:s6+s4] =	stream.indirect_vreg.scatter [tilespmem:s28], [sflag:$0x1], $0x80, v4, vm0, $0xb8;
	[tilespmem:$0x1D000] =	vst v63  }
0x20a: {  	s28 =	simm.s32 $0x6800  }
0x20b: {  	[hbm4b:s7+s4] =	stream.indirect_vreg.scatter [tilespmem:s28], [sflag:$0x1], $0x80, v4, vm0, $0xb8;
	[tilespmem:$0x1D000] =	vst v63  }
0x20c: {  	s12 =	simm.s32 $0x7000  }
0x20d: {  	[hbm4b:s3+s4] =	stream.indirect_vreg.scatter [tilespmem:s12], [sflag:$0x1], $0x80, v3, vm0, $0xb8;
	[tilespmem:$0x1D000] =	vst v63  }
0x20e: {  	s25 =	simm.s32 $0x7800  }
0x20f: {  	[hbm4b:s5+s4] =	stream.indirect_vreg.scatter [tilespmem:s25], [sflag:$0x1], $0x80, v3, vm0, $0xb8;
	[tilespmem:$0x1D000] =	vst v63  }
0x210: {  	s14 =	simm.s32 $0x8000  }
0x211: {  	[hbm4b:s6+s4] =	stream.indirect_vreg.scatter [tilespmem:s14], [sflag:$0x1], $0x80, v3, vm0, $0xb8;
	[tilespmem:$0x1D000] =	vst v63  }
0x212: {  	s13 =	simm.s32 $0x8800  }
0x213: {  	[hbm4b:s7+s4] =	stream.indirect_vreg.scatter [tilespmem:s13], [sflag:$0x1], $0x80, v3, vm0, $0xb8;
	[tilespmem:$0x1D000] =	vst v63  }
0x214: {  	v3 =	vld [tilespmem:$0x3A0];
	_ =	sdelay $0x4  }
0x215: {  	v63 =	vshll.u32 v3, $0x3  }
0x216: {  	v3 =	vand.u32 $0x7, v3;
	v4 =	vand.u32 $0xFFFFFFC0, v63  }
0x217: {  	v3 =	vor.u32 v3, v4  }
0x218: {  	v4 =	vperm.xlane v3, v0;
	_ =	sdelay $0x1  }
0x219: {  	v4 =	vadd.s32 v1, v4;
	_ =	sdelay $0x3  }
0x21a: {  	s15 =	simm.s32 $0x9000  }
0x21b: {  	[hbm4b:s3+s4] =	stream.indirect_vreg.scatter [tilespmem:s15], [sflag:$0x1], $0x80, v4, vm0, $0xb8;
	[tilespmem:$0x1D000] =	vst v63  }
0x21c: {  	s30 =	simm.s32 $0x9800;
	v3 =	vperm.xlane v3, v2  }
0x21d: {  	[hbm4b:s5+s4] =	stream.indirect_vreg.scatter [tilespmem:s30], [sflag:$0x1], $0x80, v4, vm0, $0xb8;
	[tilespmem:$0x1D000] =	vst v63  }
0x21e: {  	s22 =	simm.s32 $0xA000;
	v3 =	vadd.s32 v1, v3  }
0x21f: {  	[hbm4b:s6+s4] =	stream.indirect_vreg.scatter [tilespmem:s22], [sflag:$0x1], $0x80, v4, vm0, $0xb8;
	[tilespmem:$0x1D000] =	vst v63  }
0x220: {  	s23 =	simm.s32 $0xA800  }
0x221: {  	[hbm4b:s7+s4] =	stream.indirect_vreg.scatter [tilespmem:s23], [sflag:$0x1], $0x80, v4, vm0, $0xb8;
	[tilespmem:$0x1D000] =	vst v63  }
0x222: {  	s21 =	simm.s32 $0xB000  }
0x223: {  	[hbm4b:s3+s4] =	stream.indirect_vreg.scatter [tilespmem:s21], [sflag:$0x1], $0x80, v3, vm0, $0xb8;
	[tilespmem:$0x1D000] =	vst v63  }
0x224: {  	s16 =	simm.s32 $0xB800  }
0x225: {  	[hbm4b:s5+s4] =	stream.indirect_vreg.scatter [tilespmem:s16], [sflag:$0x1], $0x80, v3, vm0, $0xb8;
	[tilespmem:$0x1D000] =	vst v63  }
0x226: {  	s17 =	simm.s32 $0xC000  }
0x227: {  	[hbm4b:s6+s4] =	stream.indirect_vreg.scatter [tilespmem:s17], [sflag:$0x1], $0x80, v3, vm0, $0xb8;
	[tilespmem:$0x1D000] =	vst v63  }
0x228: {  	s0 =	simm.s32 $0xC800  }
0x229: {  	[hbm4b:s7+s4] =	stream.indirect_vreg.scatter [tilespmem:s0], [sflag:$0x1], $0x80, v3, vm0, $0xb8;
	[tilespmem:$0x1D000] =	vst v63  }
0x22a: {  	v3 =	vld [tilespmem:$0x400];
	_ =	sdelay $0x4  }
0x22b: {  	v8 =	vshll.u32 v3, $0x3  }
0x22c: {  	v3 =	vand.u32 $0x7, v3;
	v4 =	vand.u32 $0xFFFFFFC0, v8  }
0x22d: {  	v3 =	vor.u32 v3, v4  }
0x22e: {  	v4 =	vperm.xlane v3, v0;
	_ =	sdelay $0x1  }
0x22f: {  	v4 =	vadd.s32 v1, v4;
	_ =	sdelay $0x3  }
0x230: {  	s30 =	simm.s32 $0x1000  }
0x231: {  	[hbm4b:s3+s4] =	stream.indirect_vreg.scatter [tilespmem:s30], [sflag:$0x1], $0x80, v4, vm0, $0xb8;
	[tilespmem:$0x1D000] =	vst v63  }
0x232: {  	s1 =	simm.s32 $0x1800;
	v3 =	vperm.xlane v3, v2  }
0x233: {  	[hbm4b:s5+s4] =	stream.indirect_vreg.scatter [tilespmem:s1], [sflag:$0x1], $0x80, v4, vm0, $0xb8;
	[tilespmem:$0x1D000] =	vst v63  }
0x234: {  	s18 =	simm.s32 $0x2000;
	v3 =	vadd.s32 v1, v3  }
0x235: {  	[hbm4b:s6+s4] =	stream.indirect_vreg.scatter [tilespmem:s18], [sflag:$0x1], $0x80, v4, vm0, $0xb8;
	[tilespmem:$0x1D000] =	vst v63  }
0x236: {  	s26 =	simm.s32 $0x2800  }
0x237: {  	[hbm4b:s7+s4] =	stream.indirect_vreg.scatter [tilespmem:s26], [sflag:$0x1], $0x80, v4, vm0, $0xb8;
	[tilespmem:$0x1D000] =	vst v63  }
0x238: {  	s2 =	simm.s32 $0x3000  }
0x239: {  	[hbm4b:s3+s4] =	stream.indirect_vreg.scatter [tilespmem:s2], [sflag:$0x1], $0x80, v3, vm0, $0xb8;
	[tilespmem:$0x1D000] =	vst v63  }
0x23a: {  	s29 =	simm.s32 $0x3800  }
0x23b: {  	[hbm4b:s5+s4] =	stream.indirect_vreg.scatter [tilespmem:s29], [sflag:$0x1], $0x80, v3, vm0, $0xb8;
	[tilespmem:$0x1D000] =	vst v63  }
0x23c: {  	s31 =	simm.s32 $0x4000  }
0x23d: {  	[hbm4b:s6+s4] =	stream.indirect_vreg.scatter [tilespmem:s31], [sflag:$0x1], $0x80, v3, vm0, $0xb8;
	[tilespmem:$0x1D000] =	vst v63  }
0x23e: {  	s19 =	simm.s32 $0x4800  }
0x23f: {  	[hbm4b:s7+s4] =	stream.indirect_vreg.scatter [tilespmem:s19], [sflag:$0x1], $0x80, v3, vm0, $0xb8;
	[tilespmem:$0x1D000] =	vst v63  }
0x240: {  	v3 =	vld [tilespmem:$0x410];
	_ =	sdelay $0x4  }
0x241: {  	v9 =	vshll.u32 v3, $0x3  }
0x242: {  	v3 =	vand.u32 $0x7, v3;
	v4 =	vand.u32 $0xFFFFFFC0, v9  }
0x243: {  	v3 =	vor.u32 v3, v4  }
0x244: {  	v4 =	vperm.xlane v3, v0;
	_ =	sdelay $0x1  }
0x245: {  	v4 =	vadd.s32 v1, v4;
	_ =	sdelay $0x3  }
0x246: {  	s24 =	simm.s32 $0x5000  }
0x247: {  	[hbm4b:s3+s4] =	stream.indirect_vreg.scatter [tilespmem:s24], [sflag:$0x1], $0x80, v4, vm0, $0xb8;
	[tilespmem:$0x1D000] =	vst v63  }
0x248: {  	s11 =	simm.s32 $0x5800;
	v3 =	vperm.xlane v3, v2  }
0x249: {  	[hbm4b:s5+s4] =	stream.indirect_vreg.scatter [tilespmem:s11], [sflag:$0x1], $0x80, v4, vm0, $0xb8;
	[tilespmem:$0x1D000] =	vst v63  }
0x24a: {  	s30 =	simm.s32 $0x6000;
	v3 =	vadd.s32 v1, v3  }
0x24b: {  	[hbm4b:s6+s4] =	stream.indirect_vreg.scatter [tilespmem:s30], [sflag:$0x1], $0x80, v4, vm0, $0xb8;
	[tilespmem:$0x1D000] =	vst v63  }
0x24c: {  	s26 =	simm.s32 $0x6800  }
0x24d: {  	[hbm4b:s7+s4] =	stream.indirect_vreg.scatter [tilespmem:s26], [sflag:$0x1], $0x80, v4, vm0, $0xb8;
	[tilespmem:$0x1D000] =	vst v63  }
0x24e: {  	s12 =	simm.s32 $0x7000  }
0x24f: {  	[hbm4b:s3+s4] =	stream.indirect_vreg.scatter [tilespmem:s12], [sflag:$0x1], $0x80, v3, vm0, $0xb8;
	[tilespmem:$0x1D000] =	vst v63  }
0x250: {  	s25 =	simm.s32 $0x7800  }
0x251: {  	[hbm4b:s5+s4] =	stream.indirect_vreg.scatter [tilespmem:s25], [sflag:$0x1], $0x80, v3, vm0, $0xb8;
	[tilespmem:$0x1D000] =	vst v63  }
0x252: {  	s20 =	simm.s32 $0x8000  }
0x253: {  	[hbm4b:s6+s4] =	stream.indirect_vreg.scatter [tilespmem:s20], [sflag:$0x1], $0x80, v3, vm0, $0xb8;
	[tilespmem:$0x1D000] =	vst v63  }
0x254: {  	s13 =	simm.s32 $0x8800  }
0x255: {  	[hbm4b:s7+s4] =	stream.indirect_vreg.scatter [tilespmem:s13], [sflag:$0x1], $0x80, v3, vm0, $0xb8;
	[tilespmem:$0x1D000] =	vst v63  }
0x256: {  	v3 =	vld [tilespmem:$0x420];
	_ =	sdelay $0x4  }
0x257: {  	v10 =	vshll.u32 v3, $0x3  }
0x258: {  	v3 =	vand.u32 $0x7, v3;
	v4 =	vand.u32 $0xFFFFFFC0, v10  }
0x259: {  	v3 =	vor.u32 v3, v4  }
0x25a: {  	v4 =	vperm.xlane v3, v0;
	_ =	sdelay $0x1  }
0x25b: {  	v4 =	vadd.s32 v1, v4;
	_ =	sdelay $0x3  }
0x25c: {  	s14 =	simm.s32 $0x9000  }
0x25d: {  	[hbm4b:s3+s4] =	stream.indirect_vreg.scatter [tilespmem:s14], [sflag:$0x1], $0x80, v4, vm0, $0xb8;
	[tilespmem:$0x1D000] =	vst v63  }
0x25e: {  	s15 =	simm.s32 $0x9800;
	v3 =	vperm.xlane v3, v2  }
0x25f: {  	[hbm4b:s5+s4] =	stream.indirect_vreg.scatter [tilespmem:s15], [sflag:$0x1], $0x80, v4, vm0, $0xb8;
	[tilespmem:$0x1D000] =	vst v63  }
0x260: {  	s28 =	simm.s32 $0xA000;
	v3 =	vadd.s32 v1, v3  }
0x261: {  	[hbm4b:s6+s4] =	stream.indirect_vreg.scatter [tilespmem:s28], [sflag:$0x1], $0x80, v4, vm0, $0xb8;
	[tilespmem:$0x1D000] =	vst v63  }
0x262: {  	s22 =	simm.s32 $0xA800  }
0x263: {  	[hbm4b:s7+s4] =	stream.indirect_vreg.scatter [tilespmem:s22], [sflag:$0x1], $0x80, v4, vm0, $0xb8;
	[tilespmem:$0x1D000] =	vst v63  }
0x264: {  	s21 =	simm.s32 $0xB000  }
0x265: {  	[hbm4b:s3+s4] =	stream.indirect_vreg.scatter [tilespmem:s21], [sflag:$0x1], $0x80, v3, vm0, $0xb8;
	[tilespmem:$0x1D000] =	vst v63  }
0x266: {  	s16 =	simm.s32 $0xB800  }
0x267: {  	[hbm4b:s5+s4] =	stream.indirect_vreg.scatter [tilespmem:s16], [sflag:$0x1], $0x80, v3, vm0, $0xb8;
	[tilespmem:$0x1D000] =	vst v63  }
0x268: {  	s17 =	simm.s32 $0xC000  }
0x269: {  	[hbm4b:s6+s4] =	stream.indirect_vreg.scatter [tilespmem:s17], [sflag:$0x1], $0x80, v3, vm0, $0xb8;
	[tilespmem:$0x1D000] =	vst v63  }
0x26a: {  	s0 =	simm.s32 $0xC800  }
0x26b: {  	[hbm4b:s7+s4] =	stream.indirect_vreg.scatter [tilespmem:s0], [sflag:$0x1], $0x80, v3, vm0, $0xb8;
	[tilespmem:$0x1D000] =	vst v63  }
0x26c: {  	v3 =	vld [tilespmem:$0x480];
	_ =	sdelay $0x4  }
0x26d: {  	v11 =	vshll.u32 v3, $0x3  }
0x26e: {  	v3 =	vand.u32 $0x7, v3;
	v4 =	vand.u32 $0xFFFFFFC0, v11  }
0x26f: {  	v3 =	vor.u32 v3, v4  }
0x270: {  	v4 =	vperm.xlane v3, v0;
	_ =	sdelay $0x1  }
0x271: {  	v4 =	vadd.s32 v1, v4;
	_ =	sdelay $0x3  }
0x272: {  	s28 =	simm.s32 $0x1000  }
0x273: {  	[hbm4b:s3+s4] =	stream.indirect_vreg.scatter [tilespmem:s28], [sflag:$0x1], $0x80, v4, vm0, $0xb8;
	[tilespmem:$0x1D000] =	vst v63  }
0x274: {  	s23 =	simm.s32 $0x1800;
	v3 =	vperm.xlane v3, v2  }
0x275: {  	[hbm4b:s5+s4] =	stream.indirect_vreg.scatter [tilespmem:s23], [sflag:$0x1], $0x80, v4, vm0, $0xb8;
	[tilespmem:$0x1D000] =	vst v63  }
0x276: {  	s1 =	simm.s32 $0x2000;
	v3 =	vadd.s32 v1, v3  }
0x277: {  	[hbm4b:s6+s4] =	stream.indirect_vreg.scatter [tilespmem:s1], [sflag:$0x1], $0x80, v4, vm0, $0xb8;
	[tilespmem:$0x1D000] =	vst v63  }
0x278: {  	s18 =	simm.s32 $0x2800  }
0x279: {  	[hbm4b:s7+s4] =	stream.indirect_vreg.scatter [tilespmem:s18], [sflag:$0x1], $0x80, v4, vm0, $0xb8;
	[tilespmem:$0x1D000] =	vst v63  }
0x27a: {  	s2 =	simm.s32 $0x3000  }
0x27b: {  	[hbm4b:s3+s4] =	stream.indirect_vreg.scatter [tilespmem:s2], [sflag:$0x1], $0x80, v3, vm0, $0xb8;
	[tilespmem:$0x1D000] =	vst v63  }
0x27c: {  	s18 =	simm.s32 $0x3800  }
0x27d: {  	[hbm4b:s5+s4] =	stream.indirect_vreg.scatter [tilespmem:s18], [sflag:$0x1], $0x80, v3, vm0, $0xb8;
	[tilespmem:$0x1D000] =	vst v63  }
0x27e: {  	s29 =	simm.s32 $0x4000  }
0x27f: {  	[hbm4b:s6+s4] =	stream.indirect_vreg.scatter [tilespmem:s29], [sflag:$0x1], $0x80, v3, vm0, $0xb8;
	[tilespmem:$0x1D000] =	vst v63  }
0x280: {  	s19 =	simm.s32 $0x4800  }
0x281: {  	[hbm4b:s7+s4] =	stream.indirect_vreg.scatter [tilespmem:s19], [sflag:$0x1], $0x80, v3, vm0, $0xb8;
	[tilespmem:$0x1D000] =	vst v63  }
0x282: {  	v3 =	vld [tilespmem:$0x490];
	_ =	sdelay $0x4  }
0x283: {  	v12 =	vshll.u32 v3, $0x3  }
0x284: {  	v3 =	vand.u32 $0x7, v3;
	v4 =	vand.u32 $0xFFFFFFC0, v12  }
0x285: {  	v3 =	vor.u32 v3, v4  }
0x286: {  	v4 =	vperm.xlane v3, v0;
	_ =	sdelay $0x1  }
0x287: {  	v4 =	vadd.s32 v1, v4;
	_ =	sdelay $0x3  }
0x288: {  	s31 =	simm.s32 $0x5000  }
0x289: {  	[hbm4b:s3+s4] =	stream.indirect_vreg.scatter [tilespmem:s31], [sflag:$0x1], $0x80, v4, vm0, $0xb8;
	[tilespmem:$0x1D000] =	vst v63  }
0x28a: {  	s11 =	simm.s32 $0x5800;
	v3 =	vperm.xlane v3, v2  }
0x28b: {  	[hbm4b:s5+s4] =	stream.indirect_vreg.scatter [tilespmem:s11], [sflag:$0x1], $0x80, v4, vm0, $0xb8;
	[tilespmem:$0x1D000] =	vst v63  }
0x28c: {  	s30 =	simm.s32 $0x6000;
	v3 =	vadd.s32 v1, v3  }
0x28d: {  	[hbm4b:s6+s4] =	stream.indirect_vreg.scatter [tilespmem:s30], [sflag:$0x1], $0x80, v4, vm0, $0xb8;
	[tilespmem:$0x1D000] =	vst v63  }
0x28e: {  	s25 =	simm.s32 $0x6800  }
0x28f: {  	[hbm4b:s7+s4] =	stream.indirect_vreg.scatter [tilespmem:s25], [sflag:$0x1], $0x80, v4, vm0, $0xb8;
	[tilespmem:$0x1D000] =	vst v63  }
0x290: {  	s12 =	simm.s32 $0x7000  }
0x291: {  	[hbm4b:s3+s4] =	stream.indirect_vreg.scatter [tilespmem:s12], [sflag:$0x1], $0x80, v3, vm0, $0xb8;
	[tilespmem:$0x1D000] =	vst v63  }
0x292: {  	s24 =	simm.s32 $0x7800  }
0x293: {  	[hbm4b:s5+s4] =	stream.indirect_vreg.scatter [tilespmem:s24], [sflag:$0x1], $0x80, v3, vm0, $0xb8;
	[tilespmem:$0x1D000] =	vst v63  }
0x294: {  	s20 =	simm.s32 $0x8000  }
0x295: {  	[hbm4b:s6+s4] =	stream.indirect_vreg.scatter [tilespmem:s20], [sflag:$0x1], $0x80, v3, vm0, $0xb8;
	[tilespmem:$0x1D000] =	vst v63  }
0x296: {  	s13 =	simm.s32 $0x8800  }
0x297: {  	[hbm4b:s7+s4] =	stream.indirect_vreg.scatter [tilespmem:s13], [sflag:$0x1], $0x80, v3, vm0, $0xb8;
	[tilespmem:$0x1D000] =	vst v63  }
0x298: {  	v3 =	vld [tilespmem:$0x4A0];
	_ =	sdelay $0x4  }
0x299: {  	v13 =	vshll.u32 v3, $0x3  }
0x29a: {  	v3 =	vand.u32 $0x7, v3;
	v4 =	vand.u32 $0xFFFFFFC0, v13  }
0x29b: {  	v3 =	vor.u32 v3, v4  }
0x29c: {  	v4 =	vperm.xlane v3, v0;
	_ =	sdelay $0x1  }
0x29d: {  	v4 =	vadd.s32 v1, v4;
	_ =	sdelay $0x3  }
0x29e: {  	s14 =	simm.s32 $0x9000  }
0x29f: {  	[hbm4b:s3+s4] =	stream.indirect_vreg.scatter [tilespmem:s14], [sflag:$0x1], $0x80, v4, vm0, $0xb8;
	[tilespmem:$0x1D000] =	vst v63  }
0x2a0: {  	s15 =	simm.s32 $0x9800;
	v3 =	vperm.xlane v3, v2  }
0x2a1: {  	[hbm4b:s5+s4] =	stream.indirect_vreg.scatter [tilespmem:s15], [sflag:$0x1], $0x80, v4, vm0, $0xb8;
	[tilespmem:$0x1D000] =	vst v63  }
0x2a2: {  	s26 =	simm.s32 $0xA000;
	v3 =	vadd.s32 v1, v3  }
0x2a3: {  	[hbm4b:s6+s4] =	stream.indirect_vreg.scatter [tilespmem:s26], [sflag:$0x1], $0x80, v4, vm0, $0xb8;
	[tilespmem:$0x1D000] =	vst v63  }
0x2a4: {  	s22 =	simm.s32 $0xA800  }
0x2a5: {  	[hbm4b:s7+s4] =	stream.indirect_vreg.scatter [tilespmem:s22], [sflag:$0x1], $0x80, v4, vm0, $0xb8;
	[tilespmem:$0x1D000] =	vst v63  }
0x2a6: {  	s21 =	simm.s32 $0xB000  }
0x2a7: {  	[hbm4b:s3+s4] =	stream.indirect_vreg.scatter [tilespmem:s21], [sflag:$0x1], $0x80, v3, vm0, $0xb8;
	[tilespmem:$0x1D000] =	vst v63  }
0x2a8: {  	s16 =	simm.s32 $0xB800  }
0x2a9: {  	[hbm4b:s5+s4] =	stream.indirect_vreg.scatter [tilespmem:s16], [sflag:$0x1], $0x80, v3, vm0, $0xb8;
	[tilespmem:$0x1D000] =	vst v63  }
0x2aa: {  	s17 =	simm.s32 $0xC000  }
0x2ab: {  	[hbm4b:s6+s4] =	stream.indirect_vreg.scatter [tilespmem:s17], [sflag:$0x1], $0x80, v3, vm0, $0xb8;
	[tilespmem:$0x1D000] =	vst v63  }
0x2ac: {  	s0 =	simm.s32 $0xC800  }
0x2ad: {  	[hbm4b:s7+s4] =	stream.indirect_vreg.scatter [tilespmem:s0], [sflag:$0x1], $0x80, v3, vm0, $0xb8;
	[tilespmem:$0x1D000] =	vst v63  }
0x2ae: {  	v3 =	vld [tilespmem:$0x500];
	_ =	sdelay $0x4  }
0x2af: {  	v14 =	vshll.u32 v3, $0x3  }
0x2b0: {  	v3 =	vand.u32 $0x7, v3;
	v4 =	vand.u32 $0xFFFFFFC0, v14  }
0x2b1: {  	v3 =	vor.u32 v3, v4  }
0x2b2: {  	v4 =	vperm.xlane v3, v0;
	_ =	sdelay $0x1  }
0x2b3: {  	v4 =	vadd.s32 v1, v4;
	_ =	sdelay $0x3  }
0x2b4: {  	s26 =	simm.s32 $0x1000  }
0x2b5: {  	[hbm4b:s3+s4] =	stream.indirect_vreg.scatter [tilespmem:s26], [sflag:$0x1], $0x80, v4, vm0, $0xb8;
	[tilespmem:$0x1D000] =	vst v63  }
0x2b6: {  	s28 =	simm.s32 $0x1800;
	v3 =	vperm.xlane v3, v2  }
0x2b7: {  	[hbm4b:s5+s4] =	stream.indirect_vreg.scatter [tilespmem:s28], [sflag:$0x1], $0x80, v4, vm0, $0xb8;
	[tilespmem:$0x1D000] =	vst v63  }
0x2b8: {  	s23 =	simm.s32 $0x2000;
	v3 =	vadd.s32 v1, v3  }
0x2b9: {  	[hbm4b:s6+s4] =	stream.indirect_vreg.scatter [tilespmem:s23], [sflag:$0x1], $0x80, v4, vm0, $0xb8;
	[tilespmem:$0x1D000] =	vst v63  }
0x2ba: {  	s28 =	simm.s32 $0x2800  }
0x2bb: {  	[hbm4b:s7+s4] =	stream.indirect_vreg.scatter [tilespmem:s28], [sflag:$0x1], $0x80, v4, vm0, $0xb8;
	[tilespmem:$0x1D000] =	vst v63  }
0x2bc: {  	s2 =	simm.s32 $0x3000  }
0x2bd: {  	[hbm4b:s3+s4] =	stream.indirect_vreg.scatter [tilespmem:s2], [sflag:$0x1], $0x80, v3, vm0, $0xb8;
	[tilespmem:$0x1D000] =	vst v63  }
0x2be: {  	s1 =	simm.s32 $0x3800  }
0x2bf: {  	[hbm4b:s5+s4] =	stream.indirect_vreg.scatter [tilespmem:s1], [sflag:$0x1], $0x80, v3, vm0, $0xb8;
	[tilespmem:$0x1D000] =	vst v63  }
0x2c0: {  	s17 =	simm.s32 $0x4000  }
0x2c1: {  	[hbm4b:s6+s4] =	stream.indirect_vreg.scatter [tilespmem:s17], [sflag:$0x1], $0x80, v3, vm0, $0xb8;
	[tilespmem:$0x1D000] =	vst v63  }
0x2c2: {  	s19 =	simm.s32 $0x4800  }
0x2c3: {  	[hbm4b:s7+s4] =	stream.indirect_vreg.scatter [tilespmem:s19], [sflag:$0x1], $0x80, v3, vm0, $0xb8;
	[tilespmem:$0x1D000] =	vst v63  }
0x2c4: {  	v3 =	vld [tilespmem:$0x510];
	_ =	sdelay $0x4  }
0x2c5: {  	v15 =	vshll.u32 v3, $0x3  }
0x2c6: {  	v3 =	vand.u32 $0x7, v3;
	v4 =	vand.u32 $0xFFFFFFC0, v15  }
0x2c7: {  	v3 =	vor.u32 v3, v4  }
0x2c8: {  	v4 =	vperm.xlane v3, v0;
	_ =	sdelay $0x1  }
0x2c9: {  	v4 =	vadd.s32 v1, v4;
	_ =	sdelay $0x3  }
0x2ca: {  	s28 =	simm.s32 $0x5000  }
0x2cb: {  	[hbm4b:s3+s4] =	stream.indirect_vreg.scatter [tilespmem:s28], [sflag:$0x1], $0x80, v4, vm0, $0xb8;
	[tilespmem:$0x1D000] =	vst v63  }
0x2cc: {  	s11 =	simm.s32 $0x5800;
	v3 =	vperm.xlane v3, v2  }
0x2cd: {  	[hbm4b:s5+s4] =	stream.indirect_vreg.scatter [tilespmem:s11], [sflag:$0x1], $0x80, v4, vm0, $0xb8;
	[tilespmem:$0x1D000] =	vst v63  }
0x2ce: {  	s31 =	simm.s32 $0x6000;
	v3 =	vadd.s32 v1, v3  }
0x2cf: {  	[hbm4b:s6+s4] =	stream.indirect_vreg.scatter [tilespmem:s31], [sflag:$0x1], $0x80, v4, vm0, $0xb8;
	[tilespmem:$0x1D000] =	vst v63  }
0x2d0: {  	s30 =	simm.s32 $0x6800  }
0x2d1: {  	[hbm4b:s7+s4] =	stream.indirect_vreg.scatter [tilespmem:s30], [sflag:$0x1], $0x80, v4, vm0, $0xb8;
	[tilespmem:$0x1D000] =	vst v63  }
0x2d2: {  	s12 =	simm.s32 $0x7000  }
0x2d3: {  	[hbm4b:s3+s4] =	stream.indirect_vreg.scatter [tilespmem:s12], [sflag:$0x1], $0x80, v3, vm0, $0xb8;
	[tilespmem:$0x1D000] =	vst v63  }
0x2d4: {  	s18 =	simm.s32 $0x7800  }
0x2d5: {  	[hbm4b:s5+s4] =	stream.indirect_vreg.scatter [tilespmem:s18], [sflag:$0x1], $0x80, v3, vm0, $0xb8;
	[tilespmem:$0x1D000] =	vst v63  }
0x2d6: {  	s20 =	simm.s32 $0x8000  }
0x2d7: {  	[hbm4b:s6+s4] =	stream.indirect_vreg.scatter [tilespmem:s20], [sflag:$0x1], $0x80, v3, vm0, $0xb8;
	[tilespmem:$0x1D000] =	vst v63  }
0x2d8: {  	s25 =	simm.s32 $0x8800  }
0x2d9: {  	[hbm4b:s7+s4] =	stream.indirect_vreg.scatter [tilespmem:s25], [sflag:$0x1], $0x80, v3, vm0, $0xb8;
	[tilespmem:$0x1D000] =	vst v63  }
0x2da: {  	v3 =	vld [tilespmem:$0x520];
	_ =	sdelay $0x4  }
0x2db: {  	v16 =	vshll.u32 v3, $0x3  }
0x2dc: {  	v3 =	vand.u32 $0x7, v3;
	v4 =	vand.u32 $0xFFFFFFC0, v16  }
0x2dd: {  	v3 =	vor.u32 v3, v4  }
0x2de: {  	v4 =	vperm.xlane v3, v0;
	_ =	sdelay $0x1  }
0x2df: {  	v4 =	vadd.s32 v1, v4;
	_ =	sdelay $0x3  }
0x2e0: {  	s13 =	simm.s32 $0x9000  }
0x2e1: {  	[hbm4b:s3+s4] =	stream.indirect_vreg.scatter [tilespmem:s13], [sflag:$0x1], $0x80, v4, vm0, $0xb8;
	[tilespmem:$0x1D000] =	vst v63  }
0x2e2: {  	s15 =	simm.s32 $0x9800;
	v3 =	vperm.xlane v3, v2  }
0x2e3: {  	[hbm4b:s5+s4] =	stream.indirect_vreg.scatter [tilespmem:s15], [sflag:$0x1], $0x80, v4, vm0, $0xb8;
	[tilespmem:$0x1D000] =	vst v63  }
0x2e4: {  	s29 =	simm.s32 $0xA000;
	v3 =	vadd.s32 v1, v3  }
0x2e5: {  	[hbm4b:s6+s4] =	stream.indirect_vreg.scatter [tilespmem:s29], [sflag:$0x1], $0x80, v4, vm0, $0xb8;
	[tilespmem:$0x1D000] =	vst v63  }
0x2e6: {  	s22 =	simm.s32 $0xA800  }
0x2e7: {  	[hbm4b:s7+s4] =	stream.indirect_vreg.scatter [tilespmem:s22], [sflag:$0x1], $0x80, v4, vm0, $0xb8;
	[tilespmem:$0x1D000] =	vst v63  }
0x2e8: {  	s14 =	simm.s32 $0xB000  }
0x2e9: {  	[hbm4b:s3+s4] =	stream.indirect_vreg.scatter [tilespmem:s14], [sflag:$0x1], $0x80, v3, vm0, $0xb8;
	[tilespmem:$0x1D000] =	vst v63  }
0x2ea: {  	s21 =	simm.s32 $0xB800  }
0x2eb: {  	[hbm4b:s5+s4] =	stream.indirect_vreg.scatter [tilespmem:s21], [sflag:$0x1], $0x80, v3, vm0, $0xb8;
	[tilespmem:$0x1D000] =	vst v63  }
0x2ec: {  	s16 =	simm.s32 $0xC000  }
0x2ed: {  	[hbm4b:s6+s4] =	stream.indirect_vreg.scatter [tilespmem:s16], [sflag:$0x1], $0x80, v3, vm0, $0xb8;
	[tilespmem:$0x1D000] =	vst v63  }
0x2ee: {  	s0 =	simm.s32 $0xC800  }
0x2ef: {  	[hbm4b:s7+s4] =	stream.indirect_vreg.scatter [tilespmem:s0], [sflag:$0x1], $0x80, v3, vm0, $0xb8;
	[tilespmem:$0x1D000] =	vst v63  }
0x2f0: {  	v3 =	vld [tilespmem:$0x580];
	_ =	sdelay $0x4  }
0x2f1: {  	v17 =	vshll.u32 v3, $0x3  }
0x2f2: {  	v3 =	vand.u32 $0x7, v3;
	v4 =	vand.u32 $0xFFFFFFC0, v17  }
0x2f3: {  	v3 =	vor.u32 v3, v4  }
0x2f4: {  	v4 =	vperm.xlane v3, v0;
	_ =	sdelay $0x1  }
0x2f5: {  	v4 =	vadd.s32 v1, v4;
	_ =	sdelay $0x3  }
0x2f6: {  	s29 =	simm.s32 $0x1000  }
0x2f7: {  	[hbm4b:s3+s4] =	stream.indirect_vreg.scatter [tilespmem:s29], [sflag:$0x1], $0x80, v4, vm0, $0xb8;
	[tilespmem:$0x1D000] =	vst v63  }
0x2f8: {  	s22 =	simm.s32 $0x1800;
	v3 =	vperm.xlane v3, v2  }
0x2f9: {  	[hbm4b:s5+s4] =	stream.indirect_vreg.scatter [tilespmem:s22], [sflag:$0x1], $0x80, v4, vm0, $0xb8;
	[tilespmem:$0x1D000] =	vst v63  }
0x2fa: {  	s26 =	simm.s32 $0x2000;
	v3 =	vadd.s32 v1, v3  }
0x2fb: {  	[hbm4b:s6+s4] =	stream.indirect_vreg.scatter [tilespmem:s26], [sflag:$0x1], $0x80, v4, vm0, $0xb8;
	[tilespmem:$0x1D000] =	vst v63  }
0x2fc: {  	s29 =	simm.s32 $0x2800  }
0x2fd: {  	[hbm4b:s7+s4] =	stream.indirect_vreg.scatter [tilespmem:s29], [sflag:$0x1], $0x80, v4, vm0, $0xb8;
	[tilespmem:$0x1D000] =	vst v63  }
0x2fe: {  	s23 =	simm.s32 $0x3000  }
0x2ff: {  	[hbm4b:s3+s4] =	stream.indirect_vreg.scatter [tilespmem:s23], [sflag:$0x1], $0x80, v3, vm0, $0xb8;
	[tilespmem:$0x1D000] =	vst v63  }
0x300: {  	s24 =	simm.s32 $0x3800  }
0x301: {  	[hbm4b:s5+s4] =	stream.indirect_vreg.scatter [tilespmem:s24], [sflag:$0x1], $0x80, v3, vm0, $0xb8;
	[tilespmem:$0x1D000] =	vst v63  }
0x302: {  	s1 =	simm.s32 $0x4000  }
0x303: {  	[hbm4b:s6+s4] =	stream.indirect_vreg.scatter [tilespmem:s1], [sflag:$0x1], $0x80, v3, vm0, $0xb8;
	[tilespmem:$0x1D000] =	vst v63  }
0x304: {  	s19 =	simm.s32 $0x4800  }
0x305: {  	[hbm4b:s7+s4] =	stream.indirect_vreg.scatter [tilespmem:s19], [sflag:$0x1], $0x80, v3, vm0, $0xb8;
	[tilespmem:$0x1D000] =	vst v63  }
0x306: {  	v3 =	vld [tilespmem:$0x590];
	_ =	sdelay $0x4  }
0x307: {  	v18 =	vshll.u32 v3, $0x3  }
0x308: {  	v3 =	vand.u32 $0x7, v3;
	v4 =	vand.u32 $0xFFFFFFC0, v18  }
0x309: {  	v3 =	vor.u32 v3, v4  }
0x30a: {  	v4 =	vperm.xlane v3, v0;
	_ =	sdelay $0x1  }
0x30b: {  	v4 =	vadd.s32 v1, v4;
	_ =	sdelay $0x3  }
0x30c: {  	s17 =	simm.s32 $0x5000  }
0x30d: {  	[hbm4b:s3+s4] =	stream.indirect_vreg.scatter [tilespmem:s17], [sflag:$0x1], $0x80, v4, vm0, $0xb8;
	[tilespmem:$0x1D000] =	vst v63  }
0x30e: {  	s2 =	simm.s32 $0x5800;
	v3 =	vperm.xlane v3, v2  }
0x30f: {  	[hbm4b:s5+s4] =	stream.indirect_vreg.scatter [tilespmem:s2], [sflag:$0x1], $0x80, v4, vm0, $0xb8;
	[tilespmem:$0x1D000] =	vst v63  }
0x310: {  	s19 =	simm.s32 $0x6000;
	v3 =	vadd.s32 v1, v3  }
0x311: {  	[hbm4b:s6+s4] =	stream.indirect_vreg.scatter [tilespmem:s19], [sflag:$0x1], $0x80, v4, vm0, $0xb8;
	[tilespmem:$0x1D000] =	vst v63  }
0x312: {  	s30 =	simm.s32 $0x6800  }
0x313: {  	[hbm4b:s7+s4] =	stream.indirect_vreg.scatter [tilespmem:s30], [sflag:$0x1], $0x80, v4, vm0, $0xb8;
	[tilespmem:$0x1D000] =	vst v63  }
0x314: {  	s31 =	simm.s32 $0x7000  }
0x315: {  	[hbm4b:s3+s4] =	stream.indirect_vreg.scatter [tilespmem:s31], [sflag:$0x1], $0x80, v3, vm0, $0xb8;
	[tilespmem:$0x1D000] =	vst v63  }
0x316: {  	s11 =	simm.s32 $0x7800  }
0x317: {  	[hbm4b:s5+s4] =	stream.indirect_vreg.scatter [tilespmem:s11], [sflag:$0x1], $0x80, v3, vm0, $0xb8;
	[tilespmem:$0x1D000] =	vst v63  }
0x318: {  	s18 =	simm.s32 $0x8000  }
0x319: {  	[hbm4b:s6+s4] =	stream.indirect_vreg.scatter [tilespmem:s18], [sflag:$0x1], $0x80, v3, vm0, $0xb8;
	[tilespmem:$0x1D000] =	vst v63  }
0x31a: {  	s28 =	simm.s32 $0x8800  }
0x31b: {  	[hbm4b:s7+s4] =	stream.indirect_vreg.scatter [tilespmem:s28], [sflag:$0x1], $0x80, v3, vm0, $0xb8;
	[tilespmem:$0x1D000] =	vst v63  }
0x31c: {  	v3 =	vld [tilespmem:$0x5A0];
	_ =	sdelay $0x4  }
0x31d: {  	v19 =	vshll.u32 v3, $0x3  }
0x31e: {  	v3 =	vand.u32 $0x7, v3;
	v4 =	vand.u32 $0xFFFFFFC0, v19  }
0x31f: {  	v3 =	vor.u32 v3, v4  }
0x320: {  	v4 =	vperm.xlane v3, v0;
	_ =	sdelay $0x1  }
0x321: {  	v4 =	vadd.s32 v1, v4;
	_ =	sdelay $0x3  }
0x322: {  	s12 =	simm.s32 $0x9000  }
0x323: {  	[hbm4b:s3+s4] =	stream.indirect_vreg.scatter [tilespmem:s12], [sflag:$0x1], $0x80, v4, vm0, $0xb8;
	[tilespmem:$0x1D000] =	vst v63  }
0x324: {  	s20 =	simm.s32 $0x9800;
	v3 =	vperm.xlane v3, v2  }
0x325: {  	[hbm4b:s5+s4] =	stream.indirect_vreg.scatter [tilespmem:s20], [sflag:$0x1], $0x80, v4, vm0, $0xb8;
	[tilespmem:$0x1D000] =	vst v63  }
0x326: {  	s25 =	simm.s32 $0xA000;
	v3 =	vadd.s32 v1, v3  }
0x327: {  	[hbm4b:s6+s4] =	stream.indirect_vreg.scatter [tilespmem:s25], [sflag:$0x1], $0x80, v4, vm0, $0xb8;
	[tilespmem:$0x1D000] =	vst v63  }
0x328: {  	s15 =	simm.s32 $0xA800  }
0x329: {  	[hbm4b:s7+s4] =	stream.indirect_vreg.scatter [tilespmem:s15], [sflag:$0x1], $0x80, v4, vm0, $0xb8;
	[tilespmem:$0x1D000] =	vst v63  }
0x32a: {  	s13 =	simm.s32 $0xB000  }
0x32b: {  	[hbm4b:s3+s4] =	stream.indirect_vreg.scatter [tilespmem:s13], [sflag:$0x1], $0x80, v3, vm0, $0xb8;
	[tilespmem:$0x1D000] =	vst v63  }
0x32c: {  	s21 =	simm.s32 $0xB800  }
0x32d: {  	[hbm4b:s5+s4] =	stream.indirect_vreg.scatter [tilespmem:s21], [sflag:$0x1], $0x80, v3, vm0, $0xb8;
	[tilespmem:$0x1D000] =	vst v63  }
0x32e: {  	s14 =	simm.s32 $0xC000  }
0x32f: {  	[hbm4b:s6+s4] =	stream.indirect_vreg.scatter [tilespmem:s14], [sflag:$0x1], $0x80, v3, vm0, $0xb8;
	[tilespmem:$0x1D000] =	vst v63  }
0x330: {  	s0 =	simm.s32 $0xC800  }
0x331: {  	[hbm4b:s7+s4] =	stream.indirect_vreg.scatter [tilespmem:s0], [sflag:$0x1], $0x80, v3, vm0, $0xb8;
	[tilespmem:$0x1D000] =	vst v63  }
0x332: {  	v3 =	vld [tilespmem:$0x600];
	_ =	sdelay $0x4  }
0x333: {  	v20 =	vshll.u32 v3, $0x3  }
0x334: {  	v3 =	vand.u32 $0x7, v3;
	v4 =	vand.u32 $0xFFFFFFC0, v20  }
0x335: {  	v3 =	vor.u32 v3, v4  }
0x336: {  	v4 =	vperm.xlane v3, v0;
	_ =	sdelay $0x1  }
0x337: {  	v4 =	vadd.s32 v1, v4;
	_ =	sdelay $0x3  }
0x338: {  	s25 =	simm.s32 $0x1000  }
0x339: {  	[hbm4b:s3+s4] =	stream.indirect_vreg.scatter [tilespmem:s25], [sflag:$0x1], $0x80, v4, vm0, $0xb8;
	[tilespmem:$0x1D000] =	vst v63  }
0x33a: {  	v3 =	vperm.xlane v3, v2;
	s25 =	simm.s32 $0x1800  }
0x33b: {  	[hbm4b:s5+s4] =	stream.indirect_vreg.scatter [tilespmem:s25], [sflag:$0x1], $0x80, v4, vm0, $0xb8;
	[tilespmem:$0x1D000] =	vst v63  }
0x33c: {  	s26 =	simm.s32 $0x2000;
	v3 =	vadd.s32 v1, v3  }
0x33d: {  	[hbm4b:s6+s4] =	stream.indirect_vreg.scatter [tilespmem:s26], [sflag:$0x1], $0x80, v4, vm0, $0xb8;
	[tilespmem:$0x1D000] =	vst v63  }
0x33e: {  	s16 =	simm.s32 $0x2800  }
0x33f: {  	[hbm4b:s7+s4] =	stream.indirect_vreg.scatter [tilespmem:s16], [sflag:$0x1], $0x80, v4, vm0, $0xb8;
	[tilespmem:$0x1D000] =	vst v63  }
0x340: {  	s22 =	simm.s32 $0x3000  }
0x341: {  	[hbm4b:s3+s4] =	stream.indirect_vreg.scatter [tilespmem:s22], [sflag:$0x1], $0x80, v3, vm0, $0xb8;
	[tilespmem:$0x1D000] =	vst v63  }
0x342: {  	s24 =	simm.s32 $0x3800  }
0x343: {  	[hbm4b:s5+s4] =	stream.indirect_vreg.scatter [tilespmem:s24], [sflag:$0x1], $0x80, v3, vm0, $0xb8;
	[tilespmem:$0x1D000] =	vst v63  }
0x344: {  	s29 =	simm.s32 $0x4000  }
0x345: {  	[hbm4b:s6+s4] =	stream.indirect_vreg.scatter [tilespmem:s29], [sflag:$0x1], $0x80, v3, vm0, $0xb8;
	[tilespmem:$0x1D000] =	vst v63  }
0x346: {  	s23 =	simm.s32 $0x4800  }
0x347: {  	[hbm4b:s7+s4] =	stream.indirect_vreg.scatter [tilespmem:s23], [sflag:$0x1], $0x80, v3, vm0, $0xb8;
	[tilespmem:$0x1D000] =	vst v63  }
0x348: {  	v3 =	vld [tilespmem:$0x610];
	_ =	sdelay $0x4  }
0x349: {  	v21 =	vshll.u32 v3, $0x3  }
0x34a: {  	v3 =	vand.u32 $0x7, v3;
	v4 =	vand.u32 $0xFFFFFFC0, v21  }
0x34b: {  	v3 =	vor.u32 v3, v4  }
0x34c: {  	v4 =	vperm.xlane v3, v0;
	_ =	sdelay $0x1  }
0x34d: {  	v4 =	vadd.s32 v1, v4;
	_ =	sdelay $0x3  }
0x34e: {  	s1 =	simm.s32 $0x5000  }
0x34f: {  	[hbm4b:s3+s4] =	stream.indirect_vreg.scatter [tilespmem:s1], [sflag:$0x1], $0x80, v4, vm0, $0xb8;
	[tilespmem:$0x1D000] =	vst v63  }
0x350: {  	s2 =	simm.s32 $0x5800;
	v3 =	vperm.xlane v3, v2  }
0x351: {  	[hbm4b:s5+s4] =	stream.indirect_vreg.scatter [tilespmem:s2], [sflag:$0x1], $0x80, v4, vm0, $0xb8;
	[tilespmem:$0x1D000] =	vst v63  }
0x352: {  	s17 =	simm.s32 $0x6000;
	v3 =	vadd.s32 v1, v3  }
0x353: {  	[hbm4b:s6+s4] =	stream.indirect_vreg.scatter [tilespmem:s17], [sflag:$0x1], $0x80, v4, vm0, $0xb8;
	[tilespmem:$0x1D000] =	vst v63  }
0x354: {  	s29 =	simm.s32 $0x6800  }
0x355: {  	[hbm4b:s7+s4] =	stream.indirect_vreg.scatter [tilespmem:s29], [sflag:$0x1], $0x80, v4, vm0, $0xb8;
	[tilespmem:$0x1D000] =	vst v63  }
0x356: {  	s30 =	simm.s32 $0x7000  }
0x357: {  	[hbm4b:s3+s4] =	stream.indirect_vreg.scatter [tilespmem:s30], [sflag:$0x1], $0x80, v3, vm0, $0xb8;
	[tilespmem:$0x1D000] =	vst v63  }
0x358: {  	s31 =	simm.s32 $0x7800  }
0x359: {  	[hbm4b:s5+s4] =	stream.indirect_vreg.scatter [tilespmem:s31], [sflag:$0x1], $0x80, v3, vm0, $0xb8;
	[tilespmem:$0x1D000] =	vst v63  }
0x35a: {  	s11 =	simm.s32 $0x8000  }
0x35b: {  	[hbm4b:s6+s4] =	stream.indirect_vreg.scatter [tilespmem:s11], [sflag:$0x1], $0x80, v3, vm0, $0xb8;
	[tilespmem:$0x1D000] =	vst v63  }
0x35c: {  	s28 =	simm.s32 $0x8800  }
0x35d: {  	[hbm4b:s7+s4] =	stream.indirect_vreg.scatter [tilespmem:s28], [sflag:$0x1], $0x80, v3, vm0, $0xb8;
	[tilespmem:$0x1D000] =	vst v63  }
0x35e: {  	v3 =	vld [tilespmem:$0x620];
	_ =	sdelay $0x4  }
0x35f: {  	v22 =	vshll.u32 v3, $0x3  }
0x360: {  	v3 =	vand.u32 $0x7, v3;
	v4 =	vand.u32 $0xFFFFFFC0, v22  }
0x361: {  	v3 =	vor.u32 v3, v4  }
0x362: {  	v4 =	vperm.xlane v3, v0;
	_ =	sdelay $0x1  }
0x363: {  	v4 =	vadd.s32 v1, v4;
	_ =	sdelay $0x3  }
0x364: {  	s12 =	simm.s32 $0x9000  }
0x365: {  	[hbm4b:s3+s4] =	stream.indirect_vreg.scatter [tilespmem:s12], [sflag:$0x1], $0x80, v4, vm0, $0xb8;
	[tilespmem:$0x1D000] =	vst v63  }
0x366: {  	s19 =	simm.s32 $0x9800;
	v3 =	vperm.xlane v3, v2  }
0x367: {  	[hbm4b:s5+s4] =	stream.indirect_vreg.scatter [tilespmem:s19], [sflag:$0x1], $0x80, v4, vm0, $0xb8;
	[tilespmem:$0x1D000] =	vst v63  }
0x368: {  	s20 =	simm.s32 $0xA000;
	v3 =	vadd.s32 v1, v3  }
0x369: {  	[hbm4b:s6+s4] =	stream.indirect_vreg.scatter [tilespmem:s20], [sflag:$0x1], $0x80, v4, vm0, $0xb8;
	[tilespmem:$0x1D000] =	vst v63  }
0x36a: {  	s15 =	simm.s32 $0xA800  }
0x36b: {  	[hbm4b:s7+s4] =	stream.indirect_vreg.scatter [tilespmem:s15], [sflag:$0x1], $0x80, v4, vm0, $0xb8;
	[tilespmem:$0x1D000] =	vst v63  }
0x36c: {  	s13 =	simm.s32 $0xB000  }
0x36d: {  	[hbm4b:s3+s4] =	stream.indirect_vreg.scatter [tilespmem:s13], [sflag:$0x1], $0x80, v3, vm0, $0xb8;
	[tilespmem:$0x1D000] =	vst v63  }
0x36e: {  	s18 =	simm.s32 $0xB800  }
0x36f: {  	[hbm4b:s5+s4] =	stream.indirect_vreg.scatter [tilespmem:s18], [sflag:$0x1], $0x80, v3, vm0, $0xb8;
	[tilespmem:$0x1D000] =	vst v63  }
0x370: {  	s14 =	simm.s32 $0xC000  }
0x371: {  	[hbm4b:s6+s4] =	stream.indirect_vreg.scatter [tilespmem:s14], [sflag:$0x1], $0x80, v3, vm0, $0xb8;
	[tilespmem:$0x1D000] =	vst v63  }
0x372: {  	s0 =	simm.s32 $0xC800  }
0x373: {  	[hbm4b:s7+s4] =	stream.indirect_vreg.scatter [tilespmem:s0], [sflag:$0x1], $0x80, v3, vm0, $0xb8;
	[tilespmem:$0x1D000] =	vst v63  }
0x374: {  	v3 =	vld [tilespmem:$0x680];
	_ =	sdelay $0x4  }
0x375: {  	v23 =	vshll.u32 v3, $0x3  }
0x376: {  	v3 =	vand.u32 $0x7, v3;
	v4 =	vand.u32 $0xFFFFFFC0, v23  }
0x377: {  	v3 =	vor.u32 v3, v4  }
0x378: {  	v4 =	vperm.xlane v3, v0;
	_ =	sdelay $0x1  }
0x379: {  	v4 =	vadd.s32 v1, v4;
	_ =	sdelay $0x3  }
0x37a: {  	s30 =	simm.s32 $0x1000  }
0x37b: {  	[hbm4b:s3+s4] =	stream.indirect_vreg.scatter [tilespmem:s30], [sflag:$0x1], $0x80, v4, vm0, $0xb8;
	[tilespmem:$0x1D000] =	vst v63  }
0x37c: {  	s31 =	simm.s32 $0x1800;
	v3 =	vperm.xlane v3, v2  }
0x37d: {  	[hbm4b:s5+s4] =	stream.indirect_vreg.scatter [tilespmem:s31], [sflag:$0x1], $0x80, v4, vm0, $0xb8;
	[tilespmem:$0x1D000] =	vst v63  }
0x37e: {  	s26 =	simm.s32 $0x2000;
	v3 =	vadd.s32 v1, v3  }
0x37f: {  	[hbm4b:s6+s4] =	stream.indirect_vreg.scatter [tilespmem:s26], [sflag:$0x1], $0x80, v4, vm0, $0xb8;
	[tilespmem:$0x1D000] =	vst v63  }
0x380: {  	s25 =	simm.s32 $0x2800  }
0x381: {  	[hbm4b:s7+s4] =	stream.indirect_vreg.scatter [tilespmem:s25], [sflag:$0x1], $0x80, v4, vm0, $0xb8;
	[tilespmem:$0x1D000] =	vst v63  }
0x382: {  	s21 =	simm.s32 $0x3000  }
0x383: {  	[hbm4b:s3+s4] =	stream.indirect_vreg.scatter [tilespmem:s21], [sflag:$0x1], $0x80, v3, vm0, $0xb8;
	[tilespmem:$0x1D000] =	vst v63  }
0x384: {  	s26 =	simm.s32 $0x3800  }
0x385: {  	[hbm4b:s5+s4] =	stream.indirect_vreg.scatter [tilespmem:s26], [sflag:$0x1], $0x80, v3, vm0, $0xb8;
	[tilespmem:$0x1D000] =	vst v63  }
0x386: {  	s30 =	simm.s32 $0x4000  }
0x387: {  	[hbm4b:s6+s4] =	stream.indirect_vreg.scatter [tilespmem:s30], [sflag:$0x1], $0x80, v3, vm0, $0xb8;
	[tilespmem:$0x1D000] =	vst v63  }
0x388: {  	s16 =	simm.s32 $0x4800  }
0x389: {  	[hbm4b:s7+s4] =	stream.indirect_vreg.scatter [tilespmem:s16], [sflag:$0x1], $0x80, v3, vm0, $0xb8;
	[tilespmem:$0x1D000] =	vst v63  }
0x38a: {  	v3 =	vld [tilespmem:$0x690];
	_ =	sdelay $0x4  }
0x38b: {  	v24 =	vshll.u32 v3, $0x3  }
0x38c: {  	v3 =	vand.u32 $0x7, v3;
	v4 =	vand.u32 $0xFFFFFFC0, v24  }
0x38d: {  	v3 =	vor.u32 v3, v4  }
0x38e: {  	v4 =	vperm.xlane v3, v0;
	_ =	sdelay $0x1  }
0x38f: {  	v4 =	vadd.s32 v1, v4;
	_ =	sdelay $0x3  }
0x390: {  	s23 =	simm.s32 $0x5000  }
0x391: {  	[hbm4b:s3+s4] =	stream.indirect_vreg.scatter [tilespmem:s23], [sflag:$0x1], $0x80, v4, vm0, $0xb8;
	[tilespmem:$0x1D000] =	vst v63  }
0x392: {  	s2 =	simm.s32 $0x5800;
	v3 =	vperm.xlane v3, v2  }
0x393: {  	[hbm4b:s5+s4] =	stream.indirect_vreg.scatter [tilespmem:s2], [sflag:$0x1], $0x80, v4, vm0, $0xb8;
	[tilespmem:$0x1D000] =	vst v63  }
0x394: {  	s1 =	simm.s32 $0x6000;
	v3 =	vadd.s32 v1, v3  }
0x395: {  	[hbm4b:s6+s4] =	stream.indirect_vreg.scatter [tilespmem:s1], [sflag:$0x1], $0x80, v4, vm0, $0xb8;
	[tilespmem:$0x1D000] =	vst v63  }
0x396: {  	s30 =	simm.s32 $0x6800  }
0x397: {  	[hbm4b:s7+s4] =	stream.indirect_vreg.scatter [tilespmem:s30], [sflag:$0x1], $0x80, v4, vm0, $0xb8;
	[tilespmem:$0x1D000] =	vst v63  }
0x398: {  	s29 =	simm.s32 $0x7000  }
0x399: {  	[hbm4b:s3+s4] =	stream.indirect_vreg.scatter [tilespmem:s29], [sflag:$0x1], $0x80, v3, vm0, $0xb8;
	[tilespmem:$0x1D000] =	vst v63  }
0x39a: {  	s17 =	simm.s32 $0x7800  }
0x39b: {  	[hbm4b:s5+s4] =	stream.indirect_vreg.scatter [tilespmem:s17], [sflag:$0x1], $0x80, v3, vm0, $0xb8;
	[tilespmem:$0x1D000] =	vst v63  }
0x39c: {  	s11 =	simm.s32 $0x8000  }
0x39d: {  	[hbm4b:s6+s4] =	stream.indirect_vreg.scatter [tilespmem:s11], [sflag:$0x1], $0x80, v3, vm0, $0xb8;
	[tilespmem:$0x1D000] =	vst v63  }
0x39e: {  	s24 =	simm.s32 $0x8800  }
0x39f: {  	[hbm4b:s7+s4] =	stream.indirect_vreg.scatter [tilespmem:s24], [sflag:$0x1], $0x80, v3, vm0, $0xb8;
	[tilespmem:$0x1D000] =	vst v63  }
0x3a0: {  	v3 =	vld [tilespmem:$0x6A0];
	_ =	sdelay $0x4  }
0x3a1: {  	v25 =	vshll.u32 v3, $0x3  }
0x3a2: {  	v3 =	vand.u32 $0x7, v3;
	v4 =	vand.u32 $0xFFFFFFC0, v25  }
0x3a3: {  	v3 =	vor.u32 v3, v4  }
0x3a4: {  	v4 =	vperm.xlane v3, v0;
	_ =	sdelay $0x1  }
0x3a5: {  	v4 =	vadd.s32 v1, v4;
	_ =	sdelay $0x3  }
0x3a6: {  	s12 =	simm.s32 $0x9000  }
0x3a7: {  	[hbm4b:s3+s4] =	stream.indirect_vreg.scatter [tilespmem:s12], [sflag:$0x1], $0x80, v4, vm0, $0xb8;
	[tilespmem:$0x1D000] =	vst v63  }
0x3a8: {  	s22 =	simm.s32 $0x9800;
	v3 =	vperm.xlane v3, v2  }
0x3a9: {  	[hbm4b:s5+s4] =	stream.indirect_vreg.scatter [tilespmem:s22], [sflag:$0x1], $0x80, v4, vm0, $0xb8;
	[tilespmem:$0x1D000] =	vst v63  }
0x3aa: {  	s20 =	simm.s32 $0xA000;
	v3 =	vadd.s32 v1, v3  }
0x3ab: {  	[hbm4b:s6+s4] =	stream.indirect_vreg.scatter [tilespmem:s20], [sflag:$0x1], $0x80, v4, vm0, $0xb8;
	[tilespmem:$0x1D000] =	vst v63  }
0x3ac: {  	s19 =	simm.s32 $0xA800  }
0x3ad: {  	[hbm4b:s7+s4] =	stream.indirect_vreg.scatter [tilespmem:s19], [sflag:$0x1], $0x80, v4, vm0, $0xb8;
	[tilespmem:$0x1D000] =	vst v63  }
0x3ae: {  	s13 =	simm.s32 $0xB000  }
0x3af: {  	[hbm4b:s3+s4] =	stream.indirect_vreg.scatter [tilespmem:s13], [sflag:$0x1], $0x80, v3, vm0, $0xb8;
	[tilespmem:$0x1D000] =	vst v63  }
0x3b0: {  	s15 =	simm.s32 $0xB800  }
0x3b1: {  	[hbm4b:s5+s4] =	stream.indirect_vreg.scatter [tilespmem:s15], [sflag:$0x1], $0x80, v3, vm0, $0xb8;
	[tilespmem:$0x1D000] =	vst v63  }
0x3b2: {  	s14 =	simm.s32 $0xC000  }
0x3b3: {  	[hbm4b:s6+s4] =	stream.indirect_vreg.scatter [tilespmem:s14], [sflag:$0x1], $0x80, v3, vm0, $0xb8;
	[tilespmem:$0x1D000] =	vst v63  }
0x3b4: {  	s0 =	simm.s32 $0xC800  }
0x3b5: {  	[hbm4b:s7+s4] =	stream.indirect_vreg.scatter [tilespmem:s0], [sflag:$0x1], $0x80, v3, vm0, $0xb8;
	[tilespmem:$0x1D000] =	vst v63  }
0x3b6: {  	v3 =	vld [tilespmem:$0x700];
	_ =	sdelay $0x4  }
0x3b7: {  	v26 =	vshll.u32 v3, $0x3  }
0x3b8: {  	v3 =	vand.u32 $0x7, v3;
	v4 =	vand.u32 $0xFFFFFFC0, v26  }
0x3b9: {  	v3 =	vor.u32 v3, v4  }
0x3ba: {  	v4 =	vperm.xlane v3, v0;
	_ =	sdelay $0x1  }
0x3bb: {  	v4 =	vadd.s32 v1, v4;
	_ =	sdelay $0x3  }
0x3bc: {  	s15 =	simm.s32 $0x1000  }
0x3bd: {  	[hbm4b:s3+s4] =	stream.indirect_vreg.scatter [tilespmem:s15], [sflag:$0x1], $0x80, v4, vm0, $0xb8;
	[tilespmem:$0x1D000] =	vst v63  }
0x3be: {  	s28 =	simm.s32 $0x1800;
	v3 =	vperm.xlane v3, v2  }
0x3bf: {  	[hbm4b:s5+s4] =	stream.indirect_vreg.scatter [tilespmem:s28], [sflag:$0x1], $0x80, v4, vm0, $0xb8;
	[tilespmem:$0x1D000] =	vst v63  }
0x3c0: {  	s31 =	simm.s32 $0x2000;
	v3 =	vadd.s32 v1, v3  }
0x3c1: {  	[hbm4b:s6+s4] =	stream.indirect_vreg.scatter [tilespmem:s31], [sflag:$0x1], $0x80, v4, vm0, $0xb8;
	[tilespmem:$0x1D000] =	vst v63  }
0x3c2: {  	s18 =	simm.s32 $0x2800  }
0x3c3: {  	[hbm4b:s7+s4] =	stream.indirect_vreg.scatter [tilespmem:s18], [sflag:$0x1], $0x80, v4, vm0, $0xb8;
	[tilespmem:$0x1D000] =	vst v63  }
0x3c4: {  	s21 =	simm.s32 $0x3000  }
0x3c5: {  	[hbm4b:s3+s4] =	stream.indirect_vreg.scatter [tilespmem:s21], [sflag:$0x1], $0x80, v3, vm0, $0xb8;
	[tilespmem:$0x1D000] =	vst v63  }
0x3c6: {  	s25 =	simm.s32 $0x3800  }
0x3c7: {  	[hbm4b:s5+s4] =	stream.indirect_vreg.scatter [tilespmem:s25], [sflag:$0x1], $0x80, v3, vm0, $0xb8;
	[tilespmem:$0x1D000] =	vst v63  }
0x3c8: {  	s25 =	simm.s32 $0x4000  }
0x3c9: {  	[hbm4b:s6+s4] =	stream.indirect_vreg.scatter [tilespmem:s25], [sflag:$0x1], $0x80, v3, vm0, $0xb8;
	[tilespmem:$0x1D000] =	vst v63  }
0x3ca: {  	s16 =	simm.s32 $0x4800  }
0x3cb: {  	[hbm4b:s7+s4] =	stream.indirect_vreg.scatter [tilespmem:s16], [sflag:$0x1], $0x80, v3, vm0, $0xb8;
	[tilespmem:$0x1D000] =	vst v63  }
0x3cc: {  	v3 =	vld [tilespmem:$0x710];
	_ =	sdelay $0x4  }
0x3cd: {  	v27 =	vshll.u32 v3, $0x3  }
0x3ce: {  	v3 =	vand.u32 $0x7, v3;
	v4 =	vand.u32 $0xFFFFFFC0, v27  }
0x3cf: {  	v3 =	vor.u32 v3, v4  }
0x3d0: {  	v4 =	vperm.xlane v3, v0;
	_ =	sdelay $0x1  }
0x3d1: {  	v4 =	vadd.s32 v1, v4;
	_ =	sdelay $0x3  }
0x3d2: {  	s26 =	simm.s32 $0x5000  }
0x3d3: {  	[hbm4b:s3+s4] =	stream.indirect_vreg.scatter [tilespmem:s26], [sflag:$0x1], $0x80, v4, vm0, $0xb8;
	[tilespmem:$0x1D000] =	vst v63  }
0x3d4: {  	s2 =	simm.s32 $0x5800;
	v3 =	vperm.xlane v3, v2  }
0x3d5: {  	[hbm4b:s5+s4] =	stream.indirect_vreg.scatter [tilespmem:s2], [sflag:$0x1], $0x80, v4, vm0, $0xb8;
	[tilespmem:$0x1D000] =	vst v63  }
0x3d6: {  	s23 =	simm.s32 $0x6000;
	v3 =	vadd.s32 v1, v3  }
0x3d7: {  	[hbm4b:s6+s4] =	stream.indirect_vreg.scatter [tilespmem:s23], [sflag:$0x1], $0x80, v4, vm0, $0xb8;
	[tilespmem:$0x1D000] =	vst v63  }
0x3d8: {  	s26 =	simm.s32 $0x6800  }
0x3d9: {  	[hbm4b:s7+s4] =	stream.indirect_vreg.scatter [tilespmem:s26], [sflag:$0x1], $0x80, v4, vm0, $0xb8;
	[tilespmem:$0x1D000] =	vst v63  }
0x3da: {  	s30 =	simm.s32 $0x7000  }
0x3db: {  	[hbm4b:s3+s4] =	stream.indirect_vreg.scatter [tilespmem:s30], [sflag:$0x1], $0x80, v3, vm0, $0xb8;
	[tilespmem:$0x1D000] =	vst v63  }
0x3dc: {  	s29 =	simm.s32 $0x7800  }
0x3dd: {  	[hbm4b:s5+s4] =	stream.indirect_vreg.scatter [tilespmem:s29], [sflag:$0x1], $0x80, v3, vm0, $0xb8;
	[tilespmem:$0x1D000] =	vst v63  }
0x3de: {  	s11 =	simm.s32 $0x8000  }
0x3df: {  	[hbm4b:s6+s4] =	stream.indirect_vreg.scatter [tilespmem:s11], [sflag:$0x1], $0x80, v3, vm0, $0xb8;
	[tilespmem:$0x1D000] =	vst v63  }
0x3e0: {  	s30 =	simm.s32 $0x8800  }
0x3e1: {  	[hbm4b:s7+s4] =	stream.indirect_vreg.scatter [tilespmem:s30], [sflag:$0x1], $0x80, v3, vm0, $0xb8;
	[tilespmem:$0x1D000] =	vst v63  }
0x3e2: {  	v3 =	vld [tilespmem:$0x720];
	_ =	sdelay $0x4  }
0x3e3: {  	v28 =	vshll.u32 v3, $0x3  }
0x3e4: {  	v3 =	vand.u32 $0x7, v3;
	v4 =	vand.u32 $0xFFFFFFC0, v28  }
0x3e5: {  	v3 =	vor.u32 v3, v4  }
0x3e6: {  	v4 =	vperm.xlane v3, v0;
	_ =	sdelay $0x1  }
0x3e7: {  	v4 =	vadd.s32 v1, v4;
	_ =	sdelay $0x3  }
0x3e8: {  	s1 =	simm.s32 $0x9000  }
0x3e9: {  	[hbm4b:s3+s4] =	stream.indirect_vreg.scatter [tilespmem:s1], [sflag:$0x1], $0x80, v4, vm0, $0xb8;
	[tilespmem:$0x1D000] =	vst v63  }
0x3ea: {  	s24 =	simm.s32 $0x9800;
	v3 =	vperm.xlane v3, v2  }
0x3eb: {  	[hbm4b:s5+s4] =	stream.indirect_vreg.scatter [tilespmem:s24], [sflag:$0x1], $0x80, v4, vm0, $0xb8;
	[tilespmem:$0x1D000] =	vst v63  }
0x3ec: {  	s20 =	simm.s32 $0xA000;
	v3 =	vadd.s32 v1, v3  }
0x3ed: {  	[hbm4b:s6+s4] =	stream.indirect_vreg.scatter [tilespmem:s20], [sflag:$0x1], $0x80, v4, vm0, $0xb8;
	[tilespmem:$0x1D000] =	vst v63  }
0x3ee: {  	s22 =	simm.s32 $0xA800  }
0x3ef: {  	[hbm4b:s7+s4] =	stream.indirect_vreg.scatter [tilespmem:s22], [sflag:$0x1], $0x80, v4, vm0, $0xb8;
	[tilespmem:$0x1D000] =	vst v63  }
0x3f0: {  	s19 =	simm.s32 $0xB000  }
0x3f1: {  	[hbm4b:s3+s4] =	stream.indirect_vreg.scatter [tilespmem:s19], [sflag:$0x1], $0x80, v3, vm0, $0xb8;
	[tilespmem:$0x1D000] =	vst v63  }
0x3f2: {  	s12 =	simm.s32 $0xB800  }
0x3f3: {  	[hbm4b:s5+s4] =	stream.indirect_vreg.scatter [tilespmem:s12], [sflag:$0x1], $0x80, v3, vm0, $0xb8;
	[tilespmem:$0x1D000] =	vst v63  }
0x3f4: {  	s13 =	simm.s32 $0xC000  }
0x3f5: {  	[hbm4b:s6+s4] =	stream.indirect_vreg.scatter [tilespmem:s13], [sflag:$0x1], $0x80, v3, vm0, $0xb8;
	[tilespmem:$0x1D000] =	vst v63  }
0x3f6: {  	s17 =	simm.s32 $0xC800  }
0x3f7: {  	[hbm4b:s7+s4] =	stream.indirect_vreg.scatter [tilespmem:s17], [sflag:$0x1], $0x80, v3, vm0, $0xb8;
	[tilespmem:$0x1D000] =	vst v63  }
0x3f8: {  	v3 =	vld [tilespmem:$0x780];
	_ =	sdelay $0x4  }
0x3f9: {  	v29 =	vshll.u32 v3, $0x3  }
0x3fa: {  	v3 =	vand.u32 $0x7, v3;
	v4 =	vand.u32 $0xFFFFFFC0, v29  }
0x3fb: {  	v3 =	vor.u32 v3, v4  }
0x3fc: {  	v4 =	vperm.xlane v3, v0;
	_ =	sdelay $0x1  }
0x3fd: {  	v4 =	vadd.s32 v1, v4;
	_ =	sdelay $0x3  }
0x3fe: {  	s30 =	simm.s32 $0x1000  }
0x3ff: {  	[hbm4b:s3+s4] =	stream.indirect_vreg.scatter [tilespmem:s30], [sflag:$0x1], $0x80, v4, vm0, $0xb8;
	[tilespmem:$0x1D000] =	vst v63  }
0x400: {  	s15 =	simm.s32 $0x1800;
	v3 =	vperm.xlane v3, v2  }
0x401: {  	[hbm4b:s5+s4] =	stream.indirect_vreg.scatter [tilespmem:s15], [sflag:$0x1], $0x80, v4, vm0, $0xb8;
	[tilespmem:$0x1D000] =	vst v63  }
0x402: {  	s28 =	simm.s32 $0x2000;
	v3 =	vadd.s32 v1, v3  }
0x403: {  	[hbm4b:s6+s4] =	stream.indirect_vreg.scatter [tilespmem:s28], [sflag:$0x1], $0x80, v4, vm0, $0xb8;
	[tilespmem:$0x1D000] =	vst v63  }
0x404: {  	s0 =	simm.s32 $0x2800  }
0x405: {  	[hbm4b:s7+s4] =	stream.indirect_vreg.scatter [tilespmem:s0], [sflag:$0x1], $0x80, v4, vm0, $0xb8;
	[tilespmem:$0x1D000] =	vst v63  }
0x406: {  	s14 =	simm.s32 $0x3000  }
0x407: {  	[hbm4b:s3+s4] =	stream.indirect_vreg.scatter [tilespmem:s14], [sflag:$0x1], $0x80, v3, vm0, $0xb8;
	[tilespmem:$0x1D000] =	vst v63  }
0x408: {  	s18 =	simm.s32 $0x3800  }
0x409: {  	[hbm4b:s5+s4] =	stream.indirect_vreg.scatter [tilespmem:s18], [sflag:$0x1], $0x80, v3, vm0, $0xb8;
	[tilespmem:$0x1D000] =	vst v63  }
0x40a: {  	s31 =	simm.s32 $0x4000  }
0x40b: {  	[hbm4b:s6+s4] =	stream.indirect_vreg.scatter [tilespmem:s31], [sflag:$0x1], $0x80, v3, vm0, $0xb8;
	[tilespmem:$0x1D000] =	vst v63  }
0x40c: {  	s16 =	simm.s32 $0x4800  }
0x40d: {  	[hbm4b:s7+s4] =	stream.indirect_vreg.scatter [tilespmem:s16], [sflag:$0x1], $0x80, v3, vm0, $0xb8;
	[tilespmem:$0x1D000] =	vst v63  }
0x40e: {  	v3 =	vld [tilespmem:$0x790];
	_ =	sdelay $0x4  }
0x40f: {  	v30 =	vshll.u32 v3, $0x3  }
0x410: {  	v3 =	vand.u32 $0x7, v3;
	v4 =	vand.u32 $0xFFFFFFC0, v30  }
0x411: {  	v3 =	vor.u32 v3, v4  }
0x412: {  	v4 =	vperm.xlane v3, v0;
	_ =	sdelay $0x1  }
0x413: {  	v4 =	vadd.s32 v1, v4;
	_ =	sdelay $0x3  }
0x414: {  	s25 =	simm.s32 $0x5000  }
0x415: {  	[hbm4b:s3+s4] =	stream.indirect_vreg.scatter [tilespmem:s25], [sflag:$0x1], $0x80, v4, vm0, $0xb8;
	[tilespmem:$0x1D000] =	vst v63  }
0x416: {  	s2 =	simm.s32 $0x5800;
	v3 =	vperm.xlane v3, v2  }
0x417: {  	[hbm4b:s5+s4] =	stream.indirect_vreg.scatter [tilespmem:s2], [sflag:$0x1], $0x80, v4, vm0, $0xb8;
	[tilespmem:$0x1D000] =	vst v63  }
0x418: {  	s21 =	simm.s32 $0x6000;
	v3 =	vadd.s32 v1, v3  }
0x419: {  	[hbm4b:s6+s4] =	stream.indirect_vreg.scatter [tilespmem:s21], [sflag:$0x1], $0x80, v4, vm0, $0xb8;
	[tilespmem:$0x1D000] =	vst v63  }
0x41a: {  	s2 =	simm.s32 $0x6800  }
0x41b: {  	[hbm4b:s7+s4] =	stream.indirect_vreg.scatter [tilespmem:s2], [sflag:$0x1], $0x80, v4, vm0, $0xb8;
	[tilespmem:$0x1D000] =	vst v63  }
0x41c: {  	s26 =	simm.s32 $0x7000  }
0x41d: {  	[hbm4b:s3+s4] =	stream.indirect_vreg.scatter [tilespmem:s26], [sflag:$0x1], $0x80, v3, vm0, $0xb8;
	[tilespmem:$0x1D000] =	vst v63  }
0x41e: {  	s23 =	simm.s32 $0x7800  }
0x41f: {  	[hbm4b:s5+s4] =	stream.indirect_vreg.scatter [tilespmem:s23], [sflag:$0x1], $0x80, v3, vm0, $0xb8;
	[tilespmem:$0x1D000] =	vst v63  }
0x420: {  	s11 =	simm.s32 $0x8000  }
0x421: {  	[hbm4b:s6+s4] =	stream.indirect_vreg.scatter [tilespmem:s11], [sflag:$0x1], $0x80, v3, vm0, $0xb8;
	[tilespmem:$0x1D000] =	vst v63  }
0x422: {  	s29 =	simm.s32 $0x8800  }
0x423: {  	[hbm4b:s7+s4] =	stream.indirect_vreg.scatter [tilespmem:s29], [sflag:$0x1], $0x80, v3, vm0, $0xb8;
	[tilespmem:$0x1D000] =	vst v63  }
0x424: {  	v3 =	vld [tilespmem:$0x7A0];
	_ =	sdelay $0x4  }
0x425: {  	v31 =	vshll.u32 v3, $0x3  }
0x426: {  	v3 =	vand.u32 $0x7, v3;
	v4 =	vand.u32 $0xFFFFFFC0, v31  }
0x427: {  	v3 =	vor.u32 v3, v4  }
0x428: {  	v4 =	vperm.xlane v3, v0;
	_ =	sdelay $0x1  }
0x429: {  	v4 =	vadd.s32 v1, v4;
	_ =	sdelay $0x3  }
0x42a: {  	s1 =	simm.s32 $0x9000  }
0x42b: {  	[hbm4b:s3+s4] =	stream.indirect_vreg.scatter [tilespmem:s1], [sflag:$0x1], $0x80, v4, vm0, $0xb8;
	[tilespmem:$0x1D000] =	vst v63  }
0x42c: {  	s24 =	simm.s32 $0x9800;
	v3 =	vperm.xlane v3, v2  }
0x42d: {  	[hbm4b:s5+s4] =	stream.indirect_vreg.scatter [tilespmem:s24], [sflag:$0x1], $0x80, v4, vm0, $0xb8;
	[tilespmem:$0x1D000] =	vst v63  }
0x42e: {  	s20 =	simm.s32 $0xA000;
	v3 =	vadd.s32 v1, v3  }
0x42f: {  	[hbm4b:s6+s4] =	stream.indirect_vreg.scatter [tilespmem:s20], [sflag:$0x1], $0x80, v4, vm0, $0xb8;
	[tilespmem:$0x1D000] =	vst v63  }
0x430: {  	s22 =	simm.s32 $0xA800  }
0x431: {  	[hbm4b:s7+s4] =	stream.indirect_vreg.scatter [tilespmem:s22], [sflag:$0x1], $0x80, v4, vm0, $0xb8;
	[tilespmem:$0x1D000] =	vst v63  }
0x432: {  	s19 =	simm.s32 $0xB000  }
0x433: {  	[hbm4b:s3+s4] =	stream.indirect_vreg.scatter [tilespmem:s19], [sflag:$0x1], $0x80, v3, vm0, $0xb8;
	[tilespmem:$0x1D000] =	vst v63  }
0x434: {  	s12 =	simm.s32 $0xB800  }
0x435: {  	[hbm4b:s5+s4] =	stream.indirect_vreg.scatter [tilespmem:s12], [sflag:$0x1], $0x80, v3, vm0, $0xb8;
	[tilespmem:$0x1D000] =	vst v63  }
0x436: {  	s13 =	simm.s32 $0xC000  }
0x437: {  	[hbm4b:s6+s4] =	stream.indirect_vreg.scatter [tilespmem:s13], [sflag:$0x1], $0x80, v3, vm0, $0xb8;
	[tilespmem:$0x1D000] =	vst v63  }
0x438: {  	s17 =	simm.s32 $0xC800  }
0x439: {  	[hbm4b:s7+s4] =	stream.indirect_vreg.scatter [tilespmem:s17], [sflag:$0x1], $0x80, v3, vm0, $0xb8;
	[tilespmem:$0x1D000] =	vst v63  }
0x43a: {  	v3 =	vld [tilespmem:$0x800];
	_ =	sdelay $0x4  }
0x43b: {  	v32 =	vshll.u32 v3, $0x3  }
0x43c: {  	v3 =	vand.u32 $0x7, v3;
	v4 =	vand.u32 $0xFFFFFFC0, v32  }
0x43d: {  	v3 =	vor.u32 v3, v4  }
0x43e: {  	v4 =	vperm.xlane v3, v0;
	_ =	sdelay $0x1  }
0x43f: {  	v4 =	vadd.s32 v1, v4;
	_ =	sdelay $0x3  }
0x440: {  	s0 =	rddreg [dreg:$0x0];
	s12 =	simm.s32 $0xD000  }
0x441: {  	[tilespmem:s12], [sflag:$0x2] =	stream.indirect_vreg.gather [hbm4b:s0+s4], $0x80, v4, vm0, $0xb8;
	[tilespmem:$0x1D000] =	vst v63  }
0x442: {  	s13 =	simm.s32 $0xD800;
	v3 =	vperm.xlane v3, v2  }
0x443: {  	[tilespmem:s13], [sflag:$0x2] =	stream.indirect_vreg.gather [hbm4b:s8+s4], $0x80, v4, vm0, $0xb8;
	[tilespmem:$0x1D000] =	vst v63  }
0x444: {  	s14 =	simm.s32 $0xE000;
	v3 =	vadd.s32 v1, v3  }
0x445: {  	[tilespmem:s14], [sflag:$0x2] =	stream.indirect_vreg.gather [hbm4b:s9+s4], $0x80, v4, vm0, $0xb8;
	[tilespmem:$0x1D000] =	vst v63  }
0x446: {  	s16 =	simm.s32 $0xE800  }
0x447: {  	[tilespmem:s16], [sflag:$0x2] =	stream.indirect_vreg.gather [hbm4b:s10+s4], $0x80, v4, vm0, $0xb8;
	[tilespmem:$0x1D000] =	vst v63  }
0x448: {  	s17 =	simm.s32 $0xF000  }
0x449: {  	[tilespmem:s17], [sflag:$0x2] =	stream.indirect_vreg.gather [hbm4b:s0+s4], $0x80, v3, vm0, $0xb8;
	[tilespmem:$0x1D000] =	vst v63  }
0x44a: {  	s18 =	simm.s32 $0xF800  }
0x44b: {  	[tilespmem:s18], [sflag:$0x2] =	stream.indirect_vreg.gather [hbm4b:s8+s4], $0x80, v3, vm0, $0xb8;
	[tilespmem:$0x1D000] =	vst v63  }
0x44c: {  	s19 =	simm.s32 $0x10000  }
0x44d: {  	[tilespmem:s19], [sflag:$0x2] =	stream.indirect_vreg.gather [hbm4b:s9+s4], $0x80, v3, vm0, $0xb8;
	[tilespmem:$0x1D000] =	vst v63  }
0x44e: {  	s20 =	simm.s32 $0x10800  }
0x44f: {  	[tilespmem:s20], [sflag:$0x2] =	stream.indirect_vreg.gather [hbm4b:s10+s4], $0x80, v3, vm0, $0xb8;
	[tilespmem:$0x1D000] =	vst v63  }
0x450: {  	v3 =	vld [tilespmem:$0x880];
	_ =	sdelay $0x4  }
0x451: {  	v33 =	vshll.u32 v3, $0x3  }
0x452: {  	v3 =	vand.u32 $0x7, v3;
	v4 =	vand.u32 $0xFFFFFFC0, v33  }
0x453: {  	v3 =	vor.u32 v3, v4  }
0x454: {  	v4 =	vperm.xlane v3, v0;
	_ =	sdelay $0x1  }
0x455: {  	v4 =	vadd.s32 v1, v4;
	_ =	sdelay $0x3  }
0x456: {  	s22 =	simm.s32 $0x11000  }
0x457: {  	[tilespmem:s22], [sflag:$0x3] =	stream.indirect_vreg.gather [hbm4b:s0+s4], $0x80, v4, vm0, $0xb8;
	[tilespmem:$0x1D000] =	vst v63  }
0x458: {  	s23 =	simm.s32 $0x11800;
	v3 =	vperm.xlane v3, v2  }
0x459: {  	[tilespmem:s23], [sflag:$0x3] =	stream.indirect_vreg.gather [hbm4b:s8+s4], $0x80, v4, vm0, $0xb8;
	[tilespmem:$0x1D000] =	vst v63  }
0x45a: {  	s24 =	simm.s32 $0x12000;
	v3 =	vadd.s32 v1, v3  }
0x45b: {  	[tilespmem:s24], [sflag:$0x3] =	stream.indirect_vreg.gather [hbm4b:s9+s4], $0x80, v4, vm0, $0xb8;
	[tilespmem:$0x1D000] =	vst v63  }
0x45c: {  	s25 =	simm.s32 $0x12800  }
0x45d: {  	[tilespmem:s25], [sflag:$0x3] =	stream.indirect_vreg.gather [hbm4b:s10+s4], $0x80, v4, vm0, $0xb8;
	[tilespmem:$0x1D000] =	vst v63  }
0x45e: {  	s26 =	simm.s32 $0x13000  }
0x45f: {  	[tilespmem:s26], [sflag:$0x3] =	stream.indirect_vreg.gather [hbm4b:s0+s4], $0x80, v3, vm0, $0xb8;
	[tilespmem:$0x1D000] =	vst v63  }
0x460: {  	s28 =	simm.s32 $0x13800  }
0x461: {  	[tilespmem:s28], [sflag:$0x3] =	stream.indirect_vreg.gather [hbm4b:s8+s4], $0x80, v3, vm0, $0xb8;
	[tilespmem:$0x1D000] =	vst v63  }
0x462: {  	s29 =	simm.s32 $0x14000  }
0x463: {  	[tilespmem:s29], [sflag:$0x3] =	stream.indirect_vreg.gather [hbm4b:s9+s4], $0x80, v3, vm0, $0xb8;
	[tilespmem:$0x1D000] =	vst v63  }
0x464: {  	s30 =	simm.s32 $0x14800;
	s31 =	simm.s32 $0x2  }
0x465: {  	[tilespmem:s30], [sflag:$0x3] =	stream.indirect_vreg.gather [hbm4b:s10+s4], $0x80, v3, vm0, $0xb8;
	[tilespmem:$0x1D000] =	vst v63  }
0x466: {  	_ =	swait.ge [sflag:s31], $0x4000  }
0x467: {  	[sflag:s31] =	ssyncset.done $0x0  }
0x468: {  	[sflag:s31] =	ssyncadd.s32 $0xFFFFC000  }
0x469: {  	v3 =	vld [tilespmem:$0x800];
	_ =	sdelay $0x4  }
0x46a: {  	v34 =	vshll.u32 v3, $0x3  }
0x46b: {  	v3 =	vand.u32 $0x7, v3;
	v4 =	vand.u32 $0xFFFFFFC0, v34  }
0x46c: {  	v3 =	vor.u32 v3, v4  }
0x46d: {  	v4 =	vperm.xlane v3, v0;
	_ =	sdelay $0x1  }
0x46e: {  	v4 =	vadd.s32 v1, v4;
	_ =	sdelay $0x3  }
0x46f: {  	s21 =	simm.s32 $0xD000  }
0x470: {  	[hbm4b:s3+s4] =	stream.indirect_vreg.scatter [tilespmem:s21], [sflag:$0x6], $0x80, v4, vm0, $0xb8;
	[tilespmem:$0x1D000] =	vst v63  }
0x471: {  	s15 =	simm.s32 $0xD800;
	v3 =	vperm.xlane v3, v2  }
0x472: {  	[hbm4b:s5+s4] =	stream.indirect_vreg.scatter [tilespmem:s15], [sflag:$0x6], $0x80, v4, vm0, $0xb8;
	[tilespmem:$0x1D000] =	vst v63  }
0x473: {  	s2 =	simm.s32 $0xE000;
	v3 =	vadd.s32 v1, v3  }
0x474: {  	[hbm4b:s6+s4] =	stream.indirect_vreg.scatter [tilespmem:s2], [sflag:$0x6], $0x80, v4, vm0, $0xb8;
	[tilespmem:$0x1D000] =	vst v63  }
0x475: {  	s13 =	simm.s32 $0xE800  }
0x476: {  	[hbm4b:s7+s4] =	stream.indirect_vreg.scatter [tilespmem:s13], [sflag:$0x6], $0x80, v4, vm0, $0xb8;
	[tilespmem:$0x1D000] =	vst v63  }
0x477: {  	s14 =	simm.s32 $0xF000  }
0x478: {  	[hbm4b:s3+s4] =	stream.indirect_vreg.scatter [tilespmem:s14], [sflag:$0x6], $0x80, v3, vm0, $0xb8;
	[tilespmem:$0x1D000] =	vst v63  }
0x479: {  	s16 =	simm.s32 $0xF800  }
0x47a: {  	[hbm4b:s5+s4] =	stream.indirect_vreg.scatter [tilespmem:s16], [sflag:$0x6], $0x80, v3, vm0, $0xb8;
	[tilespmem:$0x1D000] =	vst v63  }
0x47b: {  	s17 =	simm.s32 $0x10000  }
0x47c: {  	[hbm4b:s6+s4] =	stream.indirect_vreg.scatter [tilespmem:s17], [sflag:$0x6], $0x80, v3, vm0, $0xb8;
	[tilespmem:$0x1D000] =	vst v63  }
0x47d: {  	s20 =	simm.s32 $0x10800  }
0x47e: {  	[hbm4b:s7+s4] =	stream.indirect_vreg.scatter [tilespmem:s20], [sflag:$0x6], $0x80, v3, vm0, $0xb8;
	[tilespmem:$0x1D000] =	vst v63  }
0x47f: {  	v3 =	vld [tilespmem:$0x900];
	_ =	sdelay $0x4  }
0x480: {  	v35 =	vshll.u32 v3, $0x3  }
0x481: {  	v3 =	vand.u32 $0x7, v3;
	v4 =	vand.u32 $0xFFFFFFC0, v35  }
0x482: {  	v3 =	vor.u32 v3, v4  }
0x483: {  	v4 =	vperm.xlane v3, v0;
	_ =	sdelay $0x1  }
0x484: {  	v4 =	vadd.s32 v1, v4;
	_ =	sdelay $0x3  }
0x485: {  	s17 =	simm.s32 $0x15000  }
0x486: {  	[tilespmem:s17], [sflag:$0x4] =	stream.indirect_vreg.gather [hbm4b:s0+s4], $0x80, v4, vm0, $0xb8;
	[tilespmem:$0x1D000] =	vst v63  }
0x487: {  	s20 =	simm.s32 $0x15800;
	v3 =	vperm.xlane v3, v2  }
0x488: {  	[tilespmem:s20], [sflag:$0x4] =	stream.indirect_vreg.gather [hbm4b:s8+s4], $0x80, v4, vm0, $0xb8;
	[tilespmem:$0x1D000] =	vst v63  }
0x489: {  	s21 =	simm.s32 $0x16000;
	v3 =	vadd.s32 v1, v3  }
0x48a: {  	[tilespmem:s21], [sflag:$0x4] =	stream.indirect_vreg.gather [hbm4b:s9+s4], $0x80, v4, vm0, $0xb8;
	[tilespmem:$0x1D000] =	vst v63  }
0x48b: {  	s25 =	simm.s32 $0x16800  }
0x48c: {  	[tilespmem:s25], [sflag:$0x4] =	stream.indirect_vreg.gather [hbm4b:s10+s4], $0x80, v4, vm0, $0xb8;
	[tilespmem:$0x1D000] =	vst v63  }
0x48d: {  	s28 =	simm.s32 $0x17000  }
0x48e: {  	[tilespmem:s28], [sflag:$0x4] =	stream.indirect_vreg.gather [hbm4b:s0+s4], $0x80, v3, vm0, $0xb8;
	[tilespmem:$0x1D000] =	vst v63  }
0x48f: {  	s30 =	simm.s32 $0x17800  }
0x490: {  	[tilespmem:s30], [sflag:$0x4] =	stream.indirect_vreg.gather [hbm4b:s8+s4], $0x80, v3, vm0, $0xb8;
	[tilespmem:$0x1D000] =	vst v63  }
0x491: {  	s31 =	simm.s32 $0x18000  }
0x492: {  	[tilespmem:s31], [sflag:$0x4] =	stream.indirect_vreg.gather [hbm4b:s9+s4], $0x80, v3, vm0, $0xb8;
	[tilespmem:$0x1D000] =	vst v63  }
0x493: {  	s15 =	simm.s32 $0x3;
	s14 =	simm.s32 $0x18800  }
0x494: {  	[tilespmem:s14], [sflag:$0x4] =	stream.indirect_vreg.gather [hbm4b:s10+s4], $0x80, v3, vm0, $0xb8;
	[tilespmem:$0x1D000] =	vst v63  }
0x495: {  	_ =	swait.ge [sflag:s15], $0x4000  }
0x496: {  	[sflag:s15] =	ssyncset.done $0x0  }
0x497: {  	[sflag:s15] =	ssyncadd.s32 $0xFFFFC000  }
0x498: {  	v3 =	vld [tilespmem:$0x880];
	_ =	sdelay $0x4  }
0x499: {  	v36 =	vshll.u32 v3, $0x3  }
0x49a: {  	v3 =	vand.u32 $0x7, v3;
	v4 =	vand.u32 $0xFFFFFFC0, v36  }
0x49b: {  	v3 =	vor.u32 v3, v4  }
0x49c: {  	v4 =	vperm.xlane v3, v0;
	_ =	sdelay $0x1  }
0x49d: {  	v4 =	vadd.s32 v1, v4;
	_ =	sdelay $0x3  }
0x49e: {  	s11 =	simm.s32 $0x11000  }
0x49f: {  	[hbm4b:s3+s4] =	stream.indirect_vreg.scatter [tilespmem:s11], [sflag:$0x7], $0x80, v4, vm0, $0xb8;
	[tilespmem:$0x1D000] =	vst v63  }
0x4a0: {  	s12 =	simm.s32 $0x11800;
	v3 =	vperm.xlane v3, v2  }
0x4a1: {  	[hbm4b:s5+s4] =	stream.indirect_vreg.scatter [tilespmem:s12], [sflag:$0x7], $0x80, v4, vm0, $0xb8;
	[tilespmem:$0x1D000] =	vst v63  }
0x4a2: {  	s22 =	simm.s32 $0x12000;
	v3 =	vadd.s32 v1, v3  }
0x4a3: {  	[hbm4b:s6+s4] =	stream.indirect_vreg.scatter [tilespmem:s22], [sflag:$0x7], $0x80, v4, vm0, $0xb8;
	[tilespmem:$0x1D000] =	vst v63  }
0x4a4: {  	s23 =	simm.s32 $0x12800  }
0x4a5: {  	[hbm4b:s7+s4] =	stream.indirect_vreg.scatter [tilespmem:s23], [sflag:$0x7], $0x80, v4, vm0, $0xb8;
	[tilespmem:$0x1D000] =	vst v63  }
0x4a6: {  	s24 =	simm.s32 $0x13000  }
0x4a7: {  	[hbm4b:s3+s4] =	stream.indirect_vreg.scatter [tilespmem:s24], [sflag:$0x7], $0x80, v3, vm0, $0xb8;
	[tilespmem:$0x1D000] =	vst v63  }
0x4a8: {  	s26 =	simm.s32 $0x13800  }
0x4a9: {  	[hbm4b:s5+s4] =	stream.indirect_vreg.scatter [tilespmem:s26], [sflag:$0x7], $0x80, v3, vm0, $0xb8;
	[tilespmem:$0x1D000] =	vst v63  }
0x4aa: {  	s18 =	simm.s32 $0x14000  }
0x4ab: {  	[hbm4b:s6+s4] =	stream.indirect_vreg.scatter [tilespmem:s18], [sflag:$0x7], $0x80, v3, vm0, $0xb8;
	[tilespmem:$0x1D000] =	vst v63  }
0x4ac: {  	s19 =	simm.s32 $0x14800  }
0x4ad: {  	[hbm4b:s7+s4] =	stream.indirect_vreg.scatter [tilespmem:s19], [sflag:$0x7], $0x80, v3, vm0, $0xb8;
	[tilespmem:$0x1D000] =	vst v63  }
0x4ae: {  	v3 =	vld [tilespmem:$0x980];
	_ =	sdelay $0x4  }
0x4af: {  	v37 =	vshll.u32 v3, $0x3  }
0x4b0: {  	v3 =	vand.u32 $0x7, v3;
	v4 =	vand.u32 $0xFFFFFFC0, v37  }
0x4b1: {  	v3 =	vor.u32 v3, v4  }
0x4b2: {  	v4 =	vperm.xlane v3, v0;
	_ =	sdelay $0x1  }
0x4b3: {  	v4 =	vadd.s32 v1, v4;
	_ =	sdelay $0x3  }
0x4b4: {  	s24 =	simm.s32 $0x19000  }
0x4b5: {  	[tilespmem:s24], [sflag:$0x5] =	stream.indirect_vreg.gather [hbm4b:s0+s4], $0x80, v4, vm0, $0xb8;
	[tilespmem:$0x1D000] =	vst v63  }
0x4b6: {  	s25 =	simm.s32 $0x19800;
	v3 =	vperm.xlane v3, v2  }
0x4b7: {  	[tilespmem:s25], [sflag:$0x5] =	stream.indirect_vreg.gather [hbm4b:s8+s4], $0x80, v4, vm0, $0xb8;
	[tilespmem:$0x1D000] =	vst v63  }
0x4b8: {  	s26 =	simm.s32 $0x1A000;
	v3 =	vadd.s32 v1, v3  }
0x4b9: {  	[tilespmem:s26], [sflag:$0x5] =	stream.indirect_vreg.gather [hbm4b:s9+s4], $0x80, v4, vm0, $0xb8;
	[tilespmem:$0x1D000] =	vst v63  }
0x4ba: {  	s30 =	simm.s32 $0x1A800  }
0x4bb: {  	[tilespmem:s30], [sflag:$0x5] =	stream.indirect_vreg.gather [hbm4b:s10+s4], $0x80, v4, vm0, $0xb8;
	[tilespmem:$0x1D000] =	vst v63  }
0x4bc: {  	s31 =	simm.s32 $0x1B000  }
0x4bd: {  	[tilespmem:s31], [sflag:$0x5] =	stream.indirect_vreg.gather [hbm4b:s0+s4], $0x80, v3, vm0, $0xb8;
	[tilespmem:$0x1D000] =	vst v63  }
0x4be: {  	s14 =	simm.s32 $0x1B800  }
0x4bf: {  	[tilespmem:s14], [sflag:$0x5] =	stream.indirect_vreg.gather [hbm4b:s8+s4], $0x80, v3, vm0, $0xb8;
	[tilespmem:$0x1D000] =	vst v63  }
0x4c0: {  	s15 =	simm.s32 $0x1C000  }
0x4c1: {  	[tilespmem:s15], [sflag:$0x5] =	stream.indirect_vreg.gather [hbm4b:s9+s4], $0x80, v3, vm0, $0xb8;
	[tilespmem:$0x1D000] =	vst v63  }
0x4c2: {  	s23 =	simm.s32 $0x4;
	s19 =	simm.s32 $0x1C800  }
0x4c3: {  	[tilespmem:s19], [sflag:$0x5] =	stream.indirect_vreg.gather [hbm4b:s10+s4], $0x80, v3, vm0, $0xb8;
	[tilespmem:$0x1D000] =	vst v63  }
0x4c4: {  	_ =	swait.ge [sflag:s23], $0x4000  }
0x4c5: {  	[sflag:s23] =	ssyncset.done $0x0  }
0x4c6: {  	[sflag:s23] =	ssyncadd.s32 $0xFFFFC000  }
0x4c7: {  	v3 =	vld [tilespmem:$0x900];
	_ =	sdelay $0x4  }
0x4c8: {  	v38 =	vshll.u32 v3, $0x3  }
0x4c9: {  	v3 =	vand.u32 $0x7, v3;
	v4 =	vand.u32 $0xFFFFFFC0, v38  }
0x4ca: {  	v3 =	vor.u32 v3, v4  }
0x4cb: {  	v4 =	vperm.xlane v3, v0;
	_ =	sdelay $0x1  }
0x4cc: {  	v4 =	vadd.s32 v1, v4;
	_ =	sdelay $0x3  }
0x4cd: {  	s16 =	simm.s32 $0x15000  }
0x4ce: {  	[hbm4b:s3+s4] =	stream.indirect_vreg.scatter [tilespmem:s16], [sflag:$0x8], $0x80, v4, vm0, $0xb8;
	[tilespmem:$0x1D000] =	vst v63  }
0x4cf: {  	s2 =	simm.s32 $0x15800;
	v3 =	vperm.xlane v3, v2  }
0x4d0: {  	[hbm4b:s5+s4] =	stream.indirect_vreg.scatter [tilespmem:s2], [sflag:$0x8], $0x80, v4, vm0, $0xb8;
	[tilespmem:$0x1D000] =	vst v63  }
0x4d1: {  	s17 =	simm.s32 $0x16000;
	v3 =	vadd.s32 v1, v3  }
0x4d2: {  	[hbm4b:s6+s4] =	stream.indirect_vreg.scatter [tilespmem:s17], [sflag:$0x8], $0x80, v4, vm0, $0xb8;
	[tilespmem:$0x1D000] =	vst v63  }
0x4d3: {  	s20 =	simm.s32 $0x16800  }
0x4d4: {  	[hbm4b:s7+s4] =	stream.indirect_vreg.scatter [tilespmem:s20], [sflag:$0x8], $0x80, v4, vm0, $0xb8;
	[tilespmem:$0x1D000] =	vst v63  }
0x4d5: {  	s21 =	simm.s32 $0x17000  }
0x4d6: {  	[hbm4b:s3+s4] =	stream.indirect_vreg.scatter [tilespmem:s21], [sflag:$0x8], $0x80, v3, vm0, $0xb8;
	[tilespmem:$0x1D000] =	vst v63  }
0x4d7: {  	s13 =	simm.s32 $0x17800  }
0x4d8: {  	[hbm4b:s5+s4] =	stream.indirect_vreg.scatter [tilespmem:s13], [sflag:$0x8], $0x80, v3, vm0, $0xb8;
	[tilespmem:$0x1D000] =	vst v63  }
0x4d9: {  	s26 =	simm.s32 $0x18000  }
0x4da: {  	[hbm4b:s6+s4] =	stream.indirect_vreg.scatter [tilespmem:s26], [sflag:$0x8], $0x80, v3, vm0, $0xb8;
	[tilespmem:$0x1D000] =	vst v63  }
0x4db: {  	s1 =	simm.s32 $0x18800;
	s26 =	simm.s32 $0x6  }
0x4dc: {  	[hbm4b:s7+s4] =	stream.indirect_vreg.scatter [tilespmem:s1], [sflag:$0x8], $0x80, v3, vm0, $0xb8;
	[tilespmem:$0x1D000] =	vst v63  }
0x4dd: {  	_ =	swait.ge [sflag:s26], $0x4000  }
0x4de: {  	[sflag:s26] =	ssyncset.done $0x0  }
0x4df: {  	[sflag:s26] =	ssyncadd.s32 $0xFFFFC000  }
0x4e0: {  	v3 =	vld [tilespmem:$0xA00];
	_ =	sdelay $0x4  }
0x4e1: {  	v39 =	vshll.u32 v3, $0x3  }
0x4e2: {  	v3 =	vand.u32 $0x7, v3;
	v4 =	vand.u32 $0xFFFFFFC0, v39  }
0x4e3: {  	v3 =	vor.u32 v3, v4  }
0x4e4: {  	v4 =	vperm.xlane v3, v0;
	_ =	sdelay $0x1  }
0x4e5: {  	v4 =	vadd.s32 v1, v4;
	_ =	sdelay $0x3  }
0x4e6: {  	s23 =	simm.s32 $0xD000  }
0x4e7: {  	[tilespmem:s23], [sflag:$0x2] =	stream.indirect_vreg.gather [hbm4b:s0+s4], $0x80, v4, vm0, $0xb8;
	[tilespmem:$0x1D000] =	vst v63  }
0x4e8: {  	s21 =	simm.s32 $0xD800;
	v3 =	vperm.xlane v3, v2  }
0x4e9: {  	[tilespmem:s21], [sflag:$0x2] =	stream.indirect_vreg.gather [hbm4b:s8+s4], $0x80, v4, vm0, $0xb8;
	[tilespmem:$0x1D000] =	vst v63  }
0x4ea: {  	s14 =	simm.s32 $0xE000;
	v3 =	vadd.s32 v1, v3  }
0x4eb: {  	[tilespmem:s14], [sflag:$0x2] =	stream.indirect_vreg.gather [hbm4b:s9+s4], $0x80, v4, vm0, $0xb8;
	[tilespmem:$0x1D000] =	vst v63  }
0x4ec: {  	s15 =	simm.s32 $0xE800  }
0x4ed: {  	[tilespmem:s15], [sflag:$0x2] =	stream.indirect_vreg.gather [hbm4b:s10+s4], $0x80, v4, vm0, $0xb8;
	[tilespmem:$0x1D000] =	vst v63  }
0x4ee: {  	s16 =	simm.s32 $0xF000  }
0x4ef: {  	[tilespmem:s16], [sflag:$0x2] =	stream.indirect_vreg.gather [hbm4b:s0+s4], $0x80, v3, vm0, $0xb8;
	[tilespmem:$0x1D000] =	vst v63  }
0x4f0: {  	s17 =	simm.s32 $0xF800  }
0x4f1: {  	[tilespmem:s17], [sflag:$0x2] =	stream.indirect_vreg.gather [hbm4b:s8+s4], $0x80, v3, vm0, $0xb8;
	[tilespmem:$0x1D000] =	vst v63  }
0x4f2: {  	s19 =	simm.s32 $0x10000  }
0x4f3: {  	[tilespmem:s19], [sflag:$0x2] =	stream.indirect_vreg.gather [hbm4b:s9+s4], $0x80, v3, vm0, $0xb8;
	[tilespmem:$0x1D000] =	vst v63  }
0x4f4: {  	s2 =	simm.s32 $0x5;
	s20 =	simm.s32 $0x10800  }
0x4f5: {  	[tilespmem:s20], [sflag:$0x2] =	stream.indirect_vreg.gather [hbm4b:s10+s4], $0x80, v3, vm0, $0xb8;
	[tilespmem:$0x1D000] =	vst v63  }
0x4f6: {  	_ =	swait.ge [sflag:s2], $0x4000  }
0x4f7: {  	[sflag:s2] =	ssyncset.done $0x0  }
0x4f8: {  	[sflag:s2] =	ssyncadd.s32 $0xFFFFC000  }
0x4f9: {  	v3 =	vld [tilespmem:$0x980];
	_ =	sdelay $0x4  }
0x4fa: {  	v40 =	vshll.u32 v3, $0x3  }
0x4fb: {  	v3 =	vand.u32 $0x7, v3;
	v4 =	vand.u32 $0xFFFFFFC0, v40  }
0x4fc: {  	v3 =	vor.u32 v3, v4  }
0x4fd: {  	v4 =	vperm.xlane v3, v0;
	_ =	sdelay $0x1  }
0x4fe: {  	v4 =	vadd.s32 v1, v4;
	_ =	sdelay $0x3  }
0x4ff: {  	s28 =	simm.s32 $0x19000  }
0x500: {  	[hbm4b:s3+s4] =	stream.indirect_vreg.scatter [tilespmem:s28], [sflag:$0x9], $0x80, v4, vm0, $0xb8;
	[tilespmem:$0x1D000] =	vst v63  }
0x501: {  	s12 =	simm.s32 $0x19800;
	v3 =	vperm.xlane v3, v2  }
0x502: {  	[hbm4b:s5+s4] =	stream.indirect_vreg.scatter [tilespmem:s12], [sflag:$0x9], $0x80, v4, vm0, $0xb8;
	[tilespmem:$0x1D000] =	vst v63  }
0x503: {  	s25 =	simm.s32 $0x1A000;
	v3 =	vadd.s32 v1, v3  }
0x504: {  	[hbm4b:s6+s4] =	stream.indirect_vreg.scatter [tilespmem:s25], [sflag:$0x9], $0x80, v4, vm0, $0xb8;
	[tilespmem:$0x1D000] =	vst v63  }
0x505: {  	s24 =	simm.s32 $0x1A800  }
0x506: {  	[hbm4b:s7+s4] =	stream.indirect_vreg.scatter [tilespmem:s24], [sflag:$0x9], $0x80, v4, vm0, $0xb8;
	[tilespmem:$0x1D000] =	vst v63  }
0x507: {  	s18 =	simm.s32 $0x1B000  }
0x508: {  	[hbm4b:s3+s4] =	stream.indirect_vreg.scatter [tilespmem:s18], [sflag:$0x9], $0x80, v3, vm0, $0xb8;
	[tilespmem:$0x1D000] =	vst v63  }
0x509: {  	s12 =	simm.s32 $0x1B800  }
0x50a: {  	[hbm4b:s5+s4] =	stream.indirect_vreg.scatter [tilespmem:s12], [sflag:$0x9], $0x80, v3, vm0, $0xb8;
	[tilespmem:$0x1D000] =	vst v63  }
0x50b: {  	s22 =	simm.s32 $0x1C000  }
0x50c: {  	[hbm4b:s6+s4] =	stream.indirect_vreg.scatter [tilespmem:s22], [sflag:$0x9], $0x80, v3, vm0, $0xb8;
	[tilespmem:$0x1D000] =	vst v63  }
0x50d: {  	s11 =	simm.s32 $0x1C800;
	s13 =	simm.s32 $0x7  }
0x50e: {  	[hbm4b:s7+s4] =	stream.indirect_vreg.scatter [tilespmem:s11], [sflag:$0x9], $0x80, v3, vm0, $0xb8;
	[tilespmem:$0x1D000] =	vst v63  }
0x50f: {  	_ =	swait.ge [sflag:s13], $0x4000  }
0x510: {  	[sflag:s13] =	ssyncset.done $0x0  }
0x511: {  	[sflag:s13] =	ssyncadd.s32 $0xFFFFC000  }
0x512: {  	v3 =	vld [tilespmem:$0xA80];
	_ =	sdelay $0x4  }
0x513: {  	v41 =	vshll.u32 v3, $0x3  }
0x514: {  	v3 =	vand.u32 $0x7, v3;
	v4 =	vand.u32 $0xFFFFFFC0, v41  }
0x515: {  	v3 =	vor.u32 v3, v4  }
0x516: {  	v4 =	vperm.xlane v3, v0;
	_ =	sdelay $0x1  }
0x517: {  	v4 =	vadd.s32 v1, v4;
	_ =	sdelay $0x3  }
0x518: {  	s12 =	simm.s32 $0x11000  }
0x519: {  	[tilespmem:s12], [sflag:$0x3] =	stream.indirect_vreg.gather [hbm4b:s0+s4], $0x80, v4, vm0, $0xb8;
	[tilespmem:$0x1D000] =	vst v63  }
0x51a: {  	s13 =	simm.s32 $0x11800;
	v3 =	vperm.xlane v3, v2  }
0x51b: {  	[tilespmem:s13], [sflag:$0x3] =	stream.indirect_vreg.gather [hbm4b:s8+s4], $0x80, v4, vm0, $0xb8;
	[tilespmem:$0x1D000] =	vst v63  }
0x51c: {  	s18 =	simm.s32 $0x12000;
	v3 =	vadd.s32 v1, v3  }
0x51d: {  	[tilespmem:s18], [sflag:$0x3] =	stream.indirect_vreg.gather [hbm4b:s9+s4], $0x80, v4, vm0, $0xb8;
	[tilespmem:$0x1D000] =	vst v63  }
0x51e: {  	s22 =	simm.s32 $0x12800  }
0x51f: {  	[tilespmem:s22], [sflag:$0x3] =	stream.indirect_vreg.gather [hbm4b:s10+s4], $0x80, v4, vm0, $0xb8;
	[tilespmem:$0x1D000] =	vst v63  }
0x520: {  	s1 =	simm.s32 $0x13000  }
0x521: {  	[tilespmem:s1], [sflag:$0x3] =	stream.indirect_vreg.gather [hbm4b:s0+s4], $0x80, v3, vm0, $0xb8;
	[tilespmem:$0x1D000] =	vst v63  }
0x522: {  	s2 =	simm.s32 $0x13800  }
0x523: {  	[tilespmem:s2], [sflag:$0x3] =	stream.indirect_vreg.gather [hbm4b:s8+s4], $0x80, v3, vm0, $0xb8;
	[tilespmem:$0x1D000] =	vst v63  }
0x524: {  	s24 =	simm.s32 $0x14000  }
0x525: {  	[tilespmem:s24], [sflag:$0x3] =	stream.indirect_vreg.gather [hbm4b:s9+s4], $0x80, v3, vm0, $0xb8;
	[tilespmem:$0x1D000] =	vst v63  }
0x526: {  	s29 =	simm.s32 $0x2;
	s11 =	simm.s32 $0x14800  }
0x527: {  	[tilespmem:s11], [sflag:$0x3] =	stream.indirect_vreg.gather [hbm4b:s10+s4], $0x80, v3, vm0, $0xb8;
	[tilespmem:$0x1D000] =	vst v63  }
0x528: {  	_ =	swait.ge [sflag:s29], $0x4000  }
0x529: {  	[sflag:s29] =	ssyncset.done $0x0  }
0x52a: {  	[sflag:s29] =	ssyncadd.s32 $0xFFFFC000  }
0x52b: {  	v3 =	vld [tilespmem:$0xA00];
	_ =	sdelay $0x4  }
0x52c: {  	v42 =	vshll.u32 v3, $0x3  }
0x52d: {  	v3 =	vand.u32 $0x7, v3;
	v4 =	vand.u32 $0xFFFFFFC0, v42  }
0x52e: {  	v3 =	vor.u32 v3, v4  }
0x52f: {  	v4 =	vperm.xlane v3, v0;
	_ =	sdelay $0x1  }
0x530: {  	v4 =	vadd.s32 v1, v4;
	_ =	sdelay $0x4  }
0x531: {  	[hbm4b:s3+s4] =	stream.indirect_vreg.scatter [tilespmem:s23], [sflag:$0x6], $0x80, v4, vm0, $0xb8;
	[tilespmem:$0x1D000] =	vst v63  }
0x532: {  	v3 =	vperm.xlane v3, v2  }
0x533: {  	[hbm4b:s5+s4] =	stream.indirect_vreg.scatter [tilespmem:s21], [sflag:$0x6], $0x80, v4, vm0, $0xb8;
	[tilespmem:$0x1D000] =	vst v63  }
0x534: {  	v3 =	vadd.s32 v1, v3  }
0x535: {  	[hbm4b:s6+s4] =	stream.indirect_vreg.scatter [tilespmem:s14], [sflag:$0x6], $0x80, v4, vm0, $0xb8;
	[tilespmem:$0x1D000] =	vst v63  }
0x536: {  	_ = 	snop  }
0x537: {  	[hbm4b:s7+s4] =	stream.indirect_vreg.scatter [tilespmem:s15], [sflag:$0x6], $0x80, v4, vm0, $0xb8;
	[tilespmem:$0x1D000] =	vst v63  }
0x538: {  	_ = 	snop  }
0x539: {  	[hbm4b:s3+s4] =	stream.indirect_vreg.scatter [tilespmem:s16], [sflag:$0x6], $0x80, v3, vm0, $0xb8;
	[tilespmem:$0x1D000] =	vst v63  }
0x53a: {  	_ = 	snop  }
0x53b: {  	[hbm4b:s5+s4] =	stream.indirect_vreg.scatter [tilespmem:s17], [sflag:$0x6], $0x80, v3, vm0, $0xb8;
	[tilespmem:$0x1D000] =	vst v63  }
0x53c: {  	_ = 	snop  }
0x53d: {  	[hbm4b:s6+s4] =	stream.indirect_vreg.scatter [tilespmem:s19], [sflag:$0x6], $0x80, v3, vm0, $0xb8;
	[tilespmem:$0x1D000] =	vst v63  }
0x53e: {  	s17 =	simm.s32 $0x8  }
0x53f: {  	[hbm4b:s7+s4] =	stream.indirect_vreg.scatter [tilespmem:s20], [sflag:$0x6], $0x80, v3, vm0, $0xb8;
	[tilespmem:$0x1D000] =	vst v63  }
0x540: {  	_ =	swait.ge [sflag:s17], $0x4000  }
0x541: {  	[sflag:s17] =	ssyncset.done $0x0  }
0x542: {  	[sflag:s17] =	ssyncadd.s32 $0xFFFFC000  }
0x543: {  	v3 =	vld [tilespmem:$0xB00];
	_ =	sdelay $0x4  }
0x544: {  	v43 =	vshll.u32 v3, $0x3  }
0x545: {  	v3 =	vand.u32 $0x7, v3;
	v4 =	vand.u32 $0xFFFFFFC0, v43  }
0x546: {  	v3 =	vor.u32 v3, v4  }
0x547: {  	v4 =	vperm.xlane v3, v0;
	_ =	sdelay $0x1  }
0x548: {  	v4 =	vadd.s32 v1, v4;
	_ =	sdelay $0x3  }
0x549: {  	s19 =	simm.s32 $0x15000  }
0x54a: {  	[tilespmem:s19], [sflag:$0x4] =	stream.indirect_vreg.gather [hbm4b:s0+s4], $0x80, v4, vm0, $0xb8;
	[tilespmem:$0x1D000] =	vst v63  }
0x54b: {  	s20 =	simm.s32 $0x15800;
	v3 =	vperm.xlane v3, v2  }
0x54c: {  	[tilespmem:s20], [sflag:$0x4] =	stream.indirect_vreg.gather [hbm4b:s8+s4], $0x80, v4, vm0, $0xb8;
	[tilespmem:$0x1D000] =	vst v63  }
0x54d: {  	s14 =	simm.s32 $0x16000;
	v3 =	vadd.s32 v1, v3  }
0x54e: {  	[tilespmem:s14], [sflag:$0x4] =	stream.indirect_vreg.gather [hbm4b:s9+s4], $0x80, v4, vm0, $0xb8;
	[tilespmem:$0x1D000] =	vst v63  }
0x54f: {  	s30 =	simm.s32 $0x16800  }
0x550: {  	[tilespmem:s30], [sflag:$0x4] =	stream.indirect_vreg.gather [hbm4b:s10+s4], $0x80, v4, vm0, $0xb8;
	[tilespmem:$0x1D000] =	vst v63  }
0x551: {  	s31 =	simm.s32 $0x17000  }
0x552: {  	[tilespmem:s31], [sflag:$0x4] =	stream.indirect_vreg.gather [hbm4b:s0+s4], $0x80, v3, vm0, $0xb8;
	[tilespmem:$0x1D000] =	vst v63  }
0x553: {  	s23 =	simm.s32 $0x17800  }
0x554: {  	[tilespmem:s23], [sflag:$0x4] =	stream.indirect_vreg.gather [hbm4b:s8+s4], $0x80, v3, vm0, $0xb8;
	[tilespmem:$0x1D000] =	vst v63  }
0x555: {  	s29 =	simm.s32 $0x18000  }
0x556: {  	[tilespmem:s29], [sflag:$0x4] =	stream.indirect_vreg.gather [hbm4b:s9+s4], $0x80, v3, vm0, $0xb8;
	[tilespmem:$0x1D000] =	vst v63  }
0x557: {  	s15 =	simm.s32 $0x3;
	s31 =	simm.s32 $0x18800  }
0x558: {  	[tilespmem:s31], [sflag:$0x4] =	stream.indirect_vreg.gather [hbm4b:s10+s4], $0x80, v3, vm0, $0xb8;
	[tilespmem:$0x1D000] =	vst v63  }
0x559: {  	_ =	swait.ge [sflag:s15], $0x4000  }
0x55a: {  	[sflag:s15] =	ssyncset.done $0x0  }
0x55b: {  	[sflag:s15] =	ssyncadd.s32 $0xFFFFC000  }
0x55c: {  	v3 =	vld [tilespmem:$0xA80];
	_ =	sdelay $0x4  }
0x55d: {  	v44 =	vshll.u32 v3, $0x3  }
0x55e: {  	v3 =	vand.u32 $0x7, v3;
	v4 =	vand.u32 $0xFFFFFFC0, v44  }
0x55f: {  	v3 =	vor.u32 v3, v4  }
0x560: {  	v4 =	vperm.xlane v3, v0;
	_ =	sdelay $0x1  }
0x561: {  	v4 =	vadd.s32 v1, v4;
	_ =	sdelay $0x4  }
0x562: {  	[hbm4b:s3+s4] =	stream.indirect_vreg.scatter [tilespmem:s12], [sflag:$0x7], $0x80, v4, vm0, $0xb8;
	[tilespmem:$0x1D000] =	vst v63  }
0x563: {  	v3 =	vperm.xlane v3, v2  }
0x564: {  	[hbm4b:s5+s4] =	stream.indirect_vreg.scatter [tilespmem:s13], [sflag:$0x7], $0x80, v4, vm0, $0xb8;
	[tilespmem:$0x1D000] =	vst v63  }
0x565: {  	v3 =	vadd.s32 v1, v3  }
0x566: {  	[hbm4b:s6+s4] =	stream.indirect_vreg.scatter [tilespmem:s18], [sflag:$0x7], $0x80, v4, vm0, $0xb8;
	[tilespmem:$0x1D000] =	vst v63  }
0x567: {  	_ = 	snop  }
0x568: {  	[hbm4b:s7+s4] =	stream.indirect_vreg.scatter [tilespmem:s22], [sflag:$0x7], $0x80, v4, vm0, $0xb8;
	[tilespmem:$0x1D000] =	vst v63  }
0x569: {  	_ = 	snop  }
0x56a: {  	[hbm4b:s3+s4] =	stream.indirect_vreg.scatter [tilespmem:s1], [sflag:$0x7], $0x80, v3, vm0, $0xb8;
	[tilespmem:$0x1D000] =	vst v63  }
0x56b: {  	_ = 	snop  }
0x56c: {  	[hbm4b:s5+s4] =	stream.indirect_vreg.scatter [tilespmem:s2], [sflag:$0x7], $0x80, v3, vm0, $0xb8;
	[tilespmem:$0x1D000] =	vst v63  }
0x56d: {  	_ = 	snop  }
0x56e: {  	[hbm4b:s6+s4] =	stream.indirect_vreg.scatter [tilespmem:s24], [sflag:$0x7], $0x80, v3, vm0, $0xb8;
	[tilespmem:$0x1D000] =	vst v63  }
0x56f: {  	s24 =	simm.s32 $0x9  }
0x570: {  	[hbm4b:s7+s4] =	stream.indirect_vreg.scatter [tilespmem:s11], [sflag:$0x7], $0x80, v3, vm0, $0xb8;
	[tilespmem:$0x1D000] =	vst v63  }
0x571: {  	_ =	swait.ge [sflag:s24], $0x4000  }
0x572: {  	[sflag:s24] =	ssyncset.done $0x0  }
0x573: {  	[sflag:s24] =	ssyncadd.s32 $0xFFFFC000  }
0x574: {  	v3 =	vld [tilespmem:$0xB80];
	_ =	sdelay $0x4  }
0x575: {  	v45 =	vshll.u32 v3, $0x3  }
0x576: {  	v3 =	vand.u32 $0x7, v3;
	v4 =	vand.u32 $0xFFFFFFC0, v45  }
0x577: {  	v3 =	vor.u32 v3, v4  }
0x578: {  	v4 =	vperm.xlane v3, v0;
	_ =	sdelay $0x1  }
0x579: {  	v4 =	vadd.s32 v1, v4;
	_ =	sdelay $0x3  }
0x57a: {  	s18 =	simm.s32 $0x19000  }
0x57b: {  	[tilespmem:s18], [sflag:$0x5] =	stream.indirect_vreg.gather [hbm4b:s0+s4], $0x80, v4, vm0, $0xb8;
	[tilespmem:$0x1D000] =	vst v63  }
0x57c: {  	s19 =	simm.s32 $0x19800;
	v3 =	vperm.xlane v3, v2  }
0x57d: {  	[tilespmem:s19], [sflag:$0x5] =	stream.indirect_vreg.gather [hbm4b:s8+s4], $0x80, v4, vm0, $0xb8;
	[tilespmem:$0x1D000] =	vst v63  }
0x57e: {  	s22 =	simm.s32 $0x1A000;
	v3 =	vadd.s32 v1, v3  }
0x57f: {  	[tilespmem:s22], [sflag:$0x5] =	stream.indirect_vreg.gather [hbm4b:s9+s4], $0x80, v4, vm0, $0xb8;
	[tilespmem:$0x1D000] =	vst v63  }
0x580: {  	s23 =	simm.s32 $0x1A800  }
0x581: {  	[tilespmem:s23], [sflag:$0x5] =	stream.indirect_vreg.gather [hbm4b:s10+s4], $0x80, v4, vm0, $0xb8;
	[tilespmem:$0x1D000] =	vst v63  }
0x582: {  	s2 =	simm.s32 $0x1B000  }
0x583: {  	[tilespmem:s2], [sflag:$0x5] =	stream.indirect_vreg.gather [hbm4b:s0+s4], $0x80, v3, vm0, $0xb8;
	[tilespmem:$0x1D000] =	vst v63  }
0x584: {  	s12 =	simm.s32 $0x1B800  }
0x585: {  	[tilespmem:s12], [sflag:$0x5] =	stream.indirect_vreg.gather [hbm4b:s8+s4], $0x80, v3, vm0, $0xb8;
	[tilespmem:$0x1D000] =	vst v63  }
0x586: {  	s23 =	simm.s32 $0x1C000  }
0x587: {  	[tilespmem:s23], [sflag:$0x5] =	stream.indirect_vreg.gather [hbm4b:s9+s4], $0x80, v3, vm0, $0xb8;
	[tilespmem:$0x1D000] =	vst v63  }
0x588: {  	s13 =	simm.s32 $0x4;
	s11 =	simm.s32 $0x1C800  }
0x589: {  	[tilespmem:s11], [sflag:$0x5] =	stream.indirect_vreg.gather [hbm4b:s10+s4], $0x80, v3, vm0, $0xb8;
	[tilespmem:$0x1D000] =	vst v63  }
0x58a: {  	_ =	swait.ge [sflag:s13], $0x4000  }
0x58b: {  	[sflag:s13] =	ssyncset.done $0x0  }
0x58c: {  	[sflag:s13] =	ssyncadd.s32 $0xFFFFC000  }
0x58d: {  	v3 =	vld [tilespmem:$0xB00];
	_ =	sdelay $0x4  }
0x58e: {  	v46 =	vshll.u32 v3, $0x3  }
0x58f: {  	v3 =	vand.u32 $0x7, v3;
	v4 =	vand.u32 $0xFFFFFFC0, v46  }
0x590: {  	v3 =	vor.u32 v3, v4  }
0x591: {  	v4 =	vperm.xlane v3, v0;
	_ =	sdelay $0x1  }
0x592: {  	v4 =	vadd.s32 v1, v4;
	_ =	sdelay $0x3  }
0x593: {  	s21 =	simm.s32 $0x15000  }
0x594: {  	[hbm4b:s3+s4] =	stream.indirect_vreg.scatter [tilespmem:s21], [sflag:$0x8], $0x80, v4, vm0, $0xb8;
	[tilespmem:$0x1D000] =	vst v63  }
0x595: {  	s25 =	simm.s32 $0x15800;
	v3 =	vperm.xlane v3, v2  }
0x596: {  	[hbm4b:s5+s4] =	stream.indirect_vreg.scatter [tilespmem:s25], [sflag:$0x8], $0x80, v4, vm0, $0xb8;
	[tilespmem:$0x1D000] =	vst v63  }
0x597: {  	v3 =	vadd.s32 v1, v3  }
0x598: {  	[hbm4b:s6+s4] =	stream.indirect_vreg.scatter [tilespmem:s14], [sflag:$0x8], $0x80, v4, vm0, $0xb8;
	[tilespmem:$0x1D000] =	vst v63  }
0x599: {  	_ = 	snop  }
0x59a: {  	[hbm4b:s7+s4] =	stream.indirect_vreg.scatter [tilespmem:s30], [sflag:$0x8], $0x80, v4, vm0, $0xb8;
	[tilespmem:$0x1D000] =	vst v63  }
0x59b: {  	s28 =	simm.s32 $0x17000  }
0x59c: {  	[hbm4b:s3+s4] =	stream.indirect_vreg.scatter [tilespmem:s28], [sflag:$0x8], $0x80, v3, vm0, $0xb8;
	[tilespmem:$0x1D000] =	vst v63  }
0x59d: {  	s20 =	simm.s32 $0x17800  }
0x59e: {  	[hbm4b:s5+s4] =	stream.indirect_vreg.scatter [tilespmem:s20], [sflag:$0x8], $0x80, v3, vm0, $0xb8;
	[tilespmem:$0x1D000] =	vst v63  }
0x59f: {  	s29 =	simm.s32 $0x18000  }
0x5a0: {  	[hbm4b:s6+s4] =	stream.indirect_vreg.scatter [tilespmem:s29], [sflag:$0x8], $0x80, v3, vm0, $0xb8;
	[tilespmem:$0x1D000] =	vst v63  }
0x5a1: {  	s16 =	simm.s32 $0x18800  }
0x5a2: {  	[hbm4b:s7+s4] =	stream.indirect_vreg.scatter [tilespmem:s16], [sflag:$0x8], $0x80, v3, vm0, $0xb8;
	[tilespmem:$0x1D000] =	vst v63  }
0x5a3: {  	_ =	swait.ge [sflag:s26], $0x4000  }
0x5a4: {  	[sflag:s26] =	ssyncset.done $0x0  }
0x5a5: {  	[sflag:s26] =	ssyncadd.s32 $0xFFFFC000  }
0x5a6: {  	v3 =	vld [tilespmem:$0xC00];
	_ =	sdelay $0x4  }
0x5a7: {  	v47 =	vshll.u32 v3, $0x3  }
0x5a8: {  	v3 =	vand.u32 $0x7, v3;
	v4 =	vand.u32 $0xFFFFFFC0, v47  }
0x5a9: {  	v3 =	vor.u32 v3, v4  }
0x5aa: {  	v4 =	vperm.xlane v3, v0;
	_ =	sdelay $0x1  }
0x5ab: {  	v4 =	vadd.s32 v1, v4;
	_ =	sdelay $0x3  }
0x5ac: {  	s1 =	simm.s32 $0xD000  }
0x5ad: {  	[tilespmem:s1], [sflag:$0x2] =	stream.indirect_vreg.gather [hbm4b:s0+s4], $0x80, v4, vm0, $0xb8;
	[tilespmem:$0x1D000] =	vst v63  }
0x5ae: {  	s25 =	simm.s32 $0xD800;
	v3 =	vperm.xlane v3, v2  }
0x5af: {  	[tilespmem:s25], [sflag:$0x2] =	stream.indirect_vreg.gather [hbm4b:s8+s4], $0x80, v4, vm0, $0xb8;
	[tilespmem:$0x1D000] =	vst v63  }
0x5b0: {  	s22 =	simm.s32 $0xE000;
	v3 =	vadd.s32 v1, v3  }
0x5b1: {  	[tilespmem:s22], [sflag:$0x2] =	stream.indirect_vreg.gather [hbm4b:s9+s4], $0x80, v4, vm0, $0xb8;
	[tilespmem:$0x1D000] =	vst v63  }
0x5b2: {  	s20 =	simm.s32 $0xE800  }
0x5b3: {  	[tilespmem:s20], [sflag:$0x2] =	stream.indirect_vreg.gather [hbm4b:s10+s4], $0x80, v4, vm0, $0xb8;
	[tilespmem:$0x1D000] =	vst v63  }
0x5b4: {  	s21 =	simm.s32 $0xF000  }
0x5b5: {  	[tilespmem:s21], [sflag:$0x2] =	stream.indirect_vreg.gather [hbm4b:s0+s4], $0x80, v3, vm0, $0xb8;
	[tilespmem:$0x1D000] =	vst v63  }
0x5b6: {  	s30 =	simm.s32 $0xF800  }
0x5b7: {  	[tilespmem:s30], [sflag:$0x2] =	stream.indirect_vreg.gather [hbm4b:s8+s4], $0x80, v3, vm0, $0xb8;
	[tilespmem:$0x1D000] =	vst v63  }
0x5b8: {  	s28 =	simm.s32 $0x10000  }
0x5b9: {  	[tilespmem:s28], [sflag:$0x2] =	stream.indirect_vreg.gather [hbm4b:s9+s4], $0x80, v3, vm0, $0xb8;
	[tilespmem:$0x1D000] =	vst v63  }
0x5ba: {  	s19 =	simm.s32 $0x5;
	s16 =	simm.s32 $0x10800  }
0x5bb: {  	[tilespmem:s16], [sflag:$0x2] =	stream.indirect_vreg.gather [hbm4b:s10+s4], $0x80, v3, vm0, $0xb8;
	[tilespmem:$0x1D000] =	vst v63  }
0x5bc: {  	_ =	swait.ge [sflag:s19], $0x4000  }
0x5bd: {  	[sflag:s19] =	ssyncset.done $0x0  }
0x5be: {  	[sflag:s19] =	ssyncadd.s32 $0xFFFFC000  }
0x5bf: {  	v3 =	vld [tilespmem:$0xB80];
	_ =	sdelay $0x4  }
0x5c0: {  	v48 =	vshll.u32 v3, $0x3  }
0x5c1: {  	v3 =	vand.u32 $0x7, v3;
	v4 =	vand.u32 $0xFFFFFFC0, v48  }
0x5c2: {  	v3 =	vor.u32 v3, v4  }
0x5c3: {  	v4 =	vperm.xlane v3, v0;
	_ =	sdelay $0x1  }
0x5c4: {  	v4 =	vadd.s32 v1, v4;
	_ =	sdelay $0x3  }
0x5c5: {  	s13 =	simm.s32 $0x19000  }
0x5c6: {  	[hbm4b:s3+s4] =	stream.indirect_vreg.scatter [tilespmem:s13], [sflag:$0x9], $0x80, v4, vm0, $0xb8;
	[tilespmem:$0x1D000] =	vst v63  }
0x5c7: {  	s19 =	simm.s32 $0x19800;
	v3 =	vperm.xlane v3, v2  }
0x5c8: {  	[hbm4b:s5+s4] =	stream.indirect_vreg.scatter [tilespmem:s19], [sflag:$0x9], $0x80, v4, vm0, $0xb8;
	[tilespmem:$0x1D000] =	vst v63  }
0x5c9: {  	s14 =	simm.s32 $0x1A000;
	v3 =	vadd.s32 v1, v3  }
0x5ca: {  	[hbm4b:s6+s4] =	stream.indirect_vreg.scatter [tilespmem:s14], [sflag:$0x9], $0x80, v4, vm0, $0xb8;
	[tilespmem:$0x1D000] =	vst v63  }
0x5cb: {  	s29 =	simm.s32 $0x1A800  }
0x5cc: {  	[hbm4b:s7+s4] =	stream.indirect_vreg.scatter [tilespmem:s29], [sflag:$0x9], $0x80, v4, vm0, $0xb8;
	[tilespmem:$0x1D000] =	vst v63  }
0x5cd: {  	s18 =	simm.s32 $0x1B000  }
0x5ce: {  	[hbm4b:s3+s4] =	stream.indirect_vreg.scatter [tilespmem:s18], [sflag:$0x9], $0x80, v3, vm0, $0xb8;
	[tilespmem:$0x1D000] =	vst v63  }
0x5cf: {  	_ = 	snop  }
0x5d0: {  	[hbm4b:s5+s4] =	stream.indirect_vreg.scatter [tilespmem:s12], [sflag:$0x9], $0x80, v3, vm0, $0xb8;
	[tilespmem:$0x1D000] =	vst v63  }
0x5d1: {  	_ = 	snop  }
0x5d2: {  	[hbm4b:s6+s4] =	stream.indirect_vreg.scatter [tilespmem:s23], [sflag:$0x9], $0x80, v3, vm0, $0xb8;
	[tilespmem:$0x1D000] =	vst v63  }
0x5d3: {  	s17 =	simm.s32 $0x1C800;
	s2 =	simm.s32 $0x7  }
0x5d4: {  	[hbm4b:s7+s4] =	stream.indirect_vreg.scatter [tilespmem:s17], [sflag:$0x9], $0x80, v3, vm0, $0xb8;
	[tilespmem:$0x1D000] =	vst v63  }
0x5d5: {  	_ =	swait.ge [sflag:s2], $0x4000  }
0x5d6: {  	[sflag:s2] =	ssyncset.done $0x0  }
0x5d7: {  	[sflag:s2] =	ssyncadd.s32 $0xFFFFC000  }
0x5d8: {  	v3 =	vld [tilespmem:$0xC80];
	_ =	sdelay $0x4  }
0x5d9: {  	v49 =	vshll.u32 v3, $0x3  }
0x5da: {  	v3 =	vand.u32 $0x7, v3;
	v4 =	vand.u32 $0xFFFFFFC0, v49  }
0x5db: {  	v3 =	vor.u32 v3, v4  }
0x5dc: {  	v4 =	vperm.xlane v3, v0;
	_ =	sdelay $0x1  }
0x5dd: {  	v4 =	vadd.s32 v1, v4;
	_ =	sdelay $0x3  }
0x5de: {  	s12 =	simm.s32 $0x11000  }
0x5df: {  	[tilespmem:s12], [sflag:$0x3] =	stream.indirect_vreg.gather [hbm4b:s0+s4], $0x80, v4, vm0, $0xb8;
	[tilespmem:$0x1D000] =	vst v63  }
0x5e0: {  	s31 =	simm.s32 $0x11800;
	v3 =	vperm.xlane v3, v2  }
0x5e1: {  	[tilespmem:s31], [sflag:$0x3] =	stream.indirect_vreg.gather [hbm4b:s8+s4], $0x80, v4, vm0, $0xb8;
	[tilespmem:$0x1D000] =	vst v63  }
0x5e2: {  	v3 =	vadd.s32 v1, v3;
	s31 =	simm.s32 $0x12000  }
0x5e3: {  	[tilespmem:s31], [sflag:$0x3] =	stream.indirect_vreg.gather [hbm4b:s9+s4], $0x80, v4, vm0, $0xb8;
	[tilespmem:$0x1D000] =	vst v63  }
0x5e4: {  	s29 =	simm.s32 $0x12800  }
0x5e5: {  	[tilespmem:s29], [sflag:$0x3] =	stream.indirect_vreg.gather [hbm4b:s10+s4], $0x80, v4, vm0, $0xb8;
	[tilespmem:$0x1D000] =	vst v63  }
0x5e6: {  	s15 =	simm.s32 $0x13000  }
0x5e7: {  	[tilespmem:s15], [sflag:$0x3] =	stream.indirect_vreg.gather [hbm4b:s0+s4], $0x80, v3, vm0, $0xb8;
	[tilespmem:$0x1D000] =	vst v63  }
0x5e8: {  	s17 =	simm.s32 $0x13800  }
0x5e9: {  	[tilespmem:s17], [sflag:$0x3] =	stream.indirect_vreg.gather [hbm4b:s8+s4], $0x80, v3, vm0, $0xb8;
	[tilespmem:$0x1D000] =	vst v63  }
0x5ea: {  	s18 =	simm.s32 $0x14000  }
0x5eb: {  	[tilespmem:s18], [sflag:$0x3] =	stream.indirect_vreg.gather [hbm4b:s9+s4], $0x80, v3, vm0, $0xb8;
	[tilespmem:$0x1D000] =	vst v63  }
0x5ec: {  	s23 =	simm.s32 $0x2;
	s12 =	simm.s32 $0x14800  }
0x5ed: {  	[tilespmem:s12], [sflag:$0x3] =	stream.indirect_vreg.gather [hbm4b:s10+s4], $0x80, v3, vm0, $0xb8;
	[tilespmem:$0x1D000] =	vst v63  }
0x5ee: {  	_ =	swait.ge [sflag:s23], $0x4000  }
0x5ef: {  	[sflag:s23] =	ssyncset.done $0x0  }
0x5f0: {  	[sflag:s23] =	ssyncadd.s32 $0xFFFFC000  }
0x5f1: {  	v3 =	vld [tilespmem:$0xC00];
	_ =	sdelay $0x4  }
0x5f2: {  	v50 =	vshll.u32 v3, $0x3  }
0x5f3: {  	v3 =	vand.u32 $0x7, v3;
	v4 =	vand.u32 $0xFFFFFFC0, v50  }
0x5f4: {  	v3 =	vor.u32 v3, v4  }
0x5f5: {  	v4 =	vperm.xlane v3, v0;
	_ =	sdelay $0x1  }
0x5f6: {  	v4 =	vadd.s32 v1, v4;
	_ =	sdelay $0x4  }
0x5f7: {  	[hbm4b:s3+s4] =	stream.indirect_vreg.scatter [tilespmem:s1], [sflag:$0x6], $0x80, v4, vm0, $0xb8;
	[tilespmem:$0x1D000] =	vst v63  }
0x5f8: {  	v3 =	vperm.xlane v3, v2  }
0x5f9: {  	[hbm4b:s5+s4] =	stream.indirect_vreg.scatter [tilespmem:s25], [sflag:$0x6], $0x80, v4, vm0, $0xb8;
	[tilespmem:$0x1D000] =	vst v63  }
0x5fa: {  	v3 =	vadd.s32 v1, v3  }
0x5fb: {  	[hbm4b:s6+s4] =	stream.indirect_vreg.scatter [tilespmem:s22], [sflag:$0x6], $0x80, v4, vm0, $0xb8;
	[tilespmem:$0x1D000] =	vst v63  }
0x5fc: {  	_ = 	snop  }
0x5fd: {  	[hbm4b:s7+s4] =	stream.indirect_vreg.scatter [tilespmem:s20], [sflag:$0x6], $0x80, v4, vm0, $0xb8;
	[tilespmem:$0x1D000] =	vst v63  }
0x5fe: {  	_ = 	snop  }
0x5ff: {  	[hbm4b:s3+s4] =	stream.indirect_vreg.scatter [tilespmem:s21], [sflag:$0x6], $0x80, v3, vm0, $0xb8;
	[tilespmem:$0x1D000] =	vst v63  }
0x600: {  	_ = 	snop  }
0x601: {  	[hbm4b:s5+s4] =	stream.indirect_vreg.scatter [tilespmem:s30], [sflag:$0x6], $0x80, v3, vm0, $0xb8;
	[tilespmem:$0x1D000] =	vst v63  }
0x602: {  	_ = 	snop  }
0x603: {  	[hbm4b:s6+s4] =	stream.indirect_vreg.scatter [tilespmem:s28], [sflag:$0x6], $0x80, v3, vm0, $0xb8;
	[tilespmem:$0x1D000] =	vst v63  }
0x604: {  	s2 =	simm.s32 $0x8  }
0x605: {  	[hbm4b:s7+s4] =	stream.indirect_vreg.scatter [tilespmem:s16], [sflag:$0x6], $0x80, v3, vm0, $0xb8;
	[tilespmem:$0x1D000] =	vst v63  }
0x606: {  	_ =	swait.ge [sflag:s2], $0x4000  }
0x607: {  	[sflag:s2] =	ssyncset.done $0x0  }
0x608: {  	[sflag:s2] =	ssyncadd.s32 $0xFFFFC000  }
0x609: {  	v3 =	vld [tilespmem:$0xD00];
	_ =	sdelay $0x4  }
0x60a: {  	v51 =	vshll.u32 v3, $0x3  }
0x60b: {  	v3 =	vand.u32 $0x7, v3;
	v4 =	vand.u32 $0xFFFFFFC0, v51  }
0x60c: {  	v3 =	vor.u32 v3, v4  }
0x60d: {  	v4 =	vperm.xlane v3, v0;
	_ =	sdelay $0x1  }
0x60e: {  	v4 =	vadd.s32 v1, v4;
	_ =	sdelay $0x3  }
0x60f: {  	s16 =	simm.s32 $0x15000  }
0x610: {  	[tilespmem:s16], [sflag:$0x4] =	stream.indirect_vreg.gather [hbm4b:s0+s4], $0x80, v4, vm0, $0xb8;
	[tilespmem:$0x1D000] =	vst v63  }
0x611: {  	s18 =	simm.s32 $0x15800;
	v3 =	vperm.xlane v3, v2  }
0x612: {  	[tilespmem:s18], [sflag:$0x4] =	stream.indirect_vreg.gather [hbm4b:s8+s4], $0x80, v4, vm0, $0xb8;
	[tilespmem:$0x1D000] =	vst v63  }
0x613: {  	s17 =	simm.s32 $0x16000;
	v3 =	vadd.s32 v1, v3  }
0x614: {  	[tilespmem:s17], [sflag:$0x4] =	stream.indirect_vreg.gather [hbm4b:s9+s4], $0x80, v4, vm0, $0xb8;
	[tilespmem:$0x1D000] =	vst v63  }
0x615: {  	s20 =	simm.s32 $0x16800  }
0x616: {  	[tilespmem:s20], [sflag:$0x4] =	stream.indirect_vreg.gather [hbm4b:s10+s4], $0x80, v4, vm0, $0xb8;
	[tilespmem:$0x1D000] =	vst v63  }
0x617: {  	s21 =	simm.s32 $0x17000  }
0x618: {  	[tilespmem:s21], [sflag:$0x4] =	stream.indirect_vreg.gather [hbm4b:s0+s4], $0x80, v3, vm0, $0xb8;
	[tilespmem:$0x1D000] =	vst v63  }
0x619: {  	s22 =	simm.s32 $0x17800  }
0x61a: {  	[tilespmem:s22], [sflag:$0x4] =	stream.indirect_vreg.gather [hbm4b:s8+s4], $0x80, v3, vm0, $0xb8;
	[tilespmem:$0x1D000] =	vst v63  }
0x61b: {  	s25 =	simm.s32 $0x18000  }
0x61c: {  	[tilespmem:s25], [sflag:$0x4] =	stream.indirect_vreg.gather [hbm4b:s9+s4], $0x80, v3, vm0, $0xb8;
	[tilespmem:$0x1D000] =	vst v63  }
0x61d: {  	s11 =	simm.s32 $0x3;
	s2 =	simm.s32 $0x18800  }
0x61e: {  	[tilespmem:s2], [sflag:$0x4] =	stream.indirect_vreg.gather [hbm4b:s10+s4], $0x80, v3, vm0, $0xb8;
	[tilespmem:$0x1D000] =	vst v63  }
0x61f: {  	_ =	swait.ge [sflag:s11], $0x4000  }
0x620: {  	[sflag:s11] =	ssyncset.done $0x0  }
0x621: {  	[sflag:s11] =	ssyncadd.s32 $0xFFFFC000  }
0x622: {  	v3 =	vld [tilespmem:$0xC80];
	_ =	sdelay $0x4  }
0x623: {  	v52 =	vshll.u32 v3, $0x3  }
0x624: {  	v3 =	vand.u32 $0x7, v3;
	v4 =	vand.u32 $0xFFFFFFC0, v52  }
0x625: {  	v3 =	vor.u32 v3, v4  }
0x626: {  	v4 =	vperm.xlane v3, v0;
	_ =	sdelay $0x1  }
0x627: {  	v4 =	vadd.s32 v1, v4;
	_ =	sdelay $0x3  }
0x628: {  	s28 =	simm.s32 $0x11000  }
0x629: {  	[hbm4b:s3+s4] =	stream.indirect_vreg.scatter [tilespmem:s28], [sflag:$0x7], $0x80, v4, vm0, $0xb8;
	[tilespmem:$0x1D000] =	vst v63  }
0x62a: {  	s30 =	simm.s32 $0x11800;
	v3 =	vperm.xlane v3, v2  }
0x62b: {  	[hbm4b:s5+s4] =	stream.indirect_vreg.scatter [tilespmem:s30], [sflag:$0x7], $0x80, v4, vm0, $0xb8;
	[tilespmem:$0x1D000] =	vst v63  }
0x62c: {  	v3 =	vadd.s32 v1, v3  }
0x62d: {  	[hbm4b:s6+s4] =	stream.indirect_vreg.scatter [tilespmem:s31], [sflag:$0x7], $0x80, v4, vm0, $0xb8;
	[tilespmem:$0x1D000] =	vst v63  }
0x62e: {  	_ = 	snop  }
0x62f: {  	[hbm4b:s7+s4] =	stream.indirect_vreg.scatter [tilespmem:s29], [sflag:$0x7], $0x80, v4, vm0, $0xb8;
	[tilespmem:$0x1D000] =	vst v63  }
0x630: {  	s15 =	simm.s32 $0x13000  }
0x631: {  	[hbm4b:s3+s4] =	stream.indirect_vreg.scatter [tilespmem:s15], [sflag:$0x7], $0x80, v3, vm0, $0xb8;
	[tilespmem:$0x1D000] =	vst v63  }
0x632: {  	s31 =	simm.s32 $0x13800  }
0x633: {  	[hbm4b:s5+s4] =	stream.indirect_vreg.scatter [tilespmem:s31], [sflag:$0x7], $0x80, v3, vm0, $0xb8;
	[tilespmem:$0x1D000] =	vst v63  }
0x634: {  	s11 =	simm.s32 $0x14000  }
0x635: {  	[hbm4b:s6+s4] =	stream.indirect_vreg.scatter [tilespmem:s11], [sflag:$0x7], $0x80, v3, vm0, $0xb8;
	[tilespmem:$0x1D000] =	vst v63  }
0x636: {  	_ = 	snop  }
0x637: {  	[hbm4b:s7+s4] =	stream.indirect_vreg.scatter [tilespmem:s12], [sflag:$0x7], $0x80, v3, vm0, $0xb8;
	[tilespmem:$0x1D000] =	vst v63  }
0x638: {  	_ =	swait.ge [sflag:s24], $0x4000  }
0x639: {  	[sflag:s24] =	ssyncset.done $0x0  }
0x63a: {  	[sflag:s24] =	ssyncadd.s32 $0xFFFFC000  }
0x63b: {  	v3 =	vld [tilespmem:$0xD80];
	_ =	sdelay $0x4  }
0x63c: {  	v53 =	vshll.u32 v3, $0x3  }
0x63d: {  	v3 =	vand.u32 $0x7, v3;
	v4 =	vand.u32 $0xFFFFFFC0, v53  }
0x63e: {  	v3 =	vor.u32 v3, v4  }
0x63f: {  	v4 =	vperm.xlane v3, v0;
	_ =	sdelay $0x1  }
0x640: {  	v4 =	vadd.s32 v1, v4;
	_ =	sdelay $0x4  }
0x641: {  	[tilespmem:s13], [sflag:$0x5] =	stream.indirect_vreg.gather [hbm4b:s0+s4], $0x80, v4, vm0, $0xb8;
	[tilespmem:$0x1D000] =	vst v63  }
0x642: {  	v3 =	vperm.xlane v3, v2  }
0x643: {  	[tilespmem:s19], [sflag:$0x5] =	stream.indirect_vreg.gather [hbm4b:s8+s4], $0x80, v4, vm0, $0xb8;
	[tilespmem:$0x1D000] =	vst v63  }
0x644: {  	v3 =	vadd.s32 v1, v3  }
0x645: {  	[tilespmem:s14], [sflag:$0x5] =	stream.indirect_vreg.gather [hbm4b:s9+s4], $0x80, v4, vm0, $0xb8;
	[tilespmem:$0x1D000] =	vst v63  }
0x646: {  	s12 =	simm.s32 $0x1A800  }
0x647: {  	[tilespmem:s12], [sflag:$0x5] =	stream.indirect_vreg.gather [hbm4b:s10+s4], $0x80, v4, vm0, $0xb8;
	[tilespmem:$0x1D000] =	vst v63  }
0x648: {  	s14 =	simm.s32 $0x1B000  }
0x649: {  	[tilespmem:s14], [sflag:$0x5] =	stream.indirect_vreg.gather [hbm4b:s0+s4], $0x80, v3, vm0, $0xb8;
	[tilespmem:$0x1D000] =	vst v63  }
0x64a: {  	s11 =	simm.s32 $0x1B800  }
0x64b: {  	[tilespmem:s11], [sflag:$0x5] =	stream.indirect_vreg.gather [hbm4b:s8+s4], $0x80, v3, vm0, $0xb8;
	[tilespmem:$0x1D000] =	vst v63  }
0x64c: {  	s12 =	simm.s32 $0x1C000  }
0x64d: {  	[tilespmem:s12], [sflag:$0x5] =	stream.indirect_vreg.gather [hbm4b:s9+s4], $0x80, v3, vm0, $0xb8;
	[tilespmem:$0x1D000] =	vst v63  }
0x64e: {  	s28 =	simm.s32 $0x4;
	s15 =	simm.s32 $0x1C800  }
0x64f: {  	[tilespmem:s15], [sflag:$0x5] =	stream.indirect_vreg.gather [hbm4b:s10+s4], $0x80, v3, vm0, $0xb8;
	[tilespmem:$0x1D000] =	vst v63  }
0x650: {  	_ =	swait.ge [sflag:s28], $0x4000  }
0x651: {  	[sflag:s28] =	ssyncset.done $0x0  }
0x652: {  	[sflag:s28] =	ssyncadd.s32 $0xFFFFC000  }
0x653: {  	v3 =	vld [tilespmem:$0xD00];
	_ =	sdelay $0x4  }
0x654: {  	v54 =	vshll.u32 v3, $0x3  }
0x655: {  	v3 =	vand.u32 $0x7, v3;
	v4 =	vand.u32 $0xFFFFFFC0, v54  }
0x656: {  	v3 =	vor.u32 v3, v4  }
0x657: {  	v4 =	vperm.xlane v3, v0;
	_ =	sdelay $0x1  }
0x658: {  	v4 =	vadd.s32 v1, v4;
	_ =	sdelay $0x4  }
0x659: {  	[hbm4b:s3+s4] =	stream.indirect_vreg.scatter [tilespmem:s16], [sflag:$0x8], $0x80, v4, vm0, $0xb8;
	[tilespmem:$0x1D000] =	vst v63  }
0x65a: {  	v3 =	vperm.xlane v3, v2  }
0x65b: {  	[hbm4b:s5+s4] =	stream.indirect_vreg.scatter [tilespmem:s18], [sflag:$0x8], $0x80, v4, vm0, $0xb8;
	[tilespmem:$0x1D000] =	vst v63  }
0x65c: {  	v3 =	vadd.s32 v1, v3  }
0x65d: {  	[hbm4b:s6+s4] =	stream.indirect_vreg.scatter [tilespmem:s17], [sflag:$0x8], $0x80, v4, vm0, $0xb8;
	[tilespmem:$0x1D000] =	vst v63  }
0x65e: {  	_ = 	snop  }
0x65f: {  	[hbm4b:s7+s4] =	stream.indirect_vreg.scatter [tilespmem:s20], [sflag:$0x8], $0x80, v4, vm0, $0xb8;
	[tilespmem:$0x1D000] =	vst v63  }
0x660: {  	_ = 	snop  }
0x661: {  	[hbm4b:s3+s4] =	stream.indirect_vreg.scatter [tilespmem:s21], [sflag:$0x8], $0x80, v3, vm0, $0xb8;
	[tilespmem:$0x1D000] =	vst v63  }
0x662: {  	_ = 	snop  }
0x663: {  	[hbm4b:s5+s4] =	stream.indirect_vreg.scatter [tilespmem:s22], [sflag:$0x8], $0x80, v3, vm0, $0xb8;
	[tilespmem:$0x1D000] =	vst v63  }
0x664: {  	_ = 	snop  }
0x665: {  	[hbm4b:s6+s4] =	stream.indirect_vreg.scatter [tilespmem:s25], [sflag:$0x8], $0x80, v3, vm0, $0xb8;
	[tilespmem:$0x1D000] =	vst v63  }
0x666: {  	_ = 	snop  }
0x667: {  	[hbm4b:s7+s4] =	stream.indirect_vreg.scatter [tilespmem:s2], [sflag:$0x8], $0x80, v3, vm0, $0xb8;
	[tilespmem:$0x1D000] =	vst v63  }
0x668: {  	_ =	swait.ge [sflag:s26], $0x4000  }
0x669: {  	[sflag:s26] =	ssyncset.done $0x0  }
0x66a: {  	[sflag:s26] =	ssyncadd.s32 $0xFFFFC000  }
0x66b: {  	v3 =	vld [tilespmem:$0xE00];
	_ =	sdelay $0x4  }
0x66c: {  	v55 =	vshll.u32 v3, $0x3  }
0x66d: {  	v3 =	vand.u32 $0x7, v3;
	v4 =	vand.u32 $0xFFFFFFC0, v55  }
0x66e: {  	v3 =	vor.u32 v3, v4  }
0x66f: {  	v4 =	vperm.xlane v3, v0;
	_ =	sdelay $0x1  }
0x670: {  	v4 =	vadd.s32 v1, v4;
	_ =	sdelay $0x3  }
0x671: {  	s20 =	simm.s32 $0xD000  }
0x672: {  	[tilespmem:s20], [sflag:$0x2] =	stream.indirect_vreg.gather [hbm4b:s0+s4], $0x80, v4, vm0, $0xb8;
	[tilespmem:$0x1D000] =	vst v63  }
0x673: {  	s21 =	simm.s32 $0xD800;
	v3 =	vperm.xlane v3, v2  }
0x674: {  	[tilespmem:s21], [sflag:$0x2] =	stream.indirect_vreg.gather [hbm4b:s8+s4], $0x80, v4, vm0, $0xb8;
	[tilespmem:$0x1D000] =	vst v63  }
0x675: {  	s22 =	simm.s32 $0xE000;
	v3 =	vadd.s32 v1, v3  }
0x676: {  	[tilespmem:s22], [sflag:$0x2] =	stream.indirect_vreg.gather [hbm4b:s9+s4], $0x80, v4, vm0, $0xb8;
	[tilespmem:$0x1D000] =	vst v63  }
0x677: {  	s14 =	simm.s32 $0xE800  }
0x678: {  	[tilespmem:s14], [sflag:$0x2] =	stream.indirect_vreg.gather [hbm4b:s10+s4], $0x80, v4, vm0, $0xb8;
	[tilespmem:$0x1D000] =	vst v63  }
0x679: {  	s15 =	simm.s32 $0xF000  }
0x67a: {  	[tilespmem:s15], [sflag:$0x2] =	stream.indirect_vreg.gather [hbm4b:s0+s4], $0x80, v3, vm0, $0xb8;
	[tilespmem:$0x1D000] =	vst v63  }
0x67b: {  	s16 =	simm.s32 $0xF800  }
0x67c: {  	[tilespmem:s16], [sflag:$0x2] =	stream.indirect_vreg.gather [hbm4b:s8+s4], $0x80, v3, vm0, $0xb8;
	[tilespmem:$0x1D000] =	vst v63  }
0x67d: {  	s25 =	simm.s32 $0x10000  }
0x67e: {  	[tilespmem:s25], [sflag:$0x2] =	stream.indirect_vreg.gather [hbm4b:s9+s4], $0x80, v3, vm0, $0xb8;
	[tilespmem:$0x1D000] =	vst v63  }
0x67f: {  	s1 =	simm.s32 $0x5;
	s17 =	simm.s32 $0x10800  }
0x680: {  	[tilespmem:s17], [sflag:$0x2] =	stream.indirect_vreg.gather [hbm4b:s10+s4], $0x80, v3, vm0, $0xb8;
	[tilespmem:$0x1D000] =	vst v63  }
0x681: {  	_ =	swait.ge [sflag:s1], $0x4000  }
0x682: {  	[sflag:s1] =	ssyncset.done $0x0  }
0x683: {  	[sflag:s1] =	ssyncadd.s32 $0xFFFFC000  }
0x684: {  	v3 =	vld [tilespmem:$0xD80];
	_ =	sdelay $0x4  }
0x685: {  	v56 =	vshll.u32 v3, $0x3  }
0x686: {  	v3 =	vand.u32 $0x7, v3;
	v4 =	vand.u32 $0xFFFFFFC0, v56  }
0x687: {  	v3 =	vor.u32 v3, v4  }
0x688: {  	v4 =	vperm.xlane v3, v0;
	_ =	sdelay $0x1  }
0x689: {  	v4 =	vadd.s32 v1, v4;
	_ =	sdelay $0x3  }
0x68a: {  	s31 =	simm.s32 $0x19000  }
0x68b: {  	[hbm4b:s3+s4] =	stream.indirect_vreg.scatter [tilespmem:s31], [sflag:$0x9], $0x80, v4, vm0, $0xb8;
	[tilespmem:$0x1D000] =	vst v63  }
0x68c: {  	s13 =	simm.s32 $0x19800;
	v3 =	vperm.xlane v3, v2  }
0x68d: {  	[hbm4b:s5+s4] =	stream.indirect_vreg.scatter [tilespmem:s13], [sflag:$0x9], $0x80, v4, vm0, $0xb8;
	[tilespmem:$0x1D000] =	vst v63  }
0x68e: {  	s19 =	simm.s32 $0x1A000;
	v3 =	vadd.s32 v1, v3  }
0x68f: {  	[hbm4b:s6+s4] =	stream.indirect_vreg.scatter [tilespmem:s19], [sflag:$0x9], $0x80, v4, vm0, $0xb8;
	[tilespmem:$0x1D000] =	vst v63  }
0x690: {  	s29 =	simm.s32 $0x1A800  }
0x691: {  	[hbm4b:s7+s4] =	stream.indirect_vreg.scatter [tilespmem:s29], [sflag:$0x9], $0x80, v4, vm0, $0xb8;
	[tilespmem:$0x1D000] =	vst v63  }
0x692: {  	s18 =	simm.s32 $0x1B000  }
0x693: {  	[hbm4b:s3+s4] =	stream.indirect_vreg.scatter [tilespmem:s18], [sflag:$0x9], $0x80, v3, vm0, $0xb8;
	[tilespmem:$0x1D000] =	vst v63  }
0x694: {  	_ = 	snop  }
0x695: {  	[hbm4b:s5+s4] =	stream.indirect_vreg.scatter [tilespmem:s11], [sflag:$0x9], $0x80, v3, vm0, $0xb8;
	[tilespmem:$0x1D000] =	vst v63  }
0x696: {  	_ = 	snop  }
0x697: {  	[hbm4b:s6+s4] =	stream.indirect_vreg.scatter [tilespmem:s12], [sflag:$0x9], $0x80, v3, vm0, $0xb8;
	[tilespmem:$0x1D000] =	vst v63  }
0x698: {  	s30 =	simm.s32 $0x1C800;
	s19 =	simm.s32 $0x7  }
0x699: {  	[hbm4b:s7+s4] =	stream.indirect_vreg.scatter [tilespmem:s30], [sflag:$0x9], $0x80, v3, vm0, $0xb8;
	[tilespmem:$0x1D000] =	vst v63  }
0x69a: {  	_ =	swait.ge [sflag:s19], $0x4000  }
0x69b: {  	[sflag:s19] =	ssyncset.done $0x0  }
0x69c: {  	[sflag:s19] =	ssyncadd.s32 $0xFFFFC000  }
0x69d: {  	v3 =	vld [tilespmem:$0xE80];
	_ =	sdelay $0x4  }
0x69e: {  	v57 =	vshll.u32 v3, $0x3  }
0x69f: {  	v3 =	vand.u32 $0x7, v3;
	v4 =	vand.u32 $0xFFFFFFC0, v57  }
0x6a0: {  	v3 =	vor.u32 v3, v4  }
0x6a1: {  	v4 =	vperm.xlane v3, v0;
	_ =	sdelay $0x1  }
0x6a2: {  	v4 =	vadd.s32 v1, v4;
	_ =	sdelay $0x3  }
0x6a3: {  	s11 =	simm.s32 $0x11000  }
0x6a4: {  	[tilespmem:s11], [sflag:$0x3] =	stream.indirect_vreg.gather [hbm4b:s0+s4], $0x80, v4, vm0, $0xb8;
	[tilespmem:$0x1D000] =	vst v63  }
0x6a5: {  	s12 =	simm.s32 $0x11800;
	v3 =	vperm.xlane v3, v2  }
0x6a6: {  	[tilespmem:s12], [sflag:$0x3] =	stream.indirect_vreg.gather [hbm4b:s8+s4], $0x80, v4, vm0, $0xb8;
	[tilespmem:$0x1D000] =	vst v63  }
0x6a7: {  	s18 =	simm.s32 $0x12000;
	v3 =	vadd.s32 v1, v3  }
0x6a8: {  	[tilespmem:s18], [sflag:$0x3] =	stream.indirect_vreg.gather [hbm4b:s9+s4], $0x80, v4, vm0, $0xb8;
	[tilespmem:$0x1D000] =	vst v63  }
0x6a9: {  	s19 =	simm.s32 $0x12800  }
0x6aa: {  	[tilespmem:s19], [sflag:$0x3] =	stream.indirect_vreg.gather [hbm4b:s10+s4], $0x80, v4, vm0, $0xb8;
	[tilespmem:$0x1D000] =	vst v63  }
0x6ab: {  	s1 =	simm.s32 $0x13000  }
0x6ac: {  	[tilespmem:s1], [sflag:$0x3] =	stream.indirect_vreg.gather [hbm4b:s0+s4], $0x80, v3, vm0, $0xb8;
	[tilespmem:$0x1D000] =	vst v63  }
0x6ad: {  	s2 =	simm.s32 $0x13800  }
0x6ae: {  	[tilespmem:s2], [sflag:$0x3] =	stream.indirect_vreg.gather [hbm4b:s8+s4], $0x80, v3, vm0, $0xb8;
	[tilespmem:$0x1D000] =	vst v63  }
0x6af: {  	s31 =	simm.s32 $0x14000  }
0x6b0: {  	[tilespmem:s31], [sflag:$0x3] =	stream.indirect_vreg.gather [hbm4b:s9+s4], $0x80, v3, vm0, $0xb8;
	[tilespmem:$0x1D000] =	vst v63  }
0x6b1: {  	s13 =	simm.s32 $0x2;
	s30 =	simm.s32 $0x14800  }
0x6b2: {  	[tilespmem:s30], [sflag:$0x3] =	stream.indirect_vreg.gather [hbm4b:s10+s4], $0x80, v3, vm0, $0xb8;
	[tilespmem:$0x1D000] =	vst v63  }
0x6b3: {  	_ =	swait.ge [sflag:s13], $0x4000  }
0x6b4: {  	[sflag:s13] =	ssyncset.done $0x0  }
0x6b5: {  	[sflag:s13] =	ssyncadd.s32 $0xFFFFC000  }
0x6b6: {  	v3 =	vld [tilespmem:$0xE00];
	_ =	sdelay $0x4  }
0x6b7: {  	v58 =	vshll.u32 v3, $0x3  }
0x6b8: {  	v3 =	vand.u32 $0x7, v3;
	v4 =	vand.u32 $0xFFFFFFC0, v58  }
0x6b9: {  	v3 =	vor.u32 v3, v4  }
0x6ba: {  	v4 =	vperm.xlane v3, v0;
	_ =	sdelay $0x1  }
0x6bb: {  	v4 =	vadd.s32 v1, v4;
	_ =	sdelay $0x4  }
0x6bc: {  	[hbm4b:s3+s4] =	stream.indirect_vreg.scatter [tilespmem:s20], [sflag:$0x6], $0x80, v4, vm0, $0xb8;
	[tilespmem:$0x1D000] =	vst v63  }
0x6bd: {  	v3 =	vperm.xlane v3, v2  }
0x6be: {  	[hbm4b:s5+s4] =	stream.indirect_vreg.scatter [tilespmem:s21], [sflag:$0x6], $0x80, v4, vm0, $0xb8;
	[tilespmem:$0x1D000] =	vst v63  }
0x6bf: {  	v3 =	vadd.s32 v1, v3  }
0x6c0: {  	[hbm4b:s6+s4] =	stream.indirect_vreg.scatter [tilespmem:s22], [sflag:$0x6], $0x80, v4, vm0, $0xb8;
	[tilespmem:$0x1D000] =	vst v63  }
0x6c1: {  	_ = 	snop  }
0x6c2: {  	[hbm4b:s7+s4] =	stream.indirect_vreg.scatter [tilespmem:s14], [sflag:$0x6], $0x80, v4, vm0, $0xb8;
	[tilespmem:$0x1D000] =	vst v63  }
0x6c3: {  	_ = 	snop  }
0x6c4: {  	[hbm4b:s3+s4] =	stream.indirect_vreg.scatter [tilespmem:s15], [sflag:$0x6], $0x80, v3, vm0, $0xb8;
	[tilespmem:$0x1D000] =	vst v63  }
0x6c5: {  	_ = 	snop  }
0x6c6: {  	[hbm4b:s5+s4] =	stream.indirect_vreg.scatter [tilespmem:s16], [sflag:$0x6], $0x80, v3, vm0, $0xb8;
	[tilespmem:$0x1D000] =	vst v63  }
0x6c7: {  	_ = 	snop  }
0x6c8: {  	[hbm4b:s6+s4] =	stream.indirect_vreg.scatter [tilespmem:s25], [sflag:$0x6], $0x80, v3, vm0, $0xb8;
	[tilespmem:$0x1D000] =	vst v63  }
0x6c9: {  	s23 =	simm.s32 $0x8  }
0x6ca: {  	[hbm4b:s7+s4] =	stream.indirect_vreg.scatter [tilespmem:s17], [sflag:$0x6], $0x80, v3, vm0, $0xb8;
	[tilespmem:$0x1D000] =	vst v63  }
0x6cb: {  	_ =	swait.ge [sflag:s23], $0x4000  }
0x6cc: {  	[sflag:s23] =	ssyncset.done $0x0  }
0x6cd: {  	[sflag:s23] =	ssyncadd.s32 $0xFFFFC000  }
0x6ce: {  	v3 =	vld [tilespmem:$0xF00];
	_ =	sdelay $0x4  }
0x6cf: {  	v59 =	vshll.u32 v3, $0x3  }
0x6d0: {  	v3 =	vand.u32 $0x7, v3;
	v4 =	vand.u32 $0xFFFFFFC0, v59  }
0x6d1: {  	v3 =	vor.u32 v3, v4  }
0x6d2: {  	v4 =	vperm.xlane v3, v0;
	_ =	sdelay $0x1  }
0x6d3: {  	v4 =	vadd.s32 v1, v4;
	_ =	sdelay $0x3  }
0x6d4: {  	s13 =	simm.s32 $0x15000  }
0x6d5: {  	[tilespmem:s13], [sflag:$0x4] =	stream.indirect_vreg.gather [hbm4b:s0+s4], $0x80, v4, vm0, $0xb8;
	[tilespmem:$0x1D000] =	vst v63  }
0x6d6: {  	s25 =	simm.s32 $0x15800;
	v3 =	vperm.xlane v3, v2  }
0x6d7: {  	[tilespmem:s25], [sflag:$0x4] =	stream.indirect_vreg.gather [hbm4b:s8+s4], $0x80, v4, vm0, $0xb8;
	[tilespmem:$0x1D000] =	vst v63  }
0x6d8: {  	s14 =	simm.s32 $0x16000;
	v3 =	vadd.s32 v1, v3  }
0x6d9: {  	[tilespmem:s14], [sflag:$0x4] =	stream.indirect_vreg.gather [hbm4b:s9+s4], $0x80, v4, vm0, $0xb8;
	[tilespmem:$0x1D000] =	vst v63  }
0x6da: {  	s15 =	simm.s32 $0x16800  }
0x6db: {  	[tilespmem:s15], [sflag:$0x4] =	stream.indirect_vreg.gather [hbm4b:s10+s4], $0x80, v4, vm0, $0xb8;
	[tilespmem:$0x1D000] =	vst v63  }
0x6dc: {  	s16 =	simm.s32 $0x17000  }
0x6dd: {  	[tilespmem:s16], [sflag:$0x4] =	stream.indirect_vreg.gather [hbm4b:s0+s4], $0x80, v3, vm0, $0xb8;
	[tilespmem:$0x1D000] =	vst v63  }
0x6de: {  	s17 =	simm.s32 $0x17800  }
0x6df: {  	[tilespmem:s17], [sflag:$0x4] =	stream.indirect_vreg.gather [hbm4b:s8+s4], $0x80, v3, vm0, $0xb8;
	[tilespmem:$0x1D000] =	vst v63  }
0x6e0: {  	s20 =	simm.s32 $0x18000  }
0x6e1: {  	[tilespmem:s20], [sflag:$0x4] =	stream.indirect_vreg.gather [hbm4b:s9+s4], $0x80, v3, vm0, $0xb8;
	[tilespmem:$0x1D000] =	vst v63  }
0x6e2: {  	s21 =	simm.s32 $0x18800;
	s25 =	simm.s32 $0x3  }
0x6e3: {  	[tilespmem:s21], [sflag:$0x4] =	stream.indirect_vreg.gather [hbm4b:s10+s4], $0x80, v3, vm0, $0xb8;
	[tilespmem:$0x1D000] =	vst v63  }
0x6e4: {  	_ =	swait.ge [sflag:s25], $0x4000  }
0x6e5: {  	[sflag:s25] =	ssyncset.done $0x0  }
0x6e6: {  	[sflag:s25] =	ssyncadd.s32 $0xFFFFC000  }
0x6e7: {  	v3 =	vld [tilespmem:$0xE80];
	_ =	sdelay $0x4  }
0x6e8: {  	v60 =	vshll.u32 v3, $0x3  }
0x6e9: {  	v3 =	vand.u32 $0x7, v3;
	v4 =	vand.u32 $0xFFFFFFC0, v60  }
0x6ea: {  	v3 =	vor.u32 v3, v4  }
0x6eb: {  	v4 =	vperm.xlane v3, v0;
	_ =	sdelay $0x1  }
0x6ec: {  	v4 =	vadd.s32 v1, v4;
	_ =	sdelay $0x4  }
0x6ed: {  	[hbm4b:s3+s4] =	stream.indirect_vreg.scatter [tilespmem:s11], [sflag:$0x7], $0x80, v4, vm0, $0xb8;
	[tilespmem:$0x1D000] =	vst v63  }
0x6ee: {  	v3 =	vperm.xlane v3, v2  }
0x6ef: {  	[hbm4b:s5+s4] =	stream.indirect_vreg.scatter [tilespmem:s12], [sflag:$0x7], $0x80, v4, vm0, $0xb8;
	[tilespmem:$0x1D000] =	vst v63  }
0x6f0: {  	v3 =	vadd.s32 v1, v3  }
0x6f1: {  	[hbm4b:s6+s4] =	stream.indirect_vreg.scatter [tilespmem:s18], [sflag:$0x7], $0x80, v4, vm0, $0xb8;
	[tilespmem:$0x1D000] =	vst v63  }
0x6f2: {  	_ = 	snop  }
0x6f3: {  	[hbm4b:s7+s4] =	stream.indirect_vreg.scatter [tilespmem:s19], [sflag:$0x7], $0x80, v4, vm0, $0xb8;
	[tilespmem:$0x1D000] =	vst v63  }
0x6f4: {  	_ = 	snop  }
0x6f5: {  	[hbm4b:s3+s4] =	stream.indirect_vreg.scatter [tilespmem:s1], [sflag:$0x7], $0x80, v3, vm0, $0xb8;
	[tilespmem:$0x1D000] =	vst v63  }
0x6f6: {  	_ = 	snop  }
0x6f7: {  	[hbm4b:s5+s4] =	stream.indirect_vreg.scatter [tilespmem:s2], [sflag:$0x7], $0x80, v3, vm0, $0xb8;
	[tilespmem:$0x1D000] =	vst v63  }
0x6f8: {  	_ = 	snop  }
0x6f9: {  	[hbm4b:s6+s4] =	stream.indirect_vreg.scatter [tilespmem:s31], [sflag:$0x7], $0x80, v3, vm0, $0xb8;
	[tilespmem:$0x1D000] =	vst v63  }
0x6fa: {  	s30 =	simm.s32 $0x14800  }
0x6fb: {  	[hbm4b:s7+s4] =	stream.indirect_vreg.scatter [tilespmem:s30], [sflag:$0x7], $0x80, v3, vm0, $0xb8;
	[tilespmem:$0x1D000] =	vst v63  }
0x6fc: {  	_ =	swait.ge [sflag:s24], $0x4000  }
0x6fd: {  	[sflag:s24] =	ssyncset.done $0x0  }
0x6fe: {  	[sflag:s24] =	ssyncadd.s32 $0xFFFFC000  }
0x6ff: {  	v3 =	vld [tilespmem:$0xF80];
	_ =	sdelay $0x4  }
0x700: {  	v61 =	vshll.u32 v3, $0x3  }
0x701: {  	v3 =	vand.u32 $0x7, v3;
	v4 =	vand.u32 $0xFFFFFFC0, v61  }
0x702: {  	v3 =	vor.u32 v3, v4  }
0x703: {  	v4 =	vperm.xlane v3, v0;
	_ =	sdelay $0x1  }
0x704: {  	v4 =	vadd.s32 v1, v4;
	_ =	sdelay $0x3  }
0x705: {  	s18 =	simm.s32 $0x19000  }
0x706: {  	[tilespmem:s18], [sflag:$0x5] =	stream.indirect_vreg.gather [hbm4b:s0+s4], $0x80, v4, vm0, $0xb8;
	[tilespmem:$0x1D000] =	vst v63  }
0x707: {  	s19 =	simm.s32 $0x19800;
	v3 =	vperm.xlane v3, v2  }
0x708: {  	[tilespmem:s19], [sflag:$0x5] =	stream.indirect_vreg.gather [hbm4b:s8+s4], $0x80, v4, vm0, $0xb8;
	[tilespmem:$0x1D000] =	vst v63  }
0x709: {  	s25 =	simm.s32 $0x1A000;
	v3 =	vadd.s32 v1, v3  }
0x70a: {  	[tilespmem:s25], [sflag:$0x5] =	stream.indirect_vreg.gather [hbm4b:s9+s4], $0x80, v4, vm0, $0xb8;
	[tilespmem:$0x1D000] =	vst v63  }
0x70b: {  	s2 =	simm.s32 $0x1A800  }
0x70c: {  	[tilespmem:s2], [sflag:$0x5] =	stream.indirect_vreg.gather [hbm4b:s10+s4], $0x80, v4, vm0, $0xb8;
	[tilespmem:$0x1D000] =	vst v63  }
0x70d: {  	s29 =	simm.s32 $0x1B000  }
0x70e: {  	[tilespmem:s29], [sflag:$0x5] =	stream.indirect_vreg.gather [hbm4b:s0+s4], $0x80, v3, vm0, $0xb8;
	[tilespmem:$0x1D000] =	vst v63  }
0x70f: {  	s12 =	simm.s32 $0x1B800  }
0x710: {  	[tilespmem:s12], [sflag:$0x5] =	stream.indirect_vreg.gather [hbm4b:s8+s4], $0x80, v3, vm0, $0xb8;
	[tilespmem:$0x1D000] =	vst v63  }
0x711: {  	s1 =	simm.s32 $0x1C000  }
0x712: {  	[tilespmem:s1], [sflag:$0x5] =	stream.indirect_vreg.gather [hbm4b:s9+s4], $0x80, v3, vm0, $0xb8;
	[tilespmem:$0x1D000] =	vst v63  }
0x713: {  	s31 =	simm.s32 $0x4;
	s30 =	simm.s32 $0x1C800  }
0x714: {  	[tilespmem:s30], [sflag:$0x5] =	stream.indirect_vreg.gather [hbm4b:s10+s4], $0x80, v3, vm0, $0xb8;
	[tilespmem:$0x1D000] =	vst v63  }
0x715: {  	_ =	swait.ge [sflag:s31], $0x4000  }
0x716: {  	[sflag:s31] =	ssyncset.done $0x0  }
0x717: {  	[sflag:s31] =	ssyncadd.s32 $0xFFFFC000  }
0x718: {  	v3 =	vld [tilespmem:$0xF00];
	_ =	sdelay $0x4  }
0x719: {  	v62 =	vshll.u32 v3, $0x3  }
0x71a: {  	v3 =	vand.u32 $0x7, v3;
	v4 =	vand.u32 $0xFFFFFFC0, v62  }
0x71b: {  	v3 =	vor.u32 v3, v4  }
0x71c: {  	v4 =	vperm.xlane v3, v0;
	_ =	sdelay $0x1  }
0x71d: {  	v4 =	vadd.s32 v1, v4;
	_ =	sdelay $0x4  }
0x71e: {  	[hbm4b:s3+s4] =	stream.indirect_vreg.scatter [tilespmem:s13], [sflag:$0x8], $0x80, v4, vm0, $0xb8;
	[tilespmem:$0x1D000] =	vst v63  }
0x71f: {  	s22 =	simm.s32 $0x15800;
	v3 =	vperm.xlane v3, v2  }
0x720: {  	[hbm4b:s5+s4] =	stream.indirect_vreg.scatter [tilespmem:s22], [sflag:$0x8], $0x80, v4, vm0, $0xb8;
	[tilespmem:$0x1D000] =	vst v63  }
0x721: {  	v3 =	vadd.s32 v1, v3  }
0x722: {  	[hbm4b:s6+s4] =	stream.indirect_vreg.scatter [tilespmem:s14], [sflag:$0x8], $0x80, v4, vm0, $0xb8;
	[tilespmem:$0x1D000] =	vst v63  }
0x723: {  	_ = 	snop  }
0x724: {  	[hbm4b:s7+s4] =	stream.indirect_vreg.scatter [tilespmem:s15], [sflag:$0x8], $0x80, v4, vm0, $0xb8;
	[tilespmem:$0x1D000] =	vst v63  }
0x725: {  	_ = 	snop  }
0x726: {  	[hbm4b:s3+s4] =	stream.indirect_vreg.scatter [tilespmem:s16], [sflag:$0x8], $0x80, v3, vm0, $0xb8;
	[tilespmem:$0x1D000] =	vst v63  }
0x727: {  	_ = 	snop  }
0x728: {  	[hbm4b:s5+s4] =	stream.indirect_vreg.scatter [tilespmem:s17], [sflag:$0x8], $0x80, v3, vm0, $0xb8;
	[tilespmem:$0x1D000] =	vst v63  }
0x729: {  	_ = 	snop  }
0x72a: {  	[hbm4b:s6+s4] =	stream.indirect_vreg.scatter [tilespmem:s20], [sflag:$0x8], $0x80, v3, vm0, $0xb8;
	[tilespmem:$0x1D000] =	vst v63  }
0x72b: {  	s28 =	simm.s32 $0x5  }
0x72c: {  	[hbm4b:s7+s4] =	stream.indirect_vreg.scatter [tilespmem:s21], [sflag:$0x8], $0x80, v3, vm0, $0xb8;
	[tilespmem:$0x1D000] =	vst v63  }
0x72d: {  	_ =	swait.ge [sflag:s28], $0x4000  }
0x72e: {  	[sflag:s28] =	ssyncset.done $0x0  }
0x72f: {  	[sflag:s28] =	ssyncadd.s32 $0xFFFFC000  }
0x730: {  	v3 =	vld [tilespmem:$0xF80];
	_ =	sdelay $0x4  }
0x731: {  	v63 =	vshll.u32 v3, $0x3  }
0x732: {  	v3 =	vand.u32 $0x7, v3;
	v4 =	vand.u32 $0xFFFFFFC0, v63  }
0x733: {  	v3 =	vor.u32 v3, v4  }
0x734: {  	v4 =	vperm.xlane v3, v0;
	_ =	sdelay $0x1  }
0x735: {  	v4 =	vadd.s32 v1, v4;
	_ =	sdelay $0x4  }
0x736: {  	[hbm4b:s3+s4] =	stream.indirect_vreg.scatter [tilespmem:s18], [sflag:$0x9], $0x80, v4, vm0, $0xb8;
	[tilespmem:$0x1D000] =	vst v63  }
0x737: {  	v3 =	vperm.xlane v3, v2  }
0x738: {  	[hbm4b:s5+s4] =	stream.indirect_vreg.scatter [tilespmem:s19], [sflag:$0x9], $0x80, v4, vm0, $0xb8;
	[tilespmem:$0x1D000] =	vst v63  }
0x739: {  	v3 =	vadd.s32 v1, v3  }
0x73a: {  	[hbm4b:s6+s4] =	stream.indirect_vreg.scatter [tilespmem:s25], [sflag:$0x9], $0x80, v4, vm0, $0xb8;
	[tilespmem:$0x1D000] =	vst v63  }
0x73b: {  	_ = 	snop  }
0x73c: {  	[hbm4b:s7+s4] =	stream.indirect_vreg.scatter [tilespmem:s2], [sflag:$0x9], $0x80, v4, vm0, $0xb8;
	[tilespmem:$0x1D000] =	vst v63  }
0x73d: {  	_ = 	snop  }
0x73e: {  	[hbm4b:s3+s4] =	stream.indirect_vreg.scatter [tilespmem:s29], [sflag:$0x9], $0x80, v3, vm0, $0xb8;
	[tilespmem:$0x1D000] =	vst v63  }
0x73f: {  	_ = 	snop  }
0x740: {  	[hbm4b:s5+s4] =	stream.indirect_vreg.scatter [tilespmem:s12], [sflag:$0x9], $0x80, v3, vm0, $0xb8;
	[tilespmem:$0x1D000] =	vst v63  }
0x741: {  	_ = 	snop  }
0x742: {  	[hbm4b:s6+s4] =	stream.indirect_vreg.scatter [tilespmem:s1], [sflag:$0x9], $0x80, v3, vm0, $0xb8;
	[tilespmem:$0x1D000] =	vst v63  }
0x743: {  	s26 =	simm.s32 $0x7  }
0x744: {  	[hbm4b:s7+s4] =	stream.indirect_vreg.scatter [tilespmem:s30], [sflag:$0x9], $0x80, v3, vm0, $0xb8;
	[tilespmem:$0x1D000] =	vst v63  }
0x745: {  	_ =	swait.ge [sflag:s26], $0x4000  }
0x746: {  	[sflag:s26] =	ssyncset.done $0x0  }
0x747: {  	[sflag:s26] =	ssyncadd.s32 $0xFFFFC000  }
0x748: {  	_ =	swait.ge [sflag:s23], $0x4000  }
0x749: {  	[sflag:s23] =	ssyncset.done $0x0  }
0x74a: {  	[sflag:s23] =	ssyncadd.s32 $0xFFFFC000  }
0x74b: {  	_ =	swait.ge [sflag:s24], $0x4000  }
0x74c: {  	[sflag:s24] =	ssyncset.done $0x0  }
0x74d: {  	s30 =	simm.s32 $0x1;
	[sflag:s24] =	ssyncadd.s32 $0xFFFFC000  }
0x74e: {  	_ =	swait.ge [sflag:s30], $0xC000  }
0x74f: {  	[sflag:s30] =	ssyncset.done $0x0  }
0x750: {  	[sflag:s30] =	ssyncadd.s32 $0xFFFF4000  }
0x751: {  	_ =	swait.ge [sflag:s30], $0xC000  }
0x752: {  	[sflag:s30] =	ssyncset.done $0x0  }
0x753: {  	[sflag:s30] =	ssyncadd.s32 $0xFFFF4000  }
0x754: {  	_ =	swait.ge [sflag:s30], $0xC000  }
0x755: {  	[sflag:s30] =	ssyncset.done $0x0  }
0x756: {  	[sflag:s30] =	ssyncadd.s32 $0xFFFF4000  }
0x757: {  	_ =	swait.ge [sflag:s30], $0xC000  }
0x758: {  	[sflag:s30] =	ssyncset.done $0x0  }
0x759: {  	[sflag:s30] =	ssyncadd.s32 $0xFFFF4000  }
0x75a: {  	_ =	swait.ge [sflag:s30], $0xC000  }
0x75b: {  	[sflag:s30] =	ssyncset.done $0x0  }
0x75c: {  	[sflag:s30] =	ssyncadd.s32 $0xFFFF4000  }
0x75d: {  	_ =	swait.ge [sflag:s30], $0xC000  }
0x75e: {  	[sflag:s30] =	ssyncset.done $0x0  }
0x75f: {  	[sflag:s30] =	ssyncadd.s32 $0xFFFF4000  }
0x760: {  	_ =	swait.ge [sflag:s30], $0xC000  }
0x761: {  	[sflag:s30] =	ssyncset.done $0x0  }
0x762: {  	[sflag:s30] =	ssyncadd.s32 $0xFFFF4000  }
0x763: {  	_ =	swait.ge [sflag:s30], $0xC000  }
0x764: {  	[sflag:s30] =	ssyncset.done $0x0  }
0x765: {  	[sflag:s30] =	ssyncadd.s32 $0xFFFF4000  }
0x766: {  	_ =	swait.ge [sflag:s30], $0xC000  }
0x767: {  	[sflag:s30] =	ssyncset.done $0x0  }
0x768: {  	[sflag:s30] =	ssyncadd.s32 $0xFFFF4000  }
0x769: {  	_ =	swait.ge [sflag:s30], $0xC000  }
0x76a: {  	[sflag:s30] =	ssyncset.done $0x0  }
0x76b: {  	[sflag:s30] =	ssyncadd.s32 $0xFFFF4000  }
0x76c: {  	_ =	swait.ge [sflag:s30], $0xC000  }
0x76d: {  	[sflag:s30] =	ssyncset.done $0x0  }
0x76e: {  	[sflag:s30] =	ssyncadd.s32 $0xFFFF4000  }
0x76f: {  	_ =	swait.ge [sflag:s30], $0xC000  }
0x770: {  	[sflag:s30] =	ssyncset.done $0x0  }
0x771: {  	[sflag:s30] =	ssyncadd.s32 $0xFFFF4000  }
0x772: {  	_ =	swait.ge [sflag:s30], $0xC000  }
0x773: {  	[sflag:s30] =	ssyncset.done $0x0  }
0x774: {  	[sflag:s30] =	ssyncadd.s32 $0xFFFF4000  }
0x775: {  	_ =	swait.ge [sflag:s30], $0xC000  }
0x776: {  	[sflag:s30] =	ssyncset.done $0x0  }
0x777: {  	[sflag:s30] =	ssyncadd.s32 $0xFFFF4000  }
0x778: {  	_ =	swait.ge [sflag:s30], $0xC000  }
0x779: {  	[sflag:s30] =	ssyncset.done $0x0  }
0x77a: {  	[sflag:s30] =	ssyncadd.s32 $0xFFFF4000  }
0x77b: {  	_ =	swait.ge [sflag:s30], $0xC000  }
0x77c: {  	s31 =	rddreg [dreg:$0x8]  }
0x77d: {  	p0 =	sne.s32 s31, $0x1  }
.Ltmp0:
0x77e: {  	_ = 	snop;
	(pc) =	sbr.rel @p0 .LBB2_1-.Ltmp0, $3  }
0x77f: {  	_ =	sdelay $0x1  }
0x780: {  	[sflag:s30] =	ssyncset.done $0x0  }
0x781: {  	[sflag:s30] =	ssyncadd.s32 $0xFFFF4000;
	s1 =	sadd.s32 $0xFFFFFFFF, s31  }
0x782: {  	_ =	sfence.sel $0x180000  }
0x783: {  	[bflag:$0x0] =	sbarrier.arrive $0xFFFF  }
0x784: {  	_ =	strace $0x90000047  }
0x785: {  	s0 =	stileid.u32;
	[bflag:$0x2] =	sbarrier.arrive $0xFFFF  }
0x786: {  	p0 =	sne.s32 s0, $0x0;
	s0 =	rddreg [dreg:$0x3]  }
0x787: {  	s0 =	sadd.s32 @!p0 $0x100000, s0  }
0x788: {  	[sflag:s0] =	ssyncadd.tile.s32 @!p0 $0x1;
	_ =	shalt  }
.Lfunc_end2:
_tile_overlayer_lowered:
.L_overlay_start_2:
0x789: {  	(tag) =	ssettag $0x2  }
0x78a: {  	s0 =	rddreg [dreg:$0x0];
	s2 =	stileid.u32  }
0x78b: {  	s1 =	rddreg [dreg:$0x1];
	p0 =	sne.s32 s2, $0x0  }
0x78c: {  	s3 =	rddreg [dreg:$0x2];
	[bflag:$0x3] =	sbarrier.arrive $0xFFFF;
	s2 =	simm.s32 @!p0 $0x1C0A  }
0x78d: {  	[timem:s3], [sflag:s2] =	dma.local @!p0 [hbm:s0], s1  }
0x78e: {  	s0 =	simm.s32 @!p0 $0xA  }
0x78f: {  	_ =	swait.ge @!p0 [sflag:s0], s1  }
0x790: {  	s1 =	ssub.s32 @!p0 $0x0, s1;
	[sflag:s0] =	ssyncset.done @!p0 $0x0  }
0x791: {  	[sflag:s0] =	ssyncadd.s32 @!p0 s1  }
0x792: {  	[bflag:$0x3] =	sbarrier.arrive $0xFFFF  }
0x793: {  	_ =	shalt  }

</sc_bundles>
